<compile_context>
chip_gen: v7x
topology: tpu7x:2x2x1
jax: 0.10.2.dev20260603
libtpu: 0.0.44.dev20260713+nightly
codegen_flags: <defaults>
</compile_context>

<pallas_src>
import functools

import jax
import jax.numpy as jnp
import numpy as np
from jax import lax
from jax.experimental import pallas as pl
from jax.experimental.pallas import tpu as pltpu
from jax.experimental.pallas import tpu_sc as plsc

N = 10000
E = 320000
D = 128
H = 8
DH = 16
DFF = 3 * D

NC = 2
NS = 16
NW = NC * NS
NT = 10240
DUMMY = N
EW = 10240
EP = NW * EW
C = 32
NCHUNK = EW // C
AW = D + DH
RT = NT // NS


_LANE_OF_HEAD = [0, 8, 4, 12, 2, 10, 6, 14]


def _take16(v, idx):
    return lax.gather(v, idx.reshape(16, 1),
                      lax.GatherDimensionNumbers(offset_dims=(),
                                                 collapsed_slice_dims=(0,),
                                                 start_index_map=(0,)),
                      (1,), mode=lax.GatherScatterMode.PROMISE_IN_BOUNDS)


_take16_i = _take16


NTE = NT // 8
NTOT = NT + NTE
RTT = NTOT // NS


def _edge_body(qt, kvt, ec, acc_out,
               idxs0, idxs1, idxs2a, idxs2b, qbuf0, qbuf1, kvbuf0, kvbuf1,
               ebuf0, ebuf1, accA, sem_q0, sem_q1, sem_kv0, sem_kv1,
               sem_se0, sem_se1):
    c = lax.axis_index("c")
    s = lax.axis_index("s")
    wid = s * NC + c

    zeros16 = jnp.zeros((16,), jnp.float32)

    def _zrow(i, carry):
        for j in range(D // 16):
            ebuf0[i, pl.ds(j * 16, 16)] = zeros16
        return carry
    lax.fori_loop(0, C, _zrow, 0)
    sbase = s * RTT
    for t in range(RTT // C):
        pltpu.sync_copy(ebuf0, accA.at[pl.ds(sbase + t * C, C)])
    rem = RTT % C
    if rem:
        pltpu.sync_copy(ebuf0.at[pl.ds(0, rem)],
                        accA.at[pl.ds(sbase + RTT - rem, rem)])
    plsc.subcore_barrier()

    lane = lax.iota(jnp.int32, 16)
    ew_chunk = wid * NCHUNK
    bufs = ((idxs0, idxs2a, qbuf0, kvbuf0, ebuf0, sem_q0, sem_kv0, sem_se0),
            (idxs1, idxs2b, qbuf1, kvbuf1, ebuf1, sem_q1, sem_kv1, sem_se1))

    def prefetch(j, b):
        idxs, idxs2, qbuf, kvbuf, ebuf, sem_q, sem_kv, sem_se = bufs[b]
        pltpu.sync_copy(ec.at[ew_chunk + j], idxs)
        pltpu.async_copy(qt.at[idxs.at[0]], qbuf, sem_q)
        pltpu.async_copy(kvt.at[idxs.at[1]], kvbuf, sem_kv)

    def drain(b):
        idxs, idxs2, qbuf, kvbuf, ebuf, sem_q, sem_kv, sem_se = bufs[b]
        pltpu.make_async_copy(qt.at[pl.ds(0, C)], qbuf, sem_q).wait()
        pltpu.make_async_copy(kvt.at[pl.ds(0, C)], kvbuf, sem_kv).wait()

    def compute_scatter(b):
        idxs, idxs2, qbuf, kvbuf, ebuf, sem_q, sem_kv, sem_se = bufs[b]
        pltpu.make_async_copy(qt.at[pl.ds(0, C)], ebuf, sem_se).wait()
        for g in range(C // 16):
            idxs2[0, pl.ds(g * 16, 16)] = NT + lax.shift_right_logical(
                idxs[0, pl.ds(g * 16, 16)], 3)

        m8 = jnp.bitwise_and(lane, 8) == 0
        m4 = jnp.bitwise_and(lane, 4) == 0
        m2 = jnp.bitwise_and(lane, 2) == 0
        meven = jnp.bitwise_and(lane, 1) == 0

        def comb(a, b, k, mk):
            a2 = a + _take16(a, lane ^ k)
            b2 = b + _take16(b, lane ^ k)
            return jnp.where(mk, a2, b2)

        def edge_body(e, carry2):
            p = [qbuf[e, pl.ds(h * DH, DH)] * kvbuf[e, pl.ds(h * DH, DH)]
                 for h in range(H)]
            u = [comb(p[2 * i], p[2 * i + 1], 8, m8) for i in range(4)]
            v = [comb(u[2 * i], u[2 * i + 1], 4, m4) for i in range(2)]
            w = comb(v[0], v[1], 2, m2)
            sfull = w + _take16(w, lane ^ 1)
            ex = jnp.exp(sfull * 0.25)
            ex_slot = jnp.where(meven, ex, 0.0)
            iv = idxs[0, pl.ds((e // 16) * 16, 16)]
            spl = _take16_i(iv, jnp.full((16,), e % 16, jnp.int32))
            off_f = jnp.bitwise_and(spl, 7).astype(jnp.float32)
            for jslot in range(8):
                m = jnp.maximum(1.0 - jnp.abs(off_f - float(jslot)), 0.0)
                ebuf[e, pl.ds(jslot * DH, DH)] = ex_slot * m
            for h in range(H):
                sp = _take16(ex, jnp.full((16,), _LANE_OF_HEAD[h], jnp.int32))
                v16 = kvbuf[e, pl.ds(D + h * DH, DH)]
                qbuf[e, pl.ds(h * DH, DH)] = sp * v16
            return carry2

        lax.fori_loop(0, C, edge_body, 0)
        pltpu.sync_copy(qbuf, accA.at[idxs.at[0]], add=True)
        pltpu.async_copy(ebuf, accA.at[idxs2.at[0]], sem_se, add=True)

    for g in range(C // 16):
        idxs2a[0, pl.ds(g * 16, 16)] = jnp.zeros((16,), jnp.int32)
        idxs2b[0, pl.ds(g * 16, 16)] = jnp.zeros((16,), jnp.int32)
    pltpu.async_copy(ebuf0, accA.at[idxs2a.at[0]], sem_se0, add=True)
    pltpu.async_copy(ebuf0, accA.at[idxs2b.at[0]], sem_se1, add=True)
    prefetch(0, 0)

    def pair_body(jj, carry):
        j0 = 2 * jj
        prefetch(j0 + 1, 1)
        drain(0)
        compute_scatter(0)
        prefetch(j0 + 2, 0)
        drain(1)
        compute_scatter(1)
        return carry

    lax.fori_loop(0, NCHUNK // 2, pair_body, 0)
    drain(0)
    pltpu.make_async_copy(qt.at[pl.ds(0, C)], ebuf0, sem_se0).wait()
    pltpu.make_async_copy(qt.at[pl.ds(0, C)], ebuf1, sem_se1).wait()
    plsc.subcore_barrier()
    pltpu.sync_copy(accA.at[pl.ds(sbase, RTT)], acc_out.at[c, pl.ds(sbase, RTT)])


_edge_kernel = functools.partial(
    pl.kernel,
    mesh=plsc.VectorSubcoreMesh(
        core_axis_name="c", subcore_axis_name="s", num_cores=NC, num_subcores=NS
    ),
    out_type=jax.ShapeDtypeStruct((NC, NTOT, D), jnp.float32),
    scratch_types=[
        pltpu.VMEM((2, C), jnp.int32),
        pltpu.VMEM((2, C), jnp.int32),
        pltpu.VMEM((1, C), jnp.int32),
        pltpu.VMEM((1, C), jnp.int32),
        pltpu.VMEM((C, D), jnp.float32),
        pltpu.VMEM((C, D), jnp.float32),
        pltpu.VMEM((C, 2 * D), jnp.float32),
        pltpu.VMEM((C, 2 * D), jnp.float32),
        pltpu.VMEM((C, D), jnp.float32),
        pltpu.VMEM((C, D), jnp.float32),
        pltpu.VMEM_SHARED((NTOT, D), jnp.float32),
        pltpu.SemaphoreType.DMA,
        pltpu.SemaphoreType.DMA,
        pltpu.SemaphoreType.DMA,
        pltpu.SemaphoreType.DMA,
        pltpu.SemaphoreType.DMA,
        pltpu.SemaphoreType.DMA,
    ],
)(_edge_body)


def _qkv_body(x_ref, w_ref, b_ref, qt_ref, kvt_ref):
    y = jnp.dot(x_ref[...], w_ref[...], preferred_element_type=jnp.float32)
    y = y + b_ref[...]
    qt_ref[...] = y[:, :D]
    kvt_ref[...] = y[:, D:]


def _ffn_body(accv_ref, acce_ref, expand_ref, w1_ref, b1_ref, w2_ref, b2_ref,
              g1_ref, be1_ref, g2_ref, be2_ref, out_ref):
    sums = accv_ref[0] + accv_ref[1]
    den = acce_ref[0] + acce_ref[1]
    den_big = jnp.dot(den, expand_ref[...], preferred_element_type=jnp.float32)
    attn = sums / (den_big + 1e-16)
    mu = jnp.mean(attn, axis=-1, keepdims=True)
    var = jnp.mean((attn - mu) ** 2, axis=-1, keepdims=True)
    attn = (attn - mu) / jnp.sqrt(var + 1e-5) * g1_ref[...] + be1_ref[...]
    h1 = jnp.dot(attn, w1_ref[...], preferred_element_type=jnp.float32)
    h1 = jnp.maximum(h1 + b1_ref[...], 0.0)
    out = jnp.dot(h1, w2_ref[...], preferred_element_type=jnp.float32)
    out = out + b2_ref[...]
    mu2 = jnp.mean(out, axis=-1, keepdims=True)
    var2 = jnp.mean((out - mu2) ** 2, axis=-1, keepdims=True)
    out_ref[...] = (out - mu2) / jnp.sqrt(var2 + 1e-5) * g2_ref[...] + be2_ref[...]


def kernel(x, edge_index, Wq, bq, Wk, bk, Wv, bv, W1, b1, W2, b2, g1, be1, g2, be2):
    src = edge_index[0].astype(jnp.int32)
    dst = edge_index[1].astype(jnp.int32)
    src_p = jnp.concatenate([src, jnp.full((EP + C - E,), DUMMY, jnp.int32)])
    dst_p = jnp.concatenate([dst, jnp.full((EP + C - E,), DUMMY, jnp.int32)])
    ec = jnp.stack([src_p.reshape(-1, C), dst_p.reshape(-1, C)], axis=1)

    x_p = jnp.pad(x, ((0, NT - N), (0, 0)))
    w_all = jnp.concatenate([Wq, Wk, Wv], axis=1)
    b_all = jnp.concatenate([bq, bk, bv]).reshape(1, 3 * D)

    BQ = 1024
    qt, kvt = pl.pallas_call(
        _qkv_body,
        grid=(NT // BQ,),
        in_specs=[
            pl.BlockSpec((BQ, D), lambda i: (i, 0)),
            pl.BlockSpec((D, 3 * D), lambda i: (0, 0)),
            pl.BlockSpec((1, 3 * D), lambda i: (0, 0)),
        ],
        out_specs=[
            pl.BlockSpec((BQ, D), lambda i: (i, 0)),
            pl.BlockSpec((BQ, 2 * D), lambda i: (i, 0)),
        ],
        out_shape=[
            jax.ShapeDtypeStruct((NT, D), jnp.float32),
            jax.ShapeDtypeStruct((NT, 2 * D), jnp.float32),
        ],
    )(x_p, w_all, b_all)

    acc = _edge_kernel(qt, kvt, ec)
    accv = acc[:, :NT, :]
    acce = acc[:, NT:, :].reshape(NC, NT, DH)

    expand_np = np.zeros((DH, D), np.float32)
    for l in range(0, DH, 2):
        phi = 4 * ((l >> 1) & 1) + 2 * ((l >> 2) & 1) + ((l >> 3) & 1)
        expand_np[l, phi * DH:(phi + 1) * DH] = 1.0
    expand = jnp.asarray(expand_np)

    BF = 1024
    out = pl.pallas_call(
        _ffn_body,
        grid=(NT // BF,),
        in_specs=[
            pl.BlockSpec((NC, BF, D), lambda i: (0, i, 0)),
            pl.BlockSpec((NC, BF, DH), lambda i: (0, i, 0)),
            pl.BlockSpec((DH, D), lambda i: (0, 0)),
            pl.BlockSpec((D, DFF), lambda i: (0, 0)),
            pl.BlockSpec((1, DFF), lambda i: (0, 0)),
            pl.BlockSpec((DFF, D), lambda i: (0, 0)),
            pl.BlockSpec((1, D), lambda i: (0, 0)),
            pl.BlockSpec((1, D), lambda i: (0, 0)),
            pl.BlockSpec((1, D), lambda i: (0, 0)),
            pl.BlockSpec((1, D), lambda i: (0, 0)),
            pl.BlockSpec((1, D), lambda i: (0, 0)),
        ],
        out_specs=pl.BlockSpec((BF, D), lambda i: (i, 0)),
        out_shape=jax.ShapeDtypeStruct((NT, D), jnp.float32),
    )(accv, acce, expand, W1, b1.reshape(1, DFF), W2, b2.reshape(1, D),
      g1.reshape(1, D), be1.reshape(1, D), g2.reshape(1, D), be2.reshape(1, D))

    return out[:N]

# --- scband reference (transcript-rebuilt; emitter-appended) ---
"""Pipeline reference for scband-khop-gtmodel-8143257994121 (READ-ONLY COPY).

The authoritative reference and input builder live on the scoring server;
editing this copy changes nothing except your own understanding.
"""

import jax, jax.numpy as jnp
import numpy as np

N = 10000
E = 320000
D = 128
H = 8
DH = D // H
DFF = 3 * D


def _layer_norm(h, g, b):
    mu = jnp.mean(h, axis=-1, keepdims=True)
    var = jnp.var(h, axis=-1, keepdims=True)
    return (h - mu) / jnp.sqrt(var + 1e-5) * g + b


def setup_inputs(seed: int = 0) -> dict:
    key = jax.random.key(seed)
    ks = jax.random.split(key, 20)
    s = 1.0 / np.sqrt(D)
    inp = {
        "x": jax.random.normal(ks[0], (N, D), dtype=jnp.float32),
        "edge_index": jax.random.randint(ks[1], (2, E), 0, N),
        "Wq": jax.random.normal(ks[2], (D, D), dtype=jnp.float32) * s,
        "bq": jax.random.normal(ks[3], (D,), dtype=jnp.float32) * 0.01,
        "Wk": jax.random.normal(ks[4], (D, D), dtype=jnp.float32) * s,
        "bk": jax.random.normal(ks[5], (D,), dtype=jnp.float32) * 0.01,
        "Wv": jax.random.normal(ks[6], (D, D), dtype=jnp.float32) * s,
        "bv": jax.random.normal(ks[7], (D,), dtype=jnp.float32) * 0.01,
        "W1": jax.random.normal(ks[8], (D, DFF), dtype=jnp.float32) * s,
        "b1": jax.random.normal(ks[9], (DFF,), dtype=jnp.float32) * 0.01,
        "W2": jax.random.normal(ks[10], (DFF, D), dtype=jnp.float32) * (1.0 / np.sqrt(DFF)),
        "b2": jax.random.normal(ks[11], (D,), dtype=jnp.float32) * 0.01,
        "g1": jnp.ones((D,), dtype=jnp.float32),
        "be1": jnp.zeros((D,), dtype=jnp.float32),
        "g2": jnp.ones((D,), dtype=jnp.float32),
        "be2": jnp.zeros((D,), dtype=jnp.float32),
    }
    return inp


def reference(x, edge_index, Wq, bq, Wk, bk, Wv, bv, W1, b1, W2, b2, g1, be1, g2, be2):
    src = edge_index[0]
    dst = edge_index[1]
    # Q/K/V projections (gather-heavy over nodes, then edge gathers)
    QX = x @ Wq + bq
    KX = x @ Wk + bk
    VX = x @ Wv + bv
    q = jnp.take(QX, src, axis=0).reshape(E, H, DH)
    k = jnp.take(KX, dst, axis=0).reshape(E, H, DH)
    v = jnp.take(VX, dst, axis=0).reshape(E, H, DH)
    scores = jnp.sum(q * k, axis=-1) / np.sqrt(DH)  # (E, H)
    # segment softmax over edges grouped by src node (per head)
    seg_max = jax.ops.segment_max(scores, src, num_segments=N)  # (N, H)
    seg_max = jnp.where(jnp.isfinite(seg_max), seg_max, 0.0)
    ex = jnp.exp(scores - jnp.take(seg_max, src, axis=0))
    seg_sum = jax.ops.segment_sum(ex, src, num_segments=N)  # (N, H)
    probs = ex / (jnp.take(seg_sum, src, axis=0) + 1e-16)  # (E, H)
    weighted = (probs[:, :, None] * v).reshape(E, D)
    attn_out = jax.ops.segment_sum(weighted, src, num_segments=N)  # (N, D)
    attn_out = _layer_norm(attn_out, g1, be1)
    # feed-forward out projection (dropout in eval mode -> identity)
    h = jax.nn.relu(attn_out @ W1 + b1)
    out = h @ W2 + b2
    out = _layer_norm(out, g2, be2)
    return out

if __name__ == "__main__":
    import jax
    _d = setup_inputs()
    print(jax.jit(kernel)(*tuple(_d.values())))

</pallas_src>

<mosaic_0001>
#map = affine_map<(d0, d1) -> (0, 0)>
#map1 = affine_map<(d0, d1) -> (0, 0, 0)>
module attributes {stable_mosaic.version = 14 : i64} {
  func.func @_edge_body(%arg0: i32, %arg1: i32, %arg2: memref<10240x128xf32, #tpu.memory_space<hbm>>, %arg3: memref<10240x256xf32, #tpu.memory_space<hbm>>, %arg4: memref<10241x2x32xi32, #tpu.memory_space<hbm>>, %arg5: memref<2x11520x128xf32, #tpu.memory_space<hbm>>, %arg6: memref<2x32xi32, #tpu.memory_space<vmem>>, %arg7: memref<2x32xi32, #tpu.memory_space<vmem>>, %arg8: memref<1x32xi32, #tpu.memory_space<vmem>>, %arg9: memref<1x32xi32, #tpu.memory_space<vmem>>, %arg10: memref<32x128xf32, #tpu.memory_space<vmem>>, %arg11: memref<32x128xf32, #tpu.memory_space<vmem>>, %arg12: memref<32x256xf32, #tpu.memory_space<vmem>>, %arg13: memref<32x256xf32, #tpu.memory_space<vmem>>, %arg14: memref<32x128xf32, #tpu.memory_space<vmem>>, %arg15: memref<32x128xf32, #tpu.memory_space<vmem>>, %arg16: memref<11520x128xf32, #tpu.memory_space<vmem_shared>>, %arg17: memref<!tpu.dma_semaphore, #tpu.memory_space<semaphore_mem>>, %arg18: memref<!tpu.dma_semaphore, #tpu.memory_space<semaphore_mem>>, %arg19: memref<!tpu.dma_semaphore, #tpu.memory_space<semaphore_mem>>, %arg20: memref<!tpu.dma_semaphore, #tpu.memory_space<semaphore_mem>>, %arg21: memref<!tpu.dma_semaphore, #tpu.memory_space<semaphore_mem>>, %arg22: memref<!tpu.dma_semaphore, #tpu.memory_space<semaphore_mem>>) attributes {dimension_semantics = [#tpu.dimension_semantics<core_parallel>, #tpu.dimension_semantics<subcore_parallel>], iteration_bounds = array<i64: 2, 16>, scalar_prefetch = 0 : i64, scratch_operands = 17 : i64, tpu.core_type = #tpu.core_type<sc_vector_subcore>, window_params = [{transform_indices = #map}, {transform_indices = #map}, {transform_indices = #map1}, {transform_indices = #map1}]} {
    %mul3A = arith.constant 2 : i32
    %mul3A_0 = arith.muli %arg1, %mul3A : i32
    %add3A = arith.addi %mul3A_0, %arg0 : i32
    %broadcast_in_dim3A = arith.constant 0.000000e+00 : f32
    %broadcast_in_dim3A_1 = vector.broadcast %broadcast_in_dim3A : f32 to vector<16xf32>
    %scan3A = arith.constant 0 : i32
    %scan3A_2 = arith.constant 0 : i32
    %scan3A_3 = arith.constant 32 : i32
    %scan3A_4 = arith.addi %scan3A_2, %scan3A_3 : i32
    %scan3A_5 = arith.constant 1 : i32
    scf.for %scan3A_148 = %scan3A_2 to %scan3A_4 step %scan3A_5  : i32 {
      %swap3A_149 = arith.index_cast %scan3A_148 : i32 to index
      %swap3A_150 = arith.constant 0 : index
      %swap3A_151 = tpu.vector_load %arg14[%swap3A_149, %swap3A_150] {strides = array<i32>} : memref<32x128xf32, #tpu.memory_space<vmem>>, vector<1x16xf32>,
      %swap3A_152 = vector.shape_cast %swap3A_151 : vector<1x16xf32> to vector<16xf32>
      %swap3A_153 = vector.shape_cast %broadcast_in_dim3A_1 : vector<16xf32> to vector<1x16xf32>
      tpu.vector_store %arg14[%swap3A_149, %swap3A_150], %swap3A_153 {strides = array<i32>} : memref<32x128xf32, #tpu.memory_space<vmem>>, vector<1x16xf32>,
      %swap3A_154 = arith.index_cast %scan3A_148 : i32 to index
      %swap3A_155 = arith.constant 16 : index
      %swap3A_156 = tpu.vector_load %arg14[%swap3A_154, %swap3A_155] {strides = array<i32>} : memref<32x128xf32, #tpu.memory_space<vmem>>, vector<1x16xf32>,
      %swap3A_157 = vector.shape_cast %swap3A_156 : vector<1x16xf32> to vector<16xf32>
      %swap3A_158 = vector.shape_cast %broadcast_in_dim3A_1 : vector<16xf32> to vector<1x16xf32>
      tpu.vector_store %arg14[%swap3A_154, %swap3A_155], %swap3A_158 {strides = array<i32>} : memref<32x128xf32, #tpu.memory_space<vmem>>, vector<1x16xf32>,
      %swap3A_159 = arith.index_cast %scan3A_148 : i32 to index
      %swap3A_160 = arith.constant 32 : index
      %swap3A_161 = tpu.vector_load %arg14[%swap3A_159, %swap3A_160] {strides = array<i32>} : memref<32x128xf32, #tpu.memory_space<vmem>>, vector<1x16xf32>,
      %swap3A_162 = vector.shape_cast %swap3A_161 : vector<1x16xf32> to vector<16xf32>
      %swap3A_163 = vector.shape_cast %broadcast_in_dim3A_1 : vector<16xf32> to vector<1x16xf32>
      tpu.vector_store %arg14[%swap3A_159, %swap3A_160], %swap3A_163 {strides = array<i32>} : memref<32x128xf32, #tpu.memory_space<vmem>>, vector<1x16xf32>,
      %swap3A_164 = arith.index_cast %scan3A_148 : i32 to index
      %swap3A_165 = arith.constant 48 : index
      %swap3A_166 = tpu.vector_load %arg14[%swap3A_164, %swap3A_165] {strides = array<i32>} : memref<32x128xf32, #tpu.memory_space<vmem>>, vector<1x16xf32>,
      %swap3A_167 = vector.shape_cast %swap3A_166 : vector<1x16xf32> to vector<16xf32>
      %swap3A_168 = vector.shape_cast %broadcast_in_dim3A_1 : vector<16xf32> to vector<1x16xf32>
      tpu.vector_store %arg14[%swap3A_164, %swap3A_165], %swap3A_168 {strides = array<i32>} : memref<32x128xf32, #tpu.memory_space<vmem>>, vector<1x16xf32>,
      %swap3A_169 = arith.index_cast %scan3A_148 : i32 to index
      %swap3A_170 = arith.constant 64 : index
      %swap3A_171 = tpu.vector_load %arg14[%swap3A_169, %swap3A_170] {strides = array<i32>} : memref<32x128xf32, #tpu.memory_space<vmem>>, vector<1x16xf32>,
      %swap3A_172 = vector.shape_cast %swap3A_171 : vector<1x16xf32> to vector<16xf32>
      %swap3A_173 = vector.shape_cast %broadcast_in_dim3A_1 : vector<16xf32> to vector<1x16xf32>
      tpu.vector_store %arg14[%swap3A_169, %swap3A_170], %swap3A_173 {strides = array<i32>} : memref<32x128xf32, #tpu.memory_space<vmem>>, vector<1x16xf32>,
      %swap3A_174 = arith.index_cast %scan3A_148 : i32 to index
      %swap3A_175 = arith.constant 80 : index
      %swap3A_176 = tpu.vector_load %arg14[%swap3A_174, %swap3A_175] {strides = array<i32>} : memref<32x128xf32, #tpu.memory_space<vmem>>, vector<1x16xf32>,
      %swap3A_177 = vector.shape_cast %swap3A_176 : vector<1x16xf32> to vector<16xf32>
      %swap3A_178 = vector.shape_cast %broadcast_in_dim3A_1 : vector<16xf32> to vector<1x16xf32>
      tpu.vector_store %arg14[%swap3A_174, %swap3A_175], %swap3A_178 {strides = array<i32>} : memref<32x128xf32, #tpu.memory_space<vmem>>, vector<1x16xf32>,
      %swap3A_179 = arith.index_cast %scan3A_148 : i32 to index
      %swap3A_180 = arith.constant 96 : index
      %swap3A_181 = tpu.vector_load %arg14[%swap3A_179, %swap3A_180] {strides = array<i32>} : memref<32x128xf32, #tpu.memory_space<vmem>>, vector<1x16xf32>,
      %swap3A_182 = vector.shape_cast %swap3A_181 : vector<1x16xf32> to vector<16xf32>
      %swap3A_183 = vector.shape_cast %broadcast_in_dim3A_1 : vector<16xf32> to vector<1x16xf32>
      tpu.vector_store %arg14[%swap3A_179, %swap3A_180], %swap3A_183 {strides = array<i32>} : memref<32x128xf32, #tpu.memory_space<vmem>>, vector<1x16xf32>,
      %swap3A_184 = arith.index_cast %scan3A_148 : i32 to index
      %swap3A_185 = arith.constant 112 : index
      %swap3A_186 = tpu.vector_load %arg14[%swap3A_184, %swap3A_185] {strides = array<i32>} : memref<32x128xf32, #tpu.memory_space<vmem>>, vector<1x16xf32>,
      %swap3A_187 = vector.shape_cast %swap3A_186 : vector<1x16xf32> to vector<16xf32>
      %swap3A_188 = vector.shape_cast %broadcast_in_dim3A_1 : vector<16xf32> to vector<1x16xf32>
      tpu.vector_store %arg14[%swap3A_184, %swap3A_185], %swap3A_188 {strides = array<i32>} : memref<32x128xf32, #tpu.memory_space<vmem>>, vector<1x16xf32>,
    }
    %scan3A_6 = arith.constant 32 : i32
    %mul3A_7 = arith.constant 720 : i32
    %mul3A_8 = arith.muli %arg1, %mul3A_7 : i32
    %add3A_9 = arith.constant 0 : i32
    %add3A_10 = arith.addi %mul3A_8, %add3A_9 : i32
    "tpu.region"() ({
      %run_scoped3A = tpu.sem_alloc : memref<!tpu.dma_semaphore, #tpu.memory_space<semaphore_mem>>
      %dma_start3A_148 = arith.constant 0 : i32
      %dma_start3A_149 = tpu.memref_slice %arg16[%add3A_10, %dma_start3A_148] : memref<11520x128xf32, #tpu.memory_space<vmem_shared>> -> memref<32x128xf32, #tpu.memory_space<vmem_shared>>
      %dma_start3A_150 = arith.constant 0 : i32
      %dma_start3A_151 = tpu.memref_slice %arg16[%add3A_10, %dma_start3A_150] : memref<11520x128xf32, #tpu.memory_space<vmem_shared>> -> memref<32x128xf32, #tpu.memory_space<vmem_shared>>
      tpu.enqueue_dma source(%arg14 : memref<32x128xf32, #tpu.memory_space<vmem>>) target(%dma_start3A_151 : memref<32x128xf32, #tpu.memory_space<vmem_shared>>) target_semaphore(%run_scoped3A : memref<!tpu.dma_semaphore, #tpu.memory_space<semaphore_mem>>)
      %dma_wait3A_152 = arith.constant 0 : i32
      %dma_wait3A_153 = tpu.memref_slice %arg16[%add3A_10, %dma_wait3A_152] : memref<11520x128xf32, #tpu.memory_space<vmem_shared>> -> memref<32x128xf32, #tpu.memory_space<vmem_shared>>
      %dma_wait3A_154 = arith.constant 0 : i32
      %dma_wait3A_155 = tpu.memref_slice %arg16[%add3A_10, %dma_wait3A_154] : memref<11520x128xf32, #tpu.memory_space<vmem_shared>> -> memref<32x128xf32, #tpu.memory_space<vmem_shared>>
      tpu.wait_dma2 semaphore(%run_scoped3A : memref<!tpu.dma_semaphore, #tpu.memory_space<semaphore_mem>>) src(%arg14 : memref<32x128xf32, #tpu.memory_space<vmem>>) dst(%dma_wait3A_155 : memref<32x128xf32, #tpu.memory_space<vmem_shared>>)
      tpu.yield
    }) : () -> ()
    %add3A_11 = arith.constant 32 : i32
    %add3A_12 = arith.addi %mul3A_8, %add3A_11 : i32
    "tpu.region"() ({
      %run_scoped3A = tpu.sem_alloc : memref<!tpu.dma_semaphore, #tpu.memory_space<semaphore_mem>>
      %dma_start3A_148 = arith.constant 0 : i32
      %dma_start3A_149 = tpu.memref_slice %arg16[%add3A_12, %dma_start3A_148] : memref<11520x128xf32, #tpu.memory_space<vmem_shared>> -> memref<32x128xf32, #tpu.memory_space<vmem_shared>>
      %dma_start3A_150 = arith.constant 0 : i32
      %dma_start3A_151 = tpu.memref_slice %arg16[%add3A_12, %dma_start3A_150] : memref<11520x128xf32, #tpu.memory_space<vmem_shared>> -> memref<32x128xf32, #tpu.memory_space<vmem_shared>>
      tpu.enqueue_dma source(%arg14 : memref<32x128xf32, #tpu.memory_space<vmem>>) target(%dma_start3A_151 : memref<32x128xf32, #tpu.memory_space<vmem_shared>>) target_semaphore(%run_scoped3A : memref<!tpu.dma_semaphore, #tpu.memory_space<semaphore_mem>>)
      %dma_wait3A_152 = arith.constant 0 : i32
      %dma_wait3A_153 = tpu.memref_slice %arg16[%add3A_12, %dma_wait3A_152] : memref<11520x128xf32, #tpu.memory_space<vmem_shared>> -> memref<32x128xf32, #tpu.memory_space<vmem_shared>>
      %dma_wait3A_154 = arith.constant 0 : i32
      %dma_wait3A_155 = tpu.memref_slice %arg16[%add3A_12, %dma_wait3A_154] : memref<11520x128xf32, #tpu.memory_space<vmem_shared>> -> memref<32x128xf32, #tpu.memory_space<vmem_shared>>
      tpu.wait_dma2 semaphore(%run_scoped3A : memref<!tpu.dma_semaphore, #tpu.memory_space<semaphore_mem>>) src(%arg14 : memref<32x128xf32, #tpu.memory_space<vmem>>) dst(%dma_wait3A_155 : memref<32x128xf32, #tpu.memory_space<vmem_shared>>)
      tpu.yield
    }) : () -> ()
    %add3A_13 = arith.constant 64 : i32
    %add3A_14 = arith.addi %mul3A_8, %add3A_13 : i32
    "tpu.region"() ({
      %run_scoped3A = tpu.sem_alloc : memref<!tpu.dma_semaphore, #tpu.memory_space<semaphore_mem>>
      %dma_start3A_148 = arith.constant 0 : i32
      %dma_start3A_149 = tpu.memref_slice %arg16[%add3A_14, %dma_start3A_148] : memref<11520x128xf32, #tpu.memory_space<vmem_shared>> -> memref<32x128xf32, #tpu.memory_space<vmem_shared>>
      %dma_start3A_150 = arith.constant 0 : i32
      %dma_start3A_151 = tpu.memref_slice %arg16[%add3A_14, %dma_start3A_150] : memref<11520x128xf32, #tpu.memory_space<vmem_shared>> -> memref<32x128xf32, #tpu.memory_space<vmem_shared>>
      tpu.enqueue_dma source(%arg14 : memref<32x128xf32, #tpu.memory_space<vmem>>) target(%dma_start3A_151 : memref<32x128xf32, #tpu.memory_space<vmem_shared>>) target_semaphore(%run_scoped3A : memref<!tpu.dma_semaphore, #tpu.memory_space<semaphore_mem>>)
      %dma_wait3A_152 = arith.constant 0 : i32
      %dma_wait3A_153 = tpu.memref_slice %arg16[%add3A_14, %dma_wait3A_152] : memref<11520x128xf32, #tpu.memory_space<vmem_shared>> -> memref<32x128xf32, #tpu.memory_space<vmem_shared>>
      %dma_wait3A_154 = arith.constant 0 : i32
      %dma_wait3A_155 = tpu.memref_slice %arg16[%add3A_14, %dma_wait3A_154] : memref<11520x128xf32, #tpu.memory_space<vmem_shared>> -> memref<32x128xf32, #tpu.memory_space<vmem_shared>>
      tpu.wait_dma2 semaphore(%run_scoped3A : memref<!tpu.dma_semaphore, #tpu.memory_space<semaphore_mem>>) src(%arg14 : memref<32x128xf32, #tpu.memory_space<vmem>>) dst(%dma_wait3A_155 : memref<32x128xf32, #tpu.memory_space<vmem_shared>>)
      tpu.yield
    }) : () -> ()
    %add3A_15 = arith.constant 96 : i32
    %add3A_16 = arith.addi %mul3A_8, %add3A_15 : i32
    "tpu.region"() ({
      %run_scoped3A = tpu.sem_alloc : memref<!tpu.dma_semaphore, #tpu.memory_space<semaphore_mem>>
      %dma_start3A_148 = arith.constant 0 : i32
      %dma_start3A_149 = tpu.memref_slice %arg16[%add3A_16, %dma_start3A_148] : memref<11520x128xf32, #tpu.memory_space<vmem_shared>> -> memref<32x128xf32, #tpu.memory_space<vmem_shared>>
      %dma_start3A_150 = arith.constant 0 : i32
      %dma_start3A_151 = tpu.memref_slice %arg16[%add3A_16, %dma_start3A_150] : memref<11520x128xf32, #tpu.memory_space<vmem_shared>> -> memref<32x128xf32, #tpu.memory_space<vmem_shared>>
      tpu.enqueue_dma source(%arg14 : memref<32x128xf32, #tpu.memory_space<vmem>>) target(%dma_start3A_151 : memref<32x128xf32, #tpu.memory_space<vmem_shared>>) target_semaphore(%run_scoped3A : memref<!tpu.dma_semaphore, #tpu.memory_space<semaphore_mem>>)
      %dma_wait3A_152 = arith.constant 0 : i32
      %dma_wait3A_153 = tpu.memref_slice %arg16[%add3A_16, %dma_wait3A_152] : memref<11520x128xf32, #tpu.memory_space<vmem_shared>> -> memref<32x128xf32, #tpu.memory_space<vmem_shared>>
      %dma_wait3A_154 = arith.constant 0 : i32
      %dma_wait3A_155 = tpu.memref_slice %arg16[%add3A_16, %dma_wait3A_154] : memref<11520x128xf32, #tpu.memory_space<vmem_shared>> -> memref<32x128xf32, #tpu.memory_space<vmem_shared>>
      tpu.wait_dma2 semaphore(%run_scoped3A : memref<!tpu.dma_semaphore, #tpu.memory_space<semaphore_mem>>) src(%arg14 : memref<32x128xf32, #tpu.memory_space<vmem>>) dst(%dma_wait3A_155 : memref<32x128xf32, #tpu.memory_space<vmem_shared>>)
      tpu.yield
    }) : () -> ()
    %add3A_17 = arith.constant 128 : i32
    %add3A_18 = arith.addi %mul3A_8, %add3A_17 : i32
    "tpu.region"() ({
      %run_scoped3A = tpu.sem_alloc : memref<!tpu.dma_semaphore, #tpu.memory_space<semaphore_mem>>
      %dma_start3A_148 = arith.constant 0 : i32
      %dma_start3A_149 = tpu.memref_slice %arg16[%add3A_18, %dma_start3A_148] : memref<11520x128xf32, #tpu.memory_space<vmem_shared>> -> memref<32x128xf32, #tpu.memory_space<vmem_shared>>
      %dma_start3A_150 = arith.constant 0 : i32
      %dma_start3A_151 = tpu.memref_slice %arg16[%add3A_18, %dma_start3A_150] : memref<11520x128xf32, #tpu.memory_space<vmem_shared>> -> memref<32x128xf32, #tpu.memory_space<vmem_shared>>
      tpu.enqueue_dma source(%arg14 : memref<32x128xf32, #tpu.memory_space<vmem>>) target(%dma_start3A_151 : memref<32x128xf32, #tpu.memory_space<vmem_shared>>) target_semaphore(%run_scoped3A : memref<!tpu.dma_semaphore, #tpu.memory_space<semaphore_mem>>)
      %dma_wait3A_152 = arith.constant 0 : i32
      %dma_wait3A_153 = tpu.memref_slice %arg16[%add3A_18, %dma_wait3A_152] : memref<11520x128xf32, #tpu.memory_space<vmem_shared>> -> memref<32x128xf32, #tpu.memory_space<vmem_shared>>
      %dma_wait3A_154 = arith.constant 0 : i32
      %dma_wait3A_155 = tpu.memref_slice %arg16[%add3A_18, %dma_wait3A_154] : memref<11520x128xf32, #tpu.memory_space<vmem_shared>> -> memref<32x128xf32, #tpu.memory_space<vmem_shared>>
      tpu.wait_dma2 semaphore(%run_scoped3A : memref<!tpu.dma_semaphore, #tpu.memory_space<semaphore_mem>>) src(%arg14 : memref<32x128xf32, #tpu.memory_space<vmem>>) dst(%dma_wait3A_155 : memref<32x128xf32, #tpu.memory_space<vmem_shared>>)
      tpu.yield
    }) : () -> ()
    %add3A_19 = arith.constant 160 : i32
    %add3A_20 = arith.addi %mul3A_8, %add3A_19 : i32
    "tpu.region"() ({
      %run_scoped3A = tpu.sem_alloc : memref<!tpu.dma_semaphore, #tpu.memory_space<semaphore_mem>>
      %dma_start3A_148 = arith.constant 0 : i32
      %dma_start3A_149 = tpu.memref_slice %arg16[%add3A_20, %dma_start3A_148] : memref<11520x128xf32, #tpu.memory_space<vmem_shared>> -> memref<32x128xf32, #tpu.memory_space<vmem_shared>>
      %dma_start3A_150 = arith.constant 0 : i32
      %dma_start3A_151 = tpu.memref_slice %arg16[%add3A_20, %dma_start3A_150] : memref<11520x128xf32, #tpu.memory_space<vmem_shared>> -> memref<32x128xf32, #tpu.memory_space<vmem_shared>>
      tpu.enqueue_dma source(%arg14 : memref<32x128xf32, #tpu.memory_space<vmem>>) target(%dma_start3A_151 : memref<32x128xf32, #tpu.memory_space<vmem_shared>>) target_semaphore(%run_scoped3A : memref<!tpu.dma_semaphore, #tpu.memory_space<semaphore_mem>>)
      %dma_wait3A_152 = arith.constant 0 : i32
      %dma_wait3A_153 = tpu.memref_slice %arg16[%add3A_20, %dma_wait3A_152] : memref<11520x128xf32, #tpu.memory_space<vmem_shared>> -> memref<32x128xf32, #tpu.memory_space<vmem_shared>>
      %dma_wait3A_154 = arith.constant 0 : i32
      %dma_wait3A_155 = tpu.memref_slice %arg16[%add3A_20, %dma_wait3A_154] : memref<11520x128xf32, #tpu.memory_space<vmem_shared>> -> memref<32x128xf32, #tpu.memory_space<vmem_shared>>
      tpu.wait_dma2 semaphore(%run_scoped3A : memref<!tpu.dma_semaphore, #tpu.memory_space<semaphore_mem>>) src(%arg14 : memref<32x128xf32, #tpu.memory_space<vmem>>) dst(%dma_wait3A_155 : memref<32x128xf32, #tpu.memory_space<vmem_shared>>)
      tpu.yield
    }) : () -> ()
    %add3A_21 = arith.constant 192 : i32
    %add3A_22 = arith.addi %mul3A_8, %add3A_21 : i32
    "tpu.region"() ({
      %run_scoped3A = tpu.sem_alloc : memref<!tpu.dma_semaphore, #tpu.memory_space<semaphore_mem>>
      %dma_start3A_148 = arith.constant 0 : i32
      %dma_start3A_149 = tpu.memref_slice %arg16[%add3A_22, %dma_start3A_148] : memref<11520x128xf32, #tpu.memory_space<vmem_shared>> -> memref<32x128xf32, #tpu.memory_space<vmem_shared>>
      %dma_start3A_150 = arith.constant 0 : i32
      %dma_start3A_151 = tpu.memref_slice %arg16[%add3A_22, %dma_start3A_150] : memref<11520x128xf32, #tpu.memory_space<vmem_shared>> -> memref<32x128xf32, #tpu.memory_space<vmem_shared>>
      tpu.enqueue_dma source(%arg14 : memref<32x128xf32, #tpu.memory_space<vmem>>) target(%dma_start3A_151 : memref<32x128xf32, #tpu.memory_space<vmem_shared>>) target_semaphore(%run_scoped3A : memref<!tpu.dma_semaphore, #tpu.memory_space<semaphore_mem>>)
      %dma_wait3A_152 = arith.constant 0 : i32
      %dma_wait3A_153 = tpu.memref_slice %arg16[%add3A_22, %dma_wait3A_152] : memref<11520x128xf32, #tpu.memory_space<vmem_shared>> -> memref<32x128xf32, #tpu.memory_space<vmem_shared>>
      %dma_wait3A_154 = arith.constant 0 : i32
      %dma_wait3A_155 = tpu.memref_slice %arg16[%add3A_22, %dma_wait3A_154] : memref<11520x128xf32, #tpu.memory_space<vmem_shared>> -> memref<32x128xf32, #tpu.memory_space<vmem_shared>>
      tpu.wait_dma2 semaphore(%run_scoped3A : memref<!tpu.dma_semaphore, #tpu.memory_space<semaphore_mem>>) src(%arg14 : memref<32x128xf32, #tpu.memory_space<vmem>>) dst(%dma_wait3A_155 : memref<32x128xf32, #tpu.memory_space<vmem_shared>>)
      tpu.yield
    }) : () -> ()
    %add3A_23 = arith.constant 224 : i32
    %add3A_24 = arith.addi %mul3A_8, %add3A_23 : i32
    "tpu.region"() ({
      %run_scoped3A = tpu.sem_alloc : memref<!tpu.dma_semaphore, #tpu.memory_space<semaphore_mem>>
      %dma_start3A_148 = arith.constant 0 : i32
      %dma_start3A_149 = tpu.memref_slice %arg16[%add3A_24, %dma_start3A_148] : memref<11520x128xf32, #tpu.memory_space<vmem_shared>> -> memref<32x128xf32, #tpu.memory_space<vmem_shared>>
      %dma_start3A_150 = arith.constant 0 : i32
      %dma_start3A_151 = tpu.memref_slice %arg16[%add3A_24, %dma_start3A_150] : memref<11520x128xf32, #tpu.memory_space<vmem_shared>> -> memref<32x128xf32, #tpu.memory_space<vmem_shared>>
      tpu.enqueue_dma source(%arg14 : memref<32x128xf32, #tpu.memory_space<vmem>>) target(%dma_start3A_151 : memref<32x128xf32, #tpu.memory_space<vmem_shared>>) target_semaphore(%run_scoped3A : memref<!tpu.dma_semaphore, #tpu.memory_space<semaphore_mem>>)
      %dma_wait3A_152 = arith.constant 0 : i32
      %dma_wait3A_153 = tpu.memref_slice %arg16[%add3A_24, %dma_wait3A_152] : memref<11520x128xf32, #tpu.memory_space<vmem_shared>> -> memref<32x128xf32, #tpu.memory_space<vmem_shared>>
      %dma_wait3A_154 = arith.constant 0 : i32
      %dma_wait3A_155 = tpu.memref_slice %arg16[%add3A_24, %dma_wait3A_154] : memref<11520x128xf32, #tpu.memory_space<vmem_shared>> -> memref<32x128xf32, #tpu.memory_space<vmem_shared>>
      tpu.wait_dma2 semaphore(%run_scoped3A : memref<!tpu.dma_semaphore, #tpu.memory_space<semaphore_mem>>) src(%arg14 : memref<32x128xf32, #tpu.memory_space<vmem>>) dst(%dma_wait3A_155 : memref<32x128xf32, #tpu.memory_space<vmem_shared>>)
      tpu.yield
    }) : () -> ()
    %add3A_25 = arith.constant 256 : i32
    %add3A_26 = arith.addi %mul3A_8, %add3A_25 : i32
    "tpu.region"() ({
      %run_scoped3A = tpu.sem_alloc : memref<!tpu.dma_semaphore, #tpu.memory_space<semaphore_mem>>
      %dma_start3A_148 = arith.constant 0 : i32
      %dma_start3A_149 = tpu.memref_slice %arg16[%add3A_26, %dma_start3A_148] : memref<11520x128xf32, #tpu.memory_space<vmem_shared>> -> memref<32x128xf32, #tpu.memory_space<vmem_shared>>
      %dma_start3A_150 = arith.constant 0 : i32
      %dma_start3A_151 = tpu.memref_slice %arg16[%add3A_26, %dma_start3A_150] : memref<11520x128xf32, #tpu.memory_space<vmem_shared>> -> memref<32x128xf32, #tpu.memory_space<vmem_shared>>
      tpu.enqueue_dma source(%arg14 : memref<32x128xf32, #tpu.memory_space<vmem>>) target(%dma_start3A_151 : memref<32x128xf32, #tpu.memory_space<vmem_shared>>) target_semaphore(%run_scoped3A : memref<!tpu.dma_semaphore, #tpu.memory_space<semaphore_mem>>)
      %dma_wait3A_152 = arith.constant 0 : i32
      %dma_wait3A_153 = tpu.memref_slice %arg16[%add3A_26, %dma_wait3A_152] : memref<11520x128xf32, #tpu.memory_space<vmem_shared>> -> memref<32x128xf32, #tpu.memory_space<vmem_shared>>
      %dma_wait3A_154 = arith.constant 0 : i32
      %dma_wait3A_155 = tpu.memref_slice %arg16[%add3A_26, %dma_wait3A_154] : memref<11520x128xf32, #tpu.memory_space<vmem_shared>> -> memref<32x128xf32, #tpu.memory_space<vmem_shared>>
      tpu.wait_dma2 semaphore(%run_scoped3A : memref<!tpu.dma_semaphore, #tpu.memory_space<semaphore_mem>>) src(%arg14 : memref<32x128xf32, #tpu.memory_space<vmem>>) dst(%dma_wait3A_155 : memref<32x128xf32, #tpu.memory_space<vmem_shared>>)
      tpu.yield
    }) : () -> ()
    %add3A_27 = arith.constant 288 : i32
    %add3A_28 = arith.addi %mul3A_8, %add3A_27 : i32
    "tpu.region"() ({
      %run_scoped3A = tpu.sem_alloc : memref<!tpu.dma_semaphore, #tpu.memory_space<semaphore_mem>>
      %dma_start3A_148 = arith.constant 0 : i32
      %dma_start3A_149 = tpu.memref_slice %arg16[%add3A_28, %dma_start3A_148] : memref<11520x128xf32, #tpu.memory_space<vmem_shared>> -> memref<32x128xf32, #tpu.memory_space<vmem_shared>>
      %dma_start3A_150 = arith.constant 0 : i32
      %dma_start3A_151 = tpu.memref_slice %arg16[%add3A_28, %dma_start3A_150] : memref<11520x128xf32, #tpu.memory_space<vmem_shared>> -> memref<32x128xf32, #tpu.memory_space<vmem_shared>>
      tpu.enqueue_dma source(%arg14 : memref<32x128xf32, #tpu.memory_space<vmem>>) target(%dma_start3A_151 : memref<32x128xf32, #tpu.memory_space<vmem_shared>>) target_semaphore(%run_scoped3A : memref<!tpu.dma_semaphore, #tpu.memory_space<semaphore_mem>>)
      %dma_wait3A_152 = arith.constant 0 : i32
      %dma_wait3A_153 = tpu.memref_slice %arg16[%add3A_28, %dma_wait3A_152] : memref<11520x128xf32, #tpu.memory_space<vmem_shared>> -> memref<32x128xf32, #tpu.memory_space<vmem_shared>>
      %dma_wait3A_154 = arith.constant 0 : i32
      %dma_wait3A_155 = tpu.memref_slice %arg16[%add3A_28, %dma_wait3A_154] : memref<11520x128xf32, #tpu.memory_space<vmem_shared>> -> memref<32x128xf32, #tpu.memory_space<vmem_shared>>
      tpu.wait_dma2 semaphore(%run_scoped3A : memref<!tpu.dma_semaphore, #tpu.memory_space<semaphore_mem>>) src(%arg14 : memref<32x128xf32, #tpu.memory_space<vmem>>) dst(%dma_wait3A_155 : memref<32x128xf32, #tpu.memory_space<vmem_shared>>)
      tpu.yield
    }) : () -> ()
    %add3A_29 = arith.constant 320 : i32
    %add3A_30 = arith.addi %mul3A_8, %add3A_29 : i32
    "tpu.region"() ({
      %run_scoped3A = tpu.sem_alloc : memref<!tpu.dma_semaphore, #tpu.memory_space<semaphore_mem>>
      %dma_start3A_148 = arith.constant 0 : i32
      %dma_start3A_149 = tpu.memref_slice %arg16[%add3A_30, %dma_start3A_148] : memref<11520x128xf32, #tpu.memory_space<vmem_shared>> -> memref<32x128xf32, #tpu.memory_space<vmem_shared>>
      %dma_start3A_150 = arith.constant 0 : i32
      %dma_start3A_151 = tpu.memref_slice %arg16[%add3A_30, %dma_start3A_150] : memref<11520x128xf32, #tpu.memory_space<vmem_shared>> -> memref<32x128xf32, #tpu.memory_space<vmem_shared>>
      tpu.enqueue_dma source(%arg14 : memref<32x128xf32, #tpu.memory_space<vmem>>) target(%dma_start3A_151 : memref<32x128xf32, #tpu.memory_space<vmem_shared>>) target_semaphore(%run_scoped3A : memref<!tpu.dma_semaphore, #tpu.memory_space<semaphore_mem>>)
      %dma_wait3A_152 = arith.constant 0 : i32
      %dma_wait3A_153 = tpu.memref_slice %arg16[%add3A_30, %dma_wait3A_152] : memref<11520x128xf32, #tpu.memory_space<vmem_shared>> -> memref<32x128xf32, #tpu.memory_space<vmem_shared>>
      %dma_wait3A_154 = arith.constant 0 : i32
      %dma_wait3A_155 = tpu.memref_slice %arg16[%add3A_30, %dma_wait3A_154] : memref<11520x128xf32, #tpu.memory_space<vmem_shared>> -> memref<32x128xf32, #tpu.memory_space<vmem_shared>>
      tpu.wait_dma2 semaphore(%run_scoped3A : memref<!tpu.dma_semaphore, #tpu.memory_space<semaphore_mem>>) src(%arg14 : memref<32x128xf32, #tpu.memory_space<vmem>>) dst(%dma_wait3A_155 : memref<32x128xf32, #tpu.memory_space<vmem_shared>>)
      tpu.yield
    }) : () -> ()
    %add3A_31 = arith.constant 352 : i32
    %add3A_32 = arith.addi %mul3A_8, %add3A_31 : i32
    "tpu.region"() ({
      %run_scoped3A = tpu.sem_alloc : memref<!tpu.dma_semaphore, #tpu.memory_space<semaphore_mem>>
      %dma_start3A_148 = arith.constant 0 : i32
      %dma_start3A_149 = tpu.memref_slice %arg16[%add3A_32, %dma_start3A_148] : memref<11520x128xf32, #tpu.memory_space<vmem_shared>> -> memref<32x128xf32, #tpu.memory_space<vmem_shared>>
      %dma_start3A_150 = arith.constant 0 : i32
      %dma_start3A_151 = tpu.memref_slice %arg16[%add3A_32, %dma_start3A_150] : memref<11520x128xf32, #tpu.memory_space<vmem_shared>> -> memref<32x128xf32, #tpu.memory_space<vmem_shared>>
      tpu.enqueue_dma source(%arg14 : memref<32x128xf32, #tpu.memory_space<vmem>>) target(%dma_start3A_151 : memref<32x128xf32, #tpu.memory_space<vmem_shared>>) target_semaphore(%run_scoped3A : memref<!tpu.dma_semaphore, #tpu.memory_space<semaphore_mem>>)
      %dma_wait3A_152 = arith.constant 0 : i32
      %dma_wait3A_153 = tpu.memref_slice %arg16[%add3A_32, %dma_wait3A_152] : memref<11520x128xf32, #tpu.memory_space<vmem_shared>> -> memref<32x128xf32, #tpu.memory_space<vmem_shared>>
      %dma_wait3A_154 = arith.constant 0 : i32
      %dma_wait3A_155 = tpu.memref_slice %arg16[%add3A_32, %dma_wait3A_154] : memref<11520x128xf32, #tpu.memory_space<vmem_shared>> -> memref<32x128xf32, #tpu.memory_space<vmem_shared>>
      tpu.wait_dma2 semaphore(%run_scoped3A : memref<!tpu.dma_semaphore, #tpu.memory_space<semaphore_mem>>) src(%arg14 : memref<32x128xf32, #tpu.memory_space<vmem>>) dst(%dma_wait3A_155 : memref<32x128xf32, #tpu.memory_space<vmem_shared>>)
      tpu.yield
    }) : () -> ()
    %add3A_33 = arith.constant 384 : i32
    %add3A_34 = arith.addi %mul3A_8, %add3A_33 : i32
    "tpu.region"() ({
      %run_scoped3A = tpu.sem_alloc : memref<!tpu.dma_semaphore, #tpu.memory_space<semaphore_mem>>
      %dma_start3A_148 = arith.constant 0 : i32
      %dma_start3A_149 = tpu.memref_slice %arg16[%add3A_34, %dma_start3A_148] : memref<11520x128xf32, #tpu.memory_space<vmem_shared>> -> memref<32x128xf32, #tpu.memory_space<vmem_shared>>
      %dma_start3A_150 = arith.constant 0 : i32
      %dma_start3A_151 = tpu.memref_slice %arg16[%add3A_34, %dma_start3A_150] : memref<11520x128xf32, #tpu.memory_space<vmem_shared>> -> memref<32x128xf32, #tpu.memory_space<vmem_shared>>
      tpu.enqueue_dma source(%arg14 : memref<32x128xf32, #tpu.memory_space<vmem>>) target(%dma_start3A_151 : memref<32x128xf32, #tpu.memory_space<vmem_shared>>) target_semaphore(%run_scoped3A : memref<!tpu.dma_semaphore, #tpu.memory_space<semaphore_mem>>)
      %dma_wait3A_152 = arith.constant 0 : i32
      %dma_wait3A_153 = tpu.memref_slice %arg16[%add3A_34, %dma_wait3A_152] : memref<11520x128xf32, #tpu.memory_space<vmem_shared>> -> memref<32x128xf32, #tpu.memory_space<vmem_shared>>
      %dma_wait3A_154 = arith.constant 0 : i32
      %dma_wait3A_155 = tpu.memref_slice %arg16[%add3A_34, %dma_wait3A_154] : memref<11520x128xf32, #tpu.memory_space<vmem_shared>> -> memref<32x128xf32, #tpu.memory_space<vmem_shared>>
      tpu.wait_dma2 semaphore(%run_scoped3A : memref<!tpu.dma_semaphore, #tpu.memory_space<semaphore_mem>>) src(%arg14 : memref<32x128xf32, #tpu.memory_space<vmem>>) dst(%dma_wait3A_155 : memref<32x128xf32, #tpu.memory_space<vmem_shared>>)
      tpu.yield
    }) : () -> ()
    %add3A_35 = arith.constant 416 : i32
    %add3A_36 = arith.addi %mul3A_8, %add3A_35 : i32
    "tpu.region"() ({
      %run_scoped3A = tpu.sem_alloc : memref<!tpu.dma_semaphore, #tpu.memory_space<semaphore_mem>>
      %dma_start3A_148 = arith.constant 0 : i32
      %dma_start3A_149 = tpu.memref_slice %arg16[%add3A_36, %dma_start3A_148] : memref<11520x128xf32, #tpu.memory_space<vmem_shared>> -> memref<32x128xf32, #tpu.memory_space<vmem_shared>>
      %dma_start3A_150 = arith.constant 0 : i32
      %dma_start3A_151 = tpu.memref_slice %arg16[%add3A_36, %dma_start3A_150] : memref<11520x128xf32, #tpu.memory_space<vmem_shared>> -> memref<32x128xf32, #tpu.memory_space<vmem_shared>>
      tpu.enqueue_dma source(%arg14 : memref<32x128xf32, #tpu.memory_space<vmem>>) target(%dma_start3A_151 : memref<32x128xf32, #tpu.memory_space<vmem_shared>>) target_semaphore(%run_scoped3A : memref<!tpu.dma_semaphore, #tpu.memory_space<semaphore_mem>>)
      %dma_wait3A_152 = arith.constant 0 : i32
      %dma_wait3A_153 = tpu.memref_slice %arg16[%add3A_36, %dma_wait3A_152] : memref<11520x128xf32, #tpu.memory_space<vmem_shared>> -> memref<32x128xf32, #tpu.memory_space<vmem_shared>>
      %dma_wait3A_154 = arith.constant 0 : i32
      %dma_wait3A_155 = tpu.memref_slice %arg16[%add3A_36, %dma_wait3A_154] : memref<11520x128xf32, #tpu.memory_space<vmem_shared>> -> memref<32x128xf32, #tpu.memory_space<vmem_shared>>
      tpu.wait_dma2 semaphore(%run_scoped3A : memref<!tpu.dma_semaphore, #tpu.memory_space<semaphore_mem>>) src(%arg14 : memref<32x128xf32, #tpu.memory_space<vmem>>) dst(%dma_wait3A_155 : memref<32x128xf32, #tpu.memory_space<vmem_shared>>)
      tpu.yield
    }) : () -> ()
    %add3A_37 = arith.constant 448 : i32
    %add3A_38 = arith.addi %mul3A_8, %add3A_37 : i32
    "tpu.region"() ({
      %run_scoped3A = tpu.sem_alloc : memref<!tpu.dma_semaphore, #tpu.memory_space<semaphore_mem>>
      %dma_start3A_148 = arith.constant 0 : i32
      %dma_start3A_149 = tpu.memref_slice %arg16[%add3A_38, %dma_start3A_148] : memref<11520x128xf32, #tpu.memory_space<vmem_shared>> -> memref<32x128xf32, #tpu.memory_space<vmem_shared>>
      %dma_start3A_150 = arith.constant 0 : i32
      %dma_start3A_151 = tpu.memref_slice %arg16[%add3A_38, %dma_start3A_150] : memref<11520x128xf32, #tpu.memory_space<vmem_shared>> -> memref<32x128xf32, #tpu.memory_space<vmem_shared>>
      tpu.enqueue_dma source(%arg14 : memref<32x128xf32, #tpu.memory_space<vmem>>) target(%dma_start3A_151 : memref<32x128xf32, #tpu.memory_space<vmem_shared>>) target_semaphore(%run_scoped3A : memref<!tpu.dma_semaphore, #tpu.memory_space<semaphore_mem>>)
      %dma_wait3A_152 = arith.constant 0 : i32
      %dma_wait3A_153 = tpu.memref_slice %arg16[%add3A_38, %dma_wait3A_152] : memref<11520x128xf32, #tpu.memory_space<vmem_shared>> -> memref<32x128xf32, #tpu.memory_space<vmem_shared>>
      %dma_wait3A_154 = arith.constant 0 : i32
      %dma_wait3A_155 = tpu.memref_slice %arg16[%add3A_38, %dma_wait3A_154] : memref<11520x128xf32, #tpu.memory_space<vmem_shared>> -> memref<32x128xf32, #tpu.memory_space<vmem_shared>>
      tpu.wait_dma2 semaphore(%run_scoped3A : memref<!tpu.dma_semaphore, #tpu.memory_space<semaphore_mem>>) src(%arg14 : memref<32x128xf32, #tpu.memory_space<vmem>>) dst(%dma_wait3A_155 : memref<32x128xf32, #tpu.memory_space<vmem_shared>>)
      tpu.yield
    }) : () -> ()
    %add3A_39 = arith.constant 480 : i32
    %add3A_40 = arith.addi %mul3A_8, %add3A_39 : i32
    "tpu.region"() ({
      %run_scoped3A = tpu.sem_alloc : memref<!tpu.dma_semaphore, #tpu.memory_space<semaphore_mem>>
      %dma_start3A_148 = arith.constant 0 : i32
      %dma_start3A_149 = tpu.memref_slice %arg16[%add3A_40, %dma_start3A_148] : memref<11520x128xf32, #tpu.memory_space<vmem_shared>> -> memref<32x128xf32, #tpu.memory_space<vmem_shared>>
      %dma_start3A_150 = arith.constant 0 : i32
      %dma_start3A_151 = tpu.memref_slice %arg16[%add3A_40, %dma_start3A_150] : memref<11520x128xf32, #tpu.memory_space<vmem_shared>> -> memref<32x128xf32, #tpu.memory_space<vmem_shared>>
      tpu.enqueue_dma source(%arg14 : memref<32x128xf32, #tpu.memory_space<vmem>>) target(%dma_start3A_151 : memref<32x128xf32, #tpu.memory_space<vmem_shared>>) target_semaphore(%run_scoped3A : memref<!tpu.dma_semaphore, #tpu.memory_space<semaphore_mem>>)
      %dma_wait3A_152 = arith.constant 0 : i32
      %dma_wait3A_153 = tpu.memref_slice %arg16[%add3A_40, %dma_wait3A_152] : memref<11520x128xf32, #tpu.memory_space<vmem_shared>> -> memref<32x128xf32, #tpu.memory_space<vmem_shared>>
      %dma_wait3A_154 = arith.constant 0 : i32
      %dma_wait3A_155 = tpu.memref_slice %arg16[%add3A_40, %dma_wait3A_154] : memref<11520x128xf32, #tpu.memory_space<vmem_shared>> -> memref<32x128xf32, #tpu.memory_space<vmem_shared>>
      tpu.wait_dma2 semaphore(%run_scoped3A : memref<!tpu.dma_semaphore, #tpu.memory_space<semaphore_mem>>) src(%arg14 : memref<32x128xf32, #tpu.memory_space<vmem>>) dst(%dma_wait3A_155 : memref<32x128xf32, #tpu.memory_space<vmem_shared>>)
      tpu.yield
    }) : () -> ()
    %add3A_41 = arith.constant 512 : i32
    %add3A_42 = arith.addi %mul3A_8, %add3A_41 : i32
    "tpu.region"() ({
      %run_scoped3A = tpu.sem_alloc : memref<!tpu.dma_semaphore, #tpu.memory_space<semaphore_mem>>
      %dma_start3A_148 = arith.constant 0 : i32
      %dma_start3A_149 = tpu.memref_slice %arg16[%add3A_42, %dma_start3A_148] : memref<11520x128xf32, #tpu.memory_space<vmem_shared>> -> memref<32x128xf32, #tpu.memory_space<vmem_shared>>
      %dma_start3A_150 = arith.constant 0 : i32
      %dma_start3A_151 = tpu.memref_slice %arg16[%add3A_42, %dma_start3A_150] : memref<11520x128xf32, #tpu.memory_space<vmem_shared>> -> memref<32x128xf32, #tpu.memory_space<vmem_shared>>
      tpu.enqueue_dma source(%arg14 : memref<32x128xf32, #tpu.memory_space<vmem>>) target(%dma_start3A_151 : memref<32x128xf32, #tpu.memory_space<vmem_shared>>) target_semaphore(%run_scoped3A : memref<!tpu.dma_semaphore, #tpu.memory_space<semaphore_mem>>)
      %dma_wait3A_152 = arith.constant 0 : i32
      %dma_wait3A_153 = tpu.memref_slice %arg16[%add3A_42, %dma_wait3A_152] : memref<11520x128xf32, #tpu.memory_space<vmem_shared>> -> memref<32x128xf32, #tpu.memory_space<vmem_shared>>
      %dma_wait3A_154 = arith.constant 0 : i32
      %dma_wait3A_155 = tpu.memref_slice %arg16[%add3A_42, %dma_wait3A_154] : memref<11520x128xf32, #tpu.memory_space<vmem_shared>> -> memref<32x128xf32, #tpu.memory_space<vmem_shared>>
      tpu.wait_dma2 semaphore(%run_scoped3A : memref<!tpu.dma_semaphore, #tpu.memory_space<semaphore_mem>>) src(%arg14 : memref<32x128xf32, #tpu.memory_space<vmem>>) dst(%dma_wait3A_155 : memref<32x128xf32, #tpu.memory_space<vmem_shared>>)
      tpu.yield
    }) : () -> ()
    %add3A_43 = arith.constant 544 : i32
    %add3A_44 = arith.addi %mul3A_8, %add3A_43 : i32
    "tpu.region"() ({
      %run_scoped3A = tpu.sem_alloc : memref<!tpu.dma_semaphore, #tpu.memory_space<semaphore_mem>>
      %dma_start3A_148 = arith.constant 0 : i32
      %dma_start3A_149 = tpu.memref_slice %arg16[%add3A_44, %dma_start3A_148] : memref<11520x128xf32, #tpu.memory_space<vmem_shared>> -> memref<32x128xf32, #tpu.memory_space<vmem_shared>>
      %dma_start3A_150 = arith.constant 0 : i32
      %dma_start3A_151 = tpu.memref_slice %arg16[%add3A_44, %dma_start3A_150] : memref<11520x128xf32, #tpu.memory_space<vmem_shared>> -> memref<32x128xf32, #tpu.memory_space<vmem_shared>>
      tpu.enqueue_dma source(%arg14 : memref<32x128xf32, #tpu.memory_space<vmem>>) target(%dma_start3A_151 : memref<32x128xf32, #tpu.memory_space<vmem_shared>>) target_semaphore(%run_scoped3A : memref<!tpu.dma_semaphore, #tpu.memory_space<semaphore_mem>>)
      %dma_wait3A_152 = arith.constant 0 : i32
      %dma_wait3A_153 = tpu.memref_slice %arg16[%add3A_44, %dma_wait3A_152] : memref<11520x128xf32, #tpu.memory_space<vmem_shared>> -> memref<32x128xf32, #tpu.memory_space<vmem_shared>>
      %dma_wait3A_154 = arith.constant 0 : i32
      %dma_wait3A_155 = tpu.memref_slice %arg16[%add3A_44, %dma_wait3A_154] : memref<11520x128xf32, #tpu.memory_space<vmem_shared>> -> memref<32x128xf32, #tpu.memory_space<vmem_shared>>
      tpu.wait_dma2 semaphore(%run_scoped3A : memref<!tpu.dma_semaphore, #tpu.memory_space<semaphore_mem>>) src(%arg14 : memref<32x128xf32, #tpu.memory_space<vmem>>) dst(%dma_wait3A_155 : memref<32x128xf32, #tpu.memory_space<vmem_shared>>)
      tpu.yield
    }) : () -> ()
    %add3A_45 = arith.constant 576 : i32
    %add3A_46 = arith.addi %mul3A_8, %add3A_45 : i32
    "tpu.region"() ({
      %run_scoped3A = tpu.sem_alloc : memref<!tpu.dma_semaphore, #tpu.memory_space<semaphore_mem>>
      %dma_start3A_148 = arith.constant 0 : i32
      %dma_start3A_149 = tpu.memref_slice %arg16[%add3A_46, %dma_start3A_148] : memref<11520x128xf32, #tpu.memory_space<vmem_shared>> -> memref<32x128xf32, #tpu.memory_space<vmem_shared>>
      %dma_start3A_150 = arith.constant 0 : i32
      %dma_start3A_151 = tpu.memref_slice %arg16[%add3A_46, %dma_start3A_150] : memref<11520x128xf32, #tpu.memory_space<vmem_shared>> -> memref<32x128xf32, #tpu.memory_space<vmem_shared>>
      tpu.enqueue_dma source(%arg14 : memref<32x128xf32, #tpu.memory_space<vmem>>) target(%dma_start3A_151 : memref<32x128xf32, #tpu.memory_space<vmem_shared>>) target_semaphore(%run_scoped3A : memref<!tpu.dma_semaphore, #tpu.memory_space<semaphore_mem>>)
      %dma_wait3A_152 = arith.constant 0 : i32
      %dma_wait3A_153 = tpu.memref_slice %arg16[%add3A_46, %dma_wait3A_152] : memref<11520x128xf32, #tpu.memory_space<vmem_shared>> -> memref<32x128xf32, #tpu.memory_space<vmem_shared>>
      %dma_wait3A_154 = arith.constant 0 : i32
      %dma_wait3A_155 = tpu.memref_slice %arg16[%add3A_46, %dma_wait3A_154] : memref<11520x128xf32, #tpu.memory_space<vmem_shared>> -> memref<32x128xf32, #tpu.memory_space<vmem_shared>>
      tpu.wait_dma2 semaphore(%run_scoped3A : memref<!tpu.dma_semaphore, #tpu.memory_space<semaphore_mem>>) src(%arg14 : memref<32x128xf32, #tpu.memory_space<vmem>>) dst(%dma_wait3A_155 : memref<32x128xf32, #tpu.memory_space<vmem_shared>>)
      tpu.yield
    }) : () -> ()
    %add3A_47 = arith.constant 608 : i32
    %add3A_48 = arith.addi %mul3A_8, %add3A_47 : i32
    "tpu.region"() ({
      %run_scoped3A = tpu.sem_alloc : memref<!tpu.dma_semaphore, #tpu.memory_space<semaphore_mem>>
      %dma_start3A_148 = arith.constant 0 : i32
      %dma_start3A_149 = tpu.memref_slice %arg16[%add3A_48, %dma_start3A_148] : memref<11520x128xf32, #tpu.memory_space<vmem_shared>> -> memref<32x128xf32, #tpu.memory_space<vmem_shared>>
      %dma_start3A_150 = arith.constant 0 : i32
      %dma_start3A_151 = tpu.memref_slice %arg16[%add3A_48, %dma_start3A_150] : memref<11520x128xf32, #tpu.memory_space<vmem_shared>> -> memref<32x128xf32, #tpu.memory_space<vmem_shared>>
      tpu.enqueue_dma source(%arg14 : memref<32x128xf32, #tpu.memory_space<vmem>>) target(%dma_start3A_151 : memref<32x128xf32, #tpu.memory_space<vmem_shared>>) target_semaphore(%run_scoped3A : memref<!tpu.dma_semaphore, #tpu.memory_space<semaphore_mem>>)
      %dma_wait3A_152 = arith.constant 0 : i32
      %dma_wait3A_153 = tpu.memref_slice %arg16[%add3A_48, %dma_wait3A_152] : memref<11520x128xf32, #tpu.memory_space<vmem_shared>> -> memref<32x128xf32, #tpu.memory_space<vmem_shared>>
      %dma_wait3A_154 = arith.constant 0 : i32
      %dma_wait3A_155 = tpu.memref_slice %arg16[%add3A_48, %dma_wait3A_154] : memref<11520x128xf32, #tpu.memory_space<vmem_shared>> -> memref<32x128xf32, #tpu.memory_space<vmem_shared>>
      tpu.wait_dma2 semaphore(%run_scoped3A : memref<!tpu.dma_semaphore, #tpu.memory_space<semaphore_mem>>) src(%arg14 : memref<32x128xf32, #tpu.memory_space<vmem>>) dst(%dma_wait3A_155 : memref<32x128xf32, #tpu.memory_space<vmem_shared>>)
      tpu.yield
    }) : () -> ()
    %add3A_49 = arith.constant 640 : i32
    %add3A_50 = arith.addi %mul3A_8, %add3A_49 : i32
    "tpu.region"() ({
      %run_scoped3A = tpu.sem_alloc : memref<!tpu.dma_semaphore, #tpu.memory_space<semaphore_mem>>
      %dma_start3A_148 = arith.constant 0 : i32
      %dma_start3A_149 = tpu.memref_slice %arg16[%add3A_50, %dma_start3A_148] : memref<11520x128xf32, #tpu.memory_space<vmem_shared>> -> memref<32x128xf32, #tpu.memory_space<vmem_shared>>
      %dma_start3A_150 = arith.constant 0 : i32
      %dma_start3A_151 = tpu.memref_slice %arg16[%add3A_50, %dma_start3A_150] : memref<11520x128xf32, #tpu.memory_space<vmem_shared>> -> memref<32x128xf32, #tpu.memory_space<vmem_shared>>
      tpu.enqueue_dma source(%arg14 : memref<32x128xf32, #tpu.memory_space<vmem>>) target(%dma_start3A_151 : memref<32x128xf32, #tpu.memory_space<vmem_shared>>) target_semaphore(%run_scoped3A : memref<!tpu.dma_semaphore, #tpu.memory_space<semaphore_mem>>)
      %dma_wait3A_152 = arith.constant 0 : i32
      %dma_wait3A_153 = tpu.memref_slice %arg16[%add3A_50, %dma_wait3A_152] : memref<11520x128xf32, #tpu.memory_space<vmem_shared>> -> memref<32x128xf32, #tpu.memory_space<vmem_shared>>
      %dma_wait3A_154 = arith.constant 0 : i32
      %dma_wait3A_155 = tpu.memref_slice %arg16[%add3A_50, %dma_wait3A_154] : memref<11520x128xf32, #tpu.memory_space<vmem_shared>> -> memref<32x128xf32, #tpu.memory_space<vmem_shared>>
      tpu.wait_dma2 semaphore(%run_scoped3A : memref<!tpu.dma_semaphore, #tpu.memory_space<semaphore_mem>>) src(%arg14 : memref<32x128xf32, #tpu.memory_space<vmem>>) dst(%dma_wait3A_155 : memref<32x128xf32, #tpu.memory_space<vmem_shared>>)
      tpu.yield
    }) : () -> ()
    %add3A_51 = arith.constant 672 : i32
    %add3A_52 = arith.addi %mul3A_8, %add3A_51 : i32
    "tpu.region"() ({
      %run_scoped3A = tpu.sem_alloc : memref<!tpu.dma_semaphore, #tpu.memory_space<semaphore_mem>>
      %dma_start3A_148 = arith.constant 0 : i32
      %dma_start3A_149 = tpu.memref_slice %arg16[%add3A_52, %dma_start3A_148] : memref<11520x128xf32, #tpu.memory_space<vmem_shared>> -> memref<32x128xf32, #tpu.memory_space<vmem_shared>>
      %dma_start3A_150 = arith.constant 0 : i32
      %dma_start3A_151 = tpu.memref_slice %arg16[%add3A_52, %dma_start3A_150] : memref<11520x128xf32, #tpu.memory_space<vmem_shared>> -> memref<32x128xf32, #tpu.memory_space<vmem_shared>>
      tpu.enqueue_dma source(%arg14 : memref<32x128xf32, #tpu.memory_space<vmem>>) target(%dma_start3A_151 : memref<32x128xf32, #tpu.memory_space<vmem_shared>>) target_semaphore(%run_scoped3A : memref<!tpu.dma_semaphore, #tpu.memory_space<semaphore_mem>>)
      %dma_wait3A_152 = arith.constant 0 : i32
      %dma_wait3A_153 = tpu.memref_slice %arg16[%add3A_52, %dma_wait3A_152] : memref<11520x128xf32, #tpu.memory_space<vmem_shared>> -> memref<32x128xf32, #tpu.memory_space<vmem_shared>>
      %dma_wait3A_154 = arith.constant 0 : i32
      %dma_wait3A_155 = tpu.memref_slice %arg16[%add3A_52, %dma_wait3A_154] : memref<11520x128xf32, #tpu.memory_space<vmem_shared>> -> memref<32x128xf32, #tpu.memory_space<vmem_shared>>
      tpu.wait_dma2 semaphore(%run_scoped3A : memref<!tpu.dma_semaphore, #tpu.memory_space<semaphore_mem>>) src(%arg14 : memref<32x128xf32, #tpu.memory_space<vmem>>) dst(%dma_wait3A_155 : memref<32x128xf32, #tpu.memory_space<vmem_shared>>)
      tpu.yield
    }) : () -> ()
    %add3A_53 = arith.constant 720 : i32
    %add3A_54 = arith.addi %mul3A_8, %add3A_53 : i32
    %sub3A = arith.constant 16 : i32
    %sub3A_55 = arith.subi %add3A_54, %sub3A : i32
    "tpu.region"() ({
      %run_scoped3A = tpu.sem_alloc : memref<!tpu.dma_semaphore, #tpu.memory_space<semaphore_mem>>
      %dma_start3A_148 = arith.constant 0 : i32
      %dma_start3A_149 = arith.constant 0 : i32
      %dma_start3A_150 = tpu.memref_slice %arg14[%dma_start3A_148, %dma_start3A_149] : memref<32x128xf32, #tpu.memory_space<vmem>> -> memref<16x128xf32, #tpu.memory_space<vmem>>
      %dma_start3A_151 = arith.constant 0 : i32
      %dma_start3A_152 = tpu.memref_slice %arg16[%sub3A_55, %dma_start3A_151] : memref<11520x128xf32, #tpu.memory_space<vmem_shared>> -> memref<16x128xf32, #tpu.memory_space<vmem_shared>>
      %dma_start3A_153 = arith.constant 0 : i32
      %dma_start3A_154 = tpu.memref_slice %arg16[%sub3A_55, %dma_start3A_153] : memref<11520x128xf32, #tpu.memory_space<vmem_shared>> -> memref<16x128xf32, #tpu.memory_space<vmem_shared>>
      %dma_start3A_155 = arith.constant 0 : i32
      %dma_start3A_156 = arith.constant 0 : i32
      %dma_start3A_157 = tpu.memref_slice %arg14[%dma_start3A_155, %dma_start3A_156] : memref<32x128xf32, #tpu.memory_space<vmem>> -> memref<16x128xf32, #tpu.memory_space<vmem>>
      tpu.enqueue_dma source(%dma_start3A_157 : memref<16x128xf32, #tpu.memory_space<vmem>>) target(%dma_start3A_154 : memref<16x128xf32, #tpu.memory_space<vmem_shared>>) target_semaphore(%run_scoped3A : memref<!tpu.dma_semaphore, #tpu.memory_space<semaphore_mem>>)
      %dma_wait3A_158 = arith.constant 0 : i32
      %dma_wait3A_159 = arith.constant 0 : i32
      %dma_wait3A_160 = tpu.memref_slice %arg14[%dma_wait3A_158, %dma_wait3A_159] : memref<32x128xf32, #tpu.memory_space<vmem>> -> memref<16x128xf32, #tpu.memory_space<vmem>>
      %dma_wait3A_161 = arith.constant 0 : i32
      %dma_wait3A_162 = tpu.memref_slice %arg16[%sub3A_55, %dma_wait3A_161] : memref<11520x128xf32, #tpu.memory_space<vmem_shared>> -> memref<16x128xf32, #tpu.memory_space<vmem_shared>>
      %dma_wait3A_163 = arith.constant 0 : i32
      %dma_wait3A_164 = tpu.memref_slice %arg16[%sub3A_55, %dma_wait3A_163] : memref<11520x128xf32, #tpu.memory_space<vmem_shared>> -> memref<16x128xf32, #tpu.memory_space<vmem_shared>>
      %dma_wait3A_165 = arith.constant 0 : i32
      %dma_wait3A_166 = arith.constant 0 : i32
      %dma_wait3A_167 = tpu.memref_slice %arg14[%dma_wait3A_165, %dma_wait3A_166] : memref<32x128xf32, #tpu.memory_space<vmem>> -> memref<16x128xf32, #tpu.memory_space<vmem>>
      tpu.wait_dma2 semaphore(%run_scoped3A : memref<!tpu.dma_semaphore, #tpu.memory_space<semaphore_mem>>) src(%dma_wait3A_167 : memref<16x128xf32, #tpu.memory_space<vmem>>) dst(%dma_wait3A_164 : memref<16x128xf32, #tpu.memory_space<vmem_shared>>)
      tpu.yield
    }) : () -> ()
    %barrier3A = arith.constant 0 : index
    tpu.barrier barrier_id(%barrier3A)
    %iota3A = tpu.iota {dimensions = array<i32: 0>} : vector<16xi32>
    %mul3A_56 = arith.constant 320 : i32
    %mul3A_57 = arith.muli %add3A, %mul3A_56 : i32
    %broadcast_in_dim3A_58 = arith.constant 0 : i32
    %broadcast_in_dim3A_59 = vector.broadcast %broadcast_in_dim3A_58 : i32 to vector<16xi32>
    %swap3A = arith.constant 0 : i32
    %swap3A_60 = arith.index_cast %swap3A : i32 to index
    %swap3A_61 = arith.constant 0 : index
    %swap3A_62 = tpu.vector_load %arg8[%swap3A_60, %swap3A_61] {strides = array<i32>} : memref<1x32xi32, #tpu.memory_space<vmem>>, vector<1x16xi32>,
    %swap3A_63 = vector.shape_cast %swap3A_62 : vector<1x16xi32> to vector<16xi32>
    %swap3A_64 = vector.shape_cast %broadcast_in_dim3A_59 : vector<16xi32> to vector<1x16xi32>
    tpu.vector_store %arg8[%swap3A_60, %swap3A_61], %swap3A_64 {strides = array<i32>} : memref<1x32xi32, #tpu.memory_space<vmem>>, vector<1x16xi32>,
    %broadcast_in_dim3A_65 = arith.constant 0 : i32
    %broadcast_in_dim3A_66 = vector.broadcast %broadcast_in_dim3A_65 : i32 to vector<16xi32>
    %swap3A_67 = arith.constant 0 : i32
    %swap3A_68 = arith.index_cast %swap3A_67 : i32 to index
    %swap3A_69 = arith.constant 0 : index
    %swap3A_70 = tpu.vector_load %arg9[%swap3A_68, %swap3A_69] {strides = array<i32>} : memref<1x32xi32, #tpu.memory_space<vmem>>, vector<1x16xi32>,
    %swap3A_71 = vector.shape_cast %swap3A_70 : vector<1x16xi32> to vector<16xi32>
    %swap3A_72 = vector.shape_cast %broadcast_in_dim3A_66 : vector<16xi32> to vector<1x16xi32>
    tpu.vector_store %arg9[%swap3A_68, %swap3A_69], %swap3A_72 {strides = array<i32>} : memref<1x32xi32, #tpu.memory_space<vmem>>, vector<1x16xi32>,
    %broadcast_in_dim3A_73 = arith.constant 0 : i32
    %broadcast_in_dim3A_74 = vector.broadcast %broadcast_in_dim3A_73 : i32 to vector<16xi32>
    %swap3A_75 = arith.constant 0 : i32
    %swap3A_76 = arith.index_cast %swap3A_75 : i32 to index
    %swap3A_77 = arith.constant 16 : index
    %swap3A_78 = tpu.vector_load %arg8[%swap3A_76, %swap3A_77] {strides = array<i32>} : memref<1x32xi32, #tpu.memory_space<vmem>>, vector<1x16xi32>,
    %swap3A_79 = vector.shape_cast %swap3A_78 : vector<1x16xi32> to vector<16xi32>
    %swap3A_80 = vector.shape_cast %broadcast_in_dim3A_74 : vector<16xi32> to vector<1x16xi32>
    tpu.vector_store %arg8[%swap3A_76, %swap3A_77], %swap3A_80 {strides = array<i32>} : memref<1x32xi32, #tpu.memory_space<vmem>>, vector<1x16xi32>,
    %broadcast_in_dim3A_81 = arith.constant 0 : i32
    %broadcast_in_dim3A_82 = vector.broadcast %broadcast_in_dim3A_81 : i32 to vector<16xi32>
    %swap3A_83 = arith.constant 0 : i32
    %swap3A_84 = arith.index_cast %swap3A_83 : i32 to index
    %swap3A_85 = arith.constant 16 : index
    %swap3A_86 = tpu.vector_load %arg9[%swap3A_84, %swap3A_85] {strides = array<i32>} : memref<1x32xi32, #tpu.memory_space<vmem>>, vector<1x16xi32>,
    %swap3A_87 = vector.shape_cast %swap3A_86 : vector<1x16xi32> to vector<16xi32>
    %swap3A_88 = vector.shape_cast %broadcast_in_dim3A_82 : vector<16xi32> to vector<1x16xi32>
    tpu.vector_store %arg9[%swap3A_84, %swap3A_85], %swap3A_88 {strides = array<i32>} : memref<1x32xi32, #tpu.memory_space<vmem>>, vector<1x16xi32>,
    %dma_start3A = arith.constant 0 : i32
    %dma_start3A_89 = arith.constant 0 : i32
    %dma_start3A_90 = tpu.memref_slice %arg8[%dma_start3A, %dma_start3A_89] : memref<1x32xi32, #tpu.memory_space<vmem>> -> memref<1x32xi32, #tpu.memory_space<vmem>>
    %dma_start3A_91 = tpu.memref_squeeze %dma_start3A_90 : memref<1x32xi32, #tpu.memory_space<vmem>> -> memref<32xi32, #tpu.memory_space<vmem>>
    %dma_start3A_92 = arith.constant 0 : i32
    %dma_start3A_93 = arith.constant 0 : i32
    %dma_start3A_94 = tpu.memref_slice %arg16[%dma_start3A_92, %dma_start3A_93] : memref<11520x128xf32, #tpu.memory_space<vmem_shared>> -> memref<11520x128xf32, #tpu.memory_space<vmem_shared>>
    tpu.enqueue_indirect_dma source(%arg14 : memref<32x128xf32, #tpu.memory_space<vmem>>) target(%dma_start3A_94 : memref<11520x128xf32, #tpu.memory_space<vmem_shared>>) offsets(%dma_start3A_91 : memref<32xi32, #tpu.memory_space<vmem>>) semaphore(%arg21 : memref<!tpu.dma_semaphore, #tpu.memory_space<semaphore_mem>>) {add = true}
    %dma_start3A_95 = arith.constant 0 : i32
    %dma_start3A_96 = arith.constant 0 : i32
    %dma_start3A_97 = tpu.memref_slice %arg9[%dma_start3A_95, %dma_start3A_96] : memref<1x32xi32, #tpu.memory_space<vmem>> -> memref<1x32xi32, #tpu.memory_space<vmem>>
    %dma_start3A_98 = tpu.memref_squeeze %dma_start3A_97 : memref<1x32xi32, #tpu.memory_space<vmem>> -> memref<32xi32, #tpu.memory_space<vmem>>
    %dma_start3A_99 = arith.constant 0 : i32
    %dma_start3A_100 = arith.constant 0 : i32
    %dma_start3A_101 = tpu.memref_slice %arg16[%dma_start3A_99, %dma_start3A_100] : memref<11520x128xf32, #tpu.memory_space<vmem_shared>> -> memref<11520x128xf32, #tpu.memory_space<vmem_shared>>
    tpu.enqueue_indirect_dma source(%arg14 : memref<32x128xf32, #tpu.memory_space<vmem>>) target(%dma_start3A_101 : memref<11520x128xf32, #tpu.memory_space<vmem_shared>>) offsets(%dma_start3A_98 : memref<32xi32, #tpu.memory_space<vmem>>) semaphore(%arg22 : memref<!tpu.dma_semaphore, #tpu.memory_space<semaphore_mem>>) {add = true}
    %add3A_102 = arith.constant 0 : i32
    %add3A_103 = arith.addi %mul3A_57, %add3A_102 : i32
    "tpu.region"() ({
      %run_scoped3A = tpu.sem_alloc : memref<!tpu.dma_semaphore, #tpu.memory_space<semaphore_mem>>
      %dma_start3A_148 = arith.constant 0 : i32
      %dma_start3A_149 = arith.constant 0 : i32
      %dma_start3A_150 = tpu.memref_slice %arg4[%add3A_103, %dma_start3A_148, %dma_start3A_149] : memref<10241x2x32xi32, #tpu.memory_space<hbm>> -> memref<1x2x32xi32, #tpu.memory_space<hbm>>
      %dma_start3A_151 = tpu.memref_squeeze %dma_start3A_150 : memref<1x2x32xi32, #tpu.memory_space<hbm>> -> memref<2x32xi32, #tpu.memory_space<hbm>>
      %dma_start3A_152 = arith.constant 0 : i32
      %dma_start3A_153 = arith.constant 0 : i32
      %dma_start3A_154 = tpu.memref_slice %arg4[%add3A_103, %dma_start3A_152, %dma_start3A_153] : memref<10241x2x32xi32, #tpu.memory_space<hbm>> -> memref<1x2x32xi32, #tpu.memory_space<hbm>>
      %dma_start3A_155 = tpu.memref_squeeze %dma_start3A_154 : memref<1x2x32xi32, #tpu.memory_space<hbm>> -> memref<2x32xi32, #tpu.memory_space<hbm>>
      tpu.enqueue_dma source(%dma_start3A_155 : memref<2x32xi32, #tpu.memory_space<hbm>>) target(%arg6 : memref<2x32xi32, #tpu.memory_space<vmem>>) target_semaphore(%run_scoped3A : memref<!tpu.dma_semaphore, #tpu.memory_space<semaphore_mem>>)
      %dma_wait3A_156 = arith.constant 0 : i32
      %dma_wait3A_157 = arith.constant 0 : i32
      %dma_wait3A_158 = tpu.memref_slice %arg4[%add3A_103, %dma_wait3A_156, %dma_wait3A_157] : memref<10241x2x32xi32, #tpu.memory_space<hbm>> -> memref<1x2x32xi32, #tpu.memory_space<hbm>>
      %dma_wait3A_159 = tpu.memref_squeeze %dma_wait3A_158 : memref<1x2x32xi32, #tpu.memory_space<hbm>> -> memref<2x32xi32, #tpu.memory_space<hbm>>
      %dma_wait3A_160 = arith.constant 0 : i32
      %dma_wait3A_161 = arith.constant 0 : i32
      %dma_wait3A_162 = tpu.memref_slice %arg4[%add3A_103, %dma_wait3A_160, %dma_wait3A_161] : memref<10241x2x32xi32, #tpu.memory_space<hbm>> -> memref<1x2x32xi32, #tpu.memory_space<hbm>>
      %dma_wait3A_163 = tpu.memref_squeeze %dma_wait3A_162 : memref<1x2x32xi32, #tpu.memory_space<hbm>> -> memref<2x32xi32, #tpu.memory_space<hbm>>
      tpu.wait_dma2 semaphore(%run_scoped3A : memref<!tpu.dma_semaphore, #tpu.memory_space<semaphore_mem>>) src(%dma_wait3A_163 : memref<2x32xi32, #tpu.memory_space<hbm>>) dst(%arg6 : memref<2x32xi32, #tpu.memory_space<vmem>>)
      tpu.yield
    }) : () -> ()
    %dma_start3A_104 = arith.constant 0 : i32
    %dma_start3A_105 = arith.constant 0 : i32
    %dma_start3A_106 = tpu.memref_slice %arg6[%dma_start3A_104, %dma_start3A_105] : memref<2x32xi32, #tpu.memory_space<vmem>> -> memref<1x32xi32, #tpu.memory_space<vmem>>
    %dma_start3A_107 = tpu.memref_squeeze %dma_start3A_106 : memref<1x32xi32, #tpu.memory_space<vmem>> -> memref<32xi32, #tpu.memory_space<vmem>>
    %dma_start3A_108 = arith.constant 0 : i32
    %dma_start3A_109 = arith.constant 0 : i32
    %dma_start3A_110 = tpu.memref_slice %arg2[%dma_start3A_108, %dma_start3A_109] : memref<10240x128xf32, #tpu.memory_space<hbm>> -> memref<10240x128xf32, #tpu.memory_space<hbm>>
    tpu.enqueue_indirect_dma source(%dma_start3A_110 : memref<10240x128xf32, #tpu.memory_space<hbm>>) target(%arg10 : memref<32x128xf32, #tpu.memory_space<vmem>>) offsets(%dma_start3A_107 : memref<32xi32, #tpu.memory_space<vmem>>) semaphore(%arg17 : memref<!tpu.dma_semaphore, #tpu.memory_space<semaphore_mem>>)
    %dma_start3A_111 = arith.constant 1 : i32
    %dma_start3A_112 = arith.constant 0 : i32
    %dma_start3A_113 = tpu.memref_slice %arg6[%dma_start3A_111, %dma_start3A_112] : memref<2x32xi32, #tpu.memory_space<vmem>> -> memref<1x32xi32, #tpu.memory_space<vmem>>
    %dma_start3A_114 = tpu.memref_squeeze %dma_start3A_113 : memref<1x32xi32, #tpu.memory_space<vmem>> -> memref<32xi32, #tpu.memory_space<vmem>>
    %dma_start3A_115 = arith.constant 0 : i32
    %dma_start3A_116 = arith.constant 0 : i32
    %dma_start3A_117 = tpu.memref_slice %arg3[%dma_start3A_115, %dma_start3A_116] : memref<10240x256xf32, #tpu.memory_space<hbm>> -> memref<10240x256xf32, #tpu.memory_space<hbm>>
    tpu.enqueue_indirect_dma source(%dma_start3A_117 : memref<10240x256xf32, #tpu.memory_space<hbm>>) target(%arg12 : memref<32x256xf32, #tpu.memory_space<vmem>>) offsets(%dma_start3A_114 : memref<32xi32, #tpu.memory_space<vmem>>) semaphore(%arg19 : memref<!tpu.dma_semaphore, #tpu.memory_space<semaphore_mem>>)
    %scan3A_118 = arith.constant 0 : i32
    %scan3A_119 = arith.constant 0 : i32
    %scan3A_120 = arith.constant 160 : i32
    %scan3A_121 = arith.addi %scan3A_119, %scan3A_120 : i32
    %scan3A_122 = arith.constant 1 : i32
    scf.for %scan3A_148 = %scan3A_119 to %scan3A_121 step %scan3A_122  : i32 {
      %mul3A_149 = arith.constant 2 : i32
      %mul3A_150 = arith.muli %mul3A_149, %scan3A_148 : i32
      %add3A_151 = arith.constant 1 : i32
      %add3A_152 = arith.addi %mul3A_150, %add3A_151 : i32
      %add3A_153 = arith.addi %mul3A_57, %add3A_152 : i32
      "tpu.region"() ({
        %run_scoped3A_360 = tpu.sem_alloc : memref<!tpu.dma_semaphore, #tpu.memory_space<semaphore_mem>>
        %dma_start3A_361 = arith.constant 0 : i32
        %dma_start3A_362 = arith.constant 0 : i32
        %dma_start3A_363 = tpu.memref_slice %arg4[%add3A_153, %dma_start3A_361, %dma_start3A_362] : memref<10241x2x32xi32, #tpu.memory_space<hbm>> -> memref<1x2x32xi32, #tpu.memory_space<hbm>>
        %dma_start3A_364 = tpu.memref_squeeze %dma_start3A_363 : memref<1x2x32xi32, #tpu.memory_space<hbm>> -> memref<2x32xi32, #tpu.memory_space<hbm>>
        %dma_start3A_365 = arith.constant 0 : i32
        %dma_start3A_366 = arith.constant 0 : i32
        %dma_start3A_367 = tpu.memref_slice %arg4[%add3A_153, %dma_start3A_365, %dma_start3A_366] : memref<10241x2x32xi32, #tpu.memory_space<hbm>> -> memref<1x2x32xi32, #tpu.memory_space<hbm>>
        %dma_start3A_368 = tpu.memref_squeeze %dma_start3A_367 : memref<1x2x32xi32, #tpu.memory_space<hbm>> -> memref<2x32xi32, #tpu.memory_space<hbm>>
        tpu.enqueue_dma source(%dma_start3A_368 : memref<2x32xi32, #tpu.memory_space<hbm>>) target(%arg7 : memref<2x32xi32, #tpu.memory_space<vmem>>) target_semaphore(%run_scoped3A_360 : memref<!tpu.dma_semaphore, #tpu.memory_space<semaphore_mem>>)
        %dma_wait3A_369 = arith.constant 0 : i32
        %dma_wait3A_370 = arith.constant 0 : i32
        %dma_wait3A_371 = tpu.memref_slice %arg4[%add3A_153, %dma_wait3A_369, %dma_wait3A_370] : memref<10241x2x32xi32, #tpu.memory_space<hbm>> -> memref<1x2x32xi32, #tpu.memory_space<hbm>>
        %dma_wait3A_372 = tpu.memref_squeeze %dma_wait3A_371 : memref<1x2x32xi32, #tpu.memory_space<hbm>> -> memref<2x32xi32, #tpu.memory_space<hbm>>
        %dma_wait3A_373 = arith.constant 0 : i32
        %dma_wait3A_374 = arith.constant 0 : i32
        %dma_wait3A_375 = tpu.memref_slice %arg4[%add3A_153, %dma_wait3A_373, %dma_wait3A_374] : memref<10241x2x32xi32, #tpu.memory_space<hbm>> -> memref<1x2x32xi32, #tpu.memory_space<hbm>>
        %dma_wait3A_376 = tpu.memref_squeeze %dma_wait3A_375 : memref<1x2x32xi32, #tpu.memory_space<hbm>> -> memref<2x32xi32, #tpu.memory_space<hbm>>
        tpu.wait_dma2 semaphore(%run_scoped3A_360 : memref<!tpu.dma_semaphore, #tpu.memory_space<semaphore_mem>>) src(%dma_wait3A_376 : memref<2x32xi32, #tpu.memory_space<hbm>>) dst(%arg7 : memref<2x32xi32, #tpu.memory_space<vmem>>)
        tpu.yield
      }) : () -> ()
      %dma_start3A_154 = arith.constant 0 : i32
      %dma_start3A_155 = arith.constant 0 : i32
      %dma_start3A_156 = tpu.memref_slice %arg7[%dma_start3A_154, %dma_start3A_155] : memref<2x32xi32, #tpu.memory_space<vmem>> -> memref<1x32xi32, #tpu.memory_space<vmem>>
      %dma_start3A_157 = tpu.memref_squeeze %dma_start3A_156 : memref<1x32xi32, #tpu.memory_space<vmem>> -> memref<32xi32, #tpu.memory_space<vmem>>
      %dma_start3A_158 = arith.constant 0 : i32
      %dma_start3A_159 = arith.constant 0 : i32
      %dma_start3A_160 = tpu.memref_slice %arg2[%dma_start3A_158, %dma_start3A_159] : memref<10240x128xf32, #tpu.memory_space<hbm>> -> memref<10240x128xf32, #tpu.memory_space<hbm>>
      tpu.enqueue_indirect_dma source(%dma_start3A_160 : memref<10240x128xf32, #tpu.memory_space<hbm>>) target(%arg11 : memref<32x128xf32, #tpu.memory_space<vmem>>) offsets(%dma_start3A_157 : memref<32xi32, #tpu.memory_space<vmem>>) semaphore(%arg18 : memref<!tpu.dma_semaphore, #tpu.memory_space<semaphore_mem>>)
      %dma_start3A_161 = arith.constant 1 : i32
      %dma_start3A_162 = arith.constant 0 : i32
      %dma_start3A_163 = tpu.memref_slice %arg7[%dma_start3A_161, %dma_start3A_162] : memref<2x32xi32, #tpu.memory_space<vmem>> -> memref<1x32xi32, #tpu.memory_space<vmem>>
      %dma_start3A_164 = tpu.memref_squeeze %dma_start3A_163 : memref<1x32xi32, #tpu.memory_space<vmem>> -> memref<32xi32, #tpu.memory_space<vmem>>
      %dma_start3A_165 = arith.constant 0 : i32
      %dma_start3A_166 = arith.constant 0 : i32
      %dma_start3A_167 = tpu.memref_slice %arg3[%dma_start3A_165, %dma_start3A_166] : memref<10240x256xf32, #tpu.memory_space<hbm>> -> memref<10240x256xf32, #tpu.memory_space<hbm>>
      tpu.enqueue_indirect_dma source(%dma_start3A_167 : memref<10240x256xf32, #tpu.memory_space<hbm>>) target(%arg13 : memref<32x256xf32, #tpu.memory_space<vmem>>) offsets(%dma_start3A_164 : memref<32xi32, #tpu.memory_space<vmem>>) semaphore(%arg20 : memref<!tpu.dma_semaphore, #tpu.memory_space<semaphore_mem>>)
      %dma_wait3A_168 = arith.constant 0 : i32
      %dma_wait3A_169 = arith.constant 0 : i32
      %dma_wait3A_170 = tpu.memref_slice %arg2[%dma_wait3A_168, %dma_wait3A_169] : memref<10240x128xf32, #tpu.memory_space<hbm>> -> memref<32x128xf32, #tpu.memory_space<hbm>>
      %dma_wait3A_171 = arith.constant 0 : i32
      %dma_wait3A_172 = arith.constant 0 : i32
      %dma_wait3A_173 = tpu.memref_slice %arg2[%dma_wait3A_171, %dma_wait3A_172] : memref<10240x128xf32, #tpu.memory_space<hbm>> -> memref<32x128xf32, #tpu.memory_space<hbm>>
      tpu.wait_dma2 semaphore(%arg17 : memref<!tpu.dma_semaphore, #tpu.memory_space<semaphore_mem>>) src(%dma_wait3A_173 : memref<32x128xf32, #tpu.memory_space<hbm>>) dst(%arg10 : memref<32x128xf32, #tpu.memory_space<vmem>>)
      %dma_wait3A_174 = arith.constant 0 : i32
      %dma_wait3A_175 = arith.constant 0 : i32
      %dma_wait3A_176 = tpu.memref_slice %arg3[%dma_wait3A_174, %dma_wait3A_175] : memref<10240x256xf32, #tpu.memory_space<hbm>> -> memref<32x256xf32, #tpu.memory_space<hbm>>
      %dma_wait3A_177 = arith.constant 0 : i32
      %dma_wait3A_178 = arith.constant 0 : i32
      %dma_wait3A_179 = tpu.memref_slice %arg3[%dma_wait3A_177, %dma_wait3A_178] : memref<10240x256xf32, #tpu.memory_space<hbm>> -> memref<32x256xf32, #tpu.memory_space<hbm>>
      tpu.wait_dma2 semaphore(%arg19 : memref<!tpu.dma_semaphore, #tpu.memory_space<semaphore_mem>>) src(%dma_wait3A_179 : memref<32x256xf32, #tpu.memory_space<hbm>>) dst(%arg12 : memref<32x256xf32, #tpu.memory_space<vmem>>)
      %dma_wait3A_180 = arith.constant 0 : i32
      %dma_wait3A_181 = arith.constant 0 : i32
      %dma_wait3A_182 = tpu.memref_slice %arg2[%dma_wait3A_180, %dma_wait3A_181] : memref<10240x128xf32, #tpu.memory_space<hbm>> -> memref<32x128xf32, #tpu.memory_space<hbm>>
      %dma_wait3A_183 = arith.constant 0 : i32
      %dma_wait3A_184 = arith.constant 0 : i32
      %dma_wait3A_185 = tpu.memref_slice %arg2[%dma_wait3A_183, %dma_wait3A_184] : memref<10240x128xf32, #tpu.memory_space<hbm>> -> memref<32x128xf32, #tpu.memory_space<hbm>>
      tpu.wait_dma2 semaphore(%arg21 : memref<!tpu.dma_semaphore, #tpu.memory_space<semaphore_mem>>) src(%dma_wait3A_185 : memref<32x128xf32, #tpu.memory_space<hbm>>) dst(%arg14 : memref<32x128xf32, #tpu.memory_space<vmem>>)
      %get3A = arith.constant 0 : i32
      %get3A_186 = arith.index_cast %get3A : i32 to index
      %get3A_187 = arith.constant 0 : index
      %get3A_188 = tpu.vector_load %arg6[%get3A_186, %get3A_187] {strides = array<i32>} : memref<2x32xi32, #tpu.memory_space<vmem>>, vector<1x16xi32>,
      %get3A_189 = vector.shape_cast %get3A_188 : vector<1x16xi32> to vector<16xi32>
      %shift_right_logical3A = arith.constant 3 : i32
      %shift_right_logical3A_190 = vector.broadcast %shift_right_logical3A : i32 to vector<16xi32>
      %shift_right_logical3A_191 = arith.shrui %get3A_189, %shift_right_logical3A_190 : vector<16xi32>
      %add3A_192 = arith.constant 10240 : i32
      %add3A_193 = vector.broadcast %add3A_192 : i32 to vector<16xi32>
      %add3A_194 = arith.addi %add3A_193, %shift_right_logical3A_191 : vector<16xi32>
      %swap3A_195 = arith.constant 0 : i32
      %swap3A_196 = arith.index_cast %swap3A_195 : i32 to index
      %swap3A_197 = arith.constant 0 : index
      %swap3A_198 = tpu.vector_load %arg8[%swap3A_196, %swap3A_197] {strides = array<i32>} : memref<1x32xi32, #tpu.memory_space<vmem>>, vector<1x16xi32>,
      %swap3A_199 = vector.shape_cast %swap3A_198 : vector<1x16xi32> to vector<16xi32>
      %swap3A_200 = vector.shape_cast %add3A_194 : vector<16xi32> to vector<1x16xi32>
      tpu.vector_store %arg8[%swap3A_196, %swap3A_197], %swap3A_200 {strides = array<i32>} : memref<1x32xi32, #tpu.memory_space<vmem>>, vector<1x16xi32>,
      %get3A_201 = arith.constant 0 : i32
      %get3A_202 = arith.index_cast %get3A_201 : i32 to index
      %get3A_203 = arith.constant 16 : index
      %get3A_204 = tpu.vector_load %arg6[%get3A_202, %get3A_203] {strides = array<i32>} : memref<2x32xi32, #tpu.memory_space<vmem>>, vector<1x16xi32>,
      %get3A_205 = vector.shape_cast %get3A_204 : vector<1x16xi32> to vector<16xi32>
      %shift_right_logical3A_206 = arith.constant 3 : i32
      %shift_right_logical3A_207 = vector.broadcast %shift_right_logical3A_206 : i32 to vector<16xi32>
      %shift_right_logical3A_208 = arith.shrui %get3A_205, %shift_right_logical3A_207 : vector<16xi32>
      %add3A_209 = arith.constant 10240 : i32
      %add3A_210 = vector.broadcast %add3A_209 : i32 to vector<16xi32>
      %add3A_211 = arith.addi %add3A_210, %shift_right_logical3A_208 : vector<16xi32>
      %swap3A_212 = arith.constant 0 : i32
      %swap3A_213 = arith.index_cast %swap3A_212 : i32 to index
      %swap3A_214 = arith.constant 16 : index
      %swap3A_215 = tpu.vector_load %arg8[%swap3A_213, %swap3A_214] {strides = array<i32>} : memref<1x32xi32, #tpu.memory_space<vmem>>, vector<1x16xi32>,
      %swap3A_216 = vector.shape_cast %swap3A_215 : vector<1x16xi32> to vector<16xi32>
      %swap3A_217 = vector.shape_cast %add3A_211 : vector<16xi32> to vector<1x16xi32>
      tpu.vector_store %arg8[%swap3A_213, %swap3A_214], %swap3A_217 {strides = array<i32>} : memref<1x32xi32, #tpu.memory_space<vmem>>, vector<1x16xi32>,
      %and3A = arith.constant 8 : i32
      %and3A_218 = vector.broadcast %and3A : i32 to vector<16xi32>
      %and3A_219 = arith.andi %iota3A, %and3A_218 : vector<16xi32>
      %eq3A = arith.constant 0 : i32
      %eq3A_220 = vector.broadcast %eq3A : i32 to vector<16xi32>
      %eq3A_221 = arith.cmpi eq, %and3A_219, %eq3A_220 : vector<16xi32>
      %and3A_222 = arith.constant 4 : i32
      %and3A_223 = vector.broadcast %and3A_222 : i32 to vector<16xi32>
      %and3A_224 = arith.andi %iota3A, %and3A_223 : vector<16xi32>
      %eq3A_225 = arith.constant 0 : i32
      %eq3A_226 = vector.broadcast %eq3A_225 : i32 to vector<16xi32>
      %eq3A_227 = arith.cmpi eq, %and3A_224, %eq3A_226 : vector<16xi32>
      %and3A_228 = arith.constant 2 : i32
      %and3A_229 = vector.broadcast %and3A_228 : i32 to vector<16xi32>
      %and3A_230 = arith.andi %iota3A, %and3A_229 : vector<16xi32>
      %eq3A_231 = arith.constant 0 : i32
      %eq3A_232 = vector.broadcast %eq3A_231 : i32 to vector<16xi32>
      %eq3A_233 = arith.cmpi eq, %and3A_230, %eq3A_232 : vector<16xi32>
      %and3A_234 = arith.constant 1 : i32
      %and3A_235 = vector.broadcast %and3A_234 : i32 to vector<16xi32>
      %and3A_236 = arith.andi %iota3A, %and3A_235 : vector<16xi32>
      %eq3A_237 = arith.constant 0 : i32
      %eq3A_238 = vector.broadcast %eq3A_237 : i32 to vector<16xi32>
      %eq3A_239 = arith.cmpi eq, %and3A_236, %eq3A_238 : vector<16xi32>
      %scan3A_240 = arith.constant 0 : i32
      %scan3A_241 = arith.constant 0 : i32
      %scan3A_242 = arith.constant 32 : i32
      %scan3A_243 = arith.addi %scan3A_241, %scan3A_242 : i32
      %scan3A_244 = arith.constant 1 : i32
      scf.for %scan3A_360 = %scan3A_241 to %scan3A_243 step %scan3A_244  : i32 {
        %get3A_361 = arith.index_cast %scan3A_360 : i32 to index
        %get3A_362 = arith.constant 0 : index
        %get3A_363 = tpu.vector_load %arg10[%get3A_361, %get3A_362] {strides = array<i32>} : memref<32x128xf32, #tpu.memory_space<vmem>>, vector<1x16xf32>,
        %get3A_364 = vector.shape_cast %get3A_363 : vector<1x16xf32> to vector<16xf32>
        %get3A_365 = arith.index_cast %scan3A_360 : i32 to index
        %get3A_366 = arith.constant 0 : index
        %get3A_367 = tpu.vector_load %arg12[%get3A_365, %get3A_366] {strides = array<i32>} : memref<32x256xf32, #tpu.memory_space<vmem>>, vector<1x16xf32>,
        %get3A_368 = vector.shape_cast %get3A_367 : vector<1x16xf32> to vector<16xf32>
        %mul3A_369 = arith.mulf %get3A_364, %get3A_368 : vector<16xf32>
        %get3A_370 = arith.index_cast %scan3A_360 : i32 to index
        %get3A_371 = arith.constant 16 : index
        %get3A_372 = tpu.vector_load %arg10[%get3A_370, %get3A_371] {strides = array<i32>} : memref<32x128xf32, #tpu.memory_space<vmem>>, vector<1x16xf32>,
        %get3A_373 = vector.shape_cast %get3A_372 : vector<1x16xf32> to vector<16xf32>
        %get3A_374 = arith.index_cast %scan3A_360 : i32 to index
        %get3A_375 = arith.constant 16 : index
        %get3A_376 = tpu.vector_load %arg12[%get3A_374, %get3A_375] {strides = array<i32>} : memref<32x256xf32, #tpu.memory_space<vmem>>, vector<1x16xf32>,
        %get3A_377 = vector.shape_cast %get3A_376 : vector<1x16xf32> to vector<16xf32>
        %mul3A_378 = arith.mulf %get3A_373, %get3A_377 : vector<16xf32>
        %get3A_379 = arith.index_cast %scan3A_360 : i32 to index
        %get3A_380 = arith.constant 32 : index
        %get3A_381 = tpu.vector_load %arg10[%get3A_379, %get3A_380] {strides = array<i32>} : memref<32x128xf32, #tpu.memory_space<vmem>>, vector<1x16xf32>,
        %get3A_382 = vector.shape_cast %get3A_381 : vector<1x16xf32> to vector<16xf32>
        %get3A_383 = arith.index_cast %scan3A_360 : i32 to index
        %get3A_384 = arith.constant 32 : index
        %get3A_385 = tpu.vector_load %arg12[%get3A_383, %get3A_384] {strides = array<i32>} : memref<32x256xf32, #tpu.memory_space<vmem>>, vector<1x16xf32>,
        %get3A_386 = vector.shape_cast %get3A_385 : vector<1x16xf32> to vector<16xf32>
        %mul3A_387 = arith.mulf %get3A_382, %get3A_386 : vector<16xf32>
        %get3A_388 = arith.index_cast %scan3A_360 : i32 to index
        %get3A_389 = arith.constant 48 : index
        %get3A_390 = tpu.vector_load %arg10[%get3A_388, %get3A_389] {strides = array<i32>} : memref<32x128xf32, #tpu.memory_space<vmem>>, vector<1x16xf32>,
        %get3A_391 = vector.shape_cast %get3A_390 : vector<1x16xf32> to vector<16xf32>
        %get3A_392 = arith.index_cast %scan3A_360 : i32 to index
        %get3A_393 = arith.constant 48 : index
        %get3A_394 = tpu.vector_load %arg12[%get3A_392, %get3A_393] {strides = array<i32>} : memref<32x256xf32, #tpu.memory_space<vmem>>, vector<1x16xf32>,
        %get3A_395 = vector.shape_cast %get3A_394 : vector<1x16xf32> to vector<16xf32>
        %mul3A_396 = arith.mulf %get3A_391, %get3A_395 : vector<16xf32>
        %get3A_397 = arith.index_cast %scan3A_360 : i32 to index
        %get3A_398 = arith.constant 64 : index
        %get3A_399 = tpu.vector_load %arg10[%get3A_397, %get3A_398] {strides = array<i32>} : memref<32x128xf32, #tpu.memory_space<vmem>>, vector<1x16xf32>,
        %get3A_400 = vector.shape_cast %get3A_399 : vector<1x16xf32> to vector<16xf32>
        %get3A_401 = arith.index_cast %scan3A_360 : i32 to index
        %get3A_402 = arith.constant 64 : index
        %get3A_403 = tpu.vector_load %arg12[%get3A_401, %get3A_402] {strides = array<i32>} : memref<32x256xf32, #tpu.memory_space<vmem>>, vector<1x16xf32>,
        %get3A_404 = vector.shape_cast %get3A_403 : vector<1x16xf32> to vector<16xf32>
        %mul3A_405 = arith.mulf %get3A_400, %get3A_404 : vector<16xf32>
        %get3A_406 = arith.index_cast %scan3A_360 : i32 to index
        %get3A_407 = arith.constant 80 : index
        %get3A_408 = tpu.vector_load %arg10[%get3A_406, %get3A_407] {strides = array<i32>} : memref<32x128xf32, #tpu.memory_space<vmem>>, vector<1x16xf32>,
        %get3A_409 = vector.shape_cast %get3A_408 : vector<1x16xf32> to vector<16xf32>
        %get3A_410 = arith.index_cast %scan3A_360 : i32 to index
        %get3A_411 = arith.constant 80 : index
        %get3A_412 = tpu.vector_load %arg12[%get3A_410, %get3A_411] {strides = array<i32>} : memref<32x256xf32, #tpu.memory_space<vmem>>, vector<1x16xf32>,
        %get3A_413 = vector.shape_cast %get3A_412 : vector<1x16xf32> to vector<16xf32>
        %mul3A_414 = arith.mulf %get3A_409, %get3A_413 : vector<16xf32>
        %get3A_415 = arith.index_cast %scan3A_360 : i32 to index
        %get3A_416 = arith.constant 96 : index
        %get3A_417 = tpu.vector_load %arg10[%get3A_415, %get3A_416] {strides = array<i32>} : memref<32x128xf32, #tpu.memory_space<vmem>>, vector<1x16xf32>,
        %get3A_418 = vector.shape_cast %get3A_417 : vector<1x16xf32> to vector<16xf32>
        %get3A_419 = arith.index_cast %scan3A_360 : i32 to index
        %get3A_420 = arith.constant 96 : index
        %get3A_421 = tpu.vector_load %arg12[%get3A_419, %get3A_420] {strides = array<i32>} : memref<32x256xf32, #tpu.memory_space<vmem>>, vector<1x16xf32>,
        %get3A_422 = vector.shape_cast %get3A_421 : vector<1x16xf32> to vector<16xf32>
        %mul3A_423 = arith.mulf %get3A_418, %get3A_422 : vector<16xf32>
        %get3A_424 = arith.index_cast %scan3A_360 : i32 to index
        %get3A_425 = arith.constant 112 : index
        %get3A_426 = tpu.vector_load %arg10[%get3A_424, %get3A_425] {strides = array<i32>} : memref<32x128xf32, #tpu.memory_space<vmem>>, vector<1x16xf32>,
        %get3A_427 = vector.shape_cast %get3A_426 : vector<1x16xf32> to vector<16xf32>
        %get3A_428 = arith.index_cast %scan3A_360 : i32 to index
        %get3A_429 = arith.constant 112 : index
        %get3A_430 = tpu.vector_load %arg12[%get3A_428, %get3A_429] {strides = array<i32>} : memref<32x256xf32, #tpu.memory_space<vmem>>, vector<1x16xf32>,
        %get3A_431 = vector.shape_cast %get3A_430 : vector<1x16xf32> to vector<16xf32>
        %mul3A_432 = arith.mulf %get3A_427, %get3A_431 : vector<16xf32>
        %xor3A = arith.constant 8 : i32
        %xor3A_433 = vector.broadcast %xor3A : i32 to vector<16xi32>
        %xor3A_434 = arith.xori %iota3A, %xor3A_433 : vector<16xi32>
        %reshape3A = vector.shape_cast %xor3A_434 : vector<16xi32> to vector<16x1xi32>
        %gather3A = vector.shape_cast %reshape3A : vector<16x1xi32> to vector<16xi32>
        %gather3A_435 = tpu.dynamic_gather %mul3A_369[%gather3A] in [0] : vector<16xf32>, vector<16xi32> -> vector<16xf32>
        %add3A_436 = arith.addf %mul3A_369, %gather3A_435 : vector<16xf32>
        %xor3A_437 = arith.constant 8 : i32
        %xor3A_438 = vector.broadcast %xor3A_437 : i32 to vector<16xi32>
        %xor3A_439 = arith.xori %iota3A, %xor3A_438 : vector<16xi32>
        %reshape3A_440 = vector.shape_cast %xor3A_439 : vector<16xi32> to vector<16x1xi32>
        %gather3A_441 = vector.shape_cast %reshape3A_440 : vector<16x1xi32> to vector<16xi32>
        %gather3A_442 = tpu.dynamic_gather %mul3A_378[%gather3A_441] in [0] : vector<16xf32>, vector<16xi32> -> vector<16xf32>
        %add3A_443 = arith.addf %mul3A_378, %gather3A_442 : vector<16xf32>
        %select_n3A = arith.select %eq3A_221, %add3A_436, %add3A_443 : vector<16xi1>, vector<16xf32>
        %xor3A_444 = arith.constant 8 : i32
        %xor3A_445 = vector.broadcast %xor3A_444 : i32 to vector<16xi32>
        %xor3A_446 = arith.xori %iota3A, %xor3A_445 : vector<16xi32>
        %reshape3A_447 = vector.shape_cast %xor3A_446 : vector<16xi32> to vector<16x1xi32>
        %gather3A_448 = vector.shape_cast %reshape3A_447 : vector<16x1xi32> to vector<16xi32>
        %gather3A_449 = tpu.dynamic_gather %mul3A_387[%gather3A_448] in [0] : vector<16xf32>, vector<16xi32> -> vector<16xf32>
        %add3A_450 = arith.addf %mul3A_387, %gather3A_449 : vector<16xf32>
        %xor3A_451 = arith.constant 8 : i32
        %xor3A_452 = vector.broadcast %xor3A_451 : i32 to vector<16xi32>
        %xor3A_453 = arith.xori %iota3A, %xor3A_452 : vector<16xi32>
        %reshape3A_454 = vector.shape_cast %xor3A_453 : vector<16xi32> to vector<16x1xi32>
        %gather3A_455 = vector.shape_cast %reshape3A_454 : vector<16x1xi32> to vector<16xi32>
        %gather3A_456 = tpu.dynamic_gather %mul3A_396[%gather3A_455] in [0] : vector<16xf32>, vector<16xi32> -> vector<16xf32>
        %add3A_457 = arith.addf %mul3A_396, %gather3A_456 : vector<16xf32>
        %select_n3A_458 = arith.select %eq3A_221, %add3A_450, %add3A_457 : vector<16xi1>, vector<16xf32>
        %xor3A_459 = arith.constant 8 : i32
        %xor3A_460 = vector.broadcast %xor3A_459 : i32 to vector<16xi32>
        %xor3A_461 = arith.xori %iota3A, %xor3A_460 : vector<16xi32>
        %reshape3A_462 = vector.shape_cast %xor3A_461 : vector<16xi32> to vector<16x1xi32>
        %gather3A_463 = vector.shape_cast %reshape3A_462 : vector<16x1xi32> to vector<16xi32>
        %gather3A_464 = tpu.dynamic_gather %mul3A_405[%gather3A_463] in [0] : vector<16xf32>, vector<16xi32> -> vector<16xf32>
        %add3A_465 = arith.addf %mul3A_405, %gather3A_464 : vector<16xf32>
        %xor3A_466 = arith.constant 8 : i32
        %xor3A_467 = vector.broadcast %xor3A_466 : i32 to vector<16xi32>
        %xor3A_468 = arith.xori %iota3A, %xor3A_467 : vector<16xi32>
        %reshape3A_469 = vector.shape_cast %xor3A_468 : vector<16xi32> to vector<16x1xi32>
        %gather3A_470 = vector.shape_cast %reshape3A_469 : vector<16x1xi32> to vector<16xi32>
        %gather3A_471 = tpu.dynamic_gather %mul3A_414[%gather3A_470] in [0] : vector<16xf32>, vector<16xi32> -> vector<16xf32>
        %add3A_472 = arith.addf %mul3A_414, %gather3A_471 : vector<16xf32>
        %select_n3A_473 = arith.select %eq3A_221, %add3A_465, %add3A_472 : vector<16xi1>, vector<16xf32>
        %xor3A_474 = arith.constant 8 : i32
        %xor3A_475 = vector.broadcast %xor3A_474 : i32 to vector<16xi32>
        %xor3A_476 = arith.xori %iota3A, %xor3A_475 : vector<16xi32>
        %reshape3A_477 = vector.shape_cast %xor3A_476 : vector<16xi32> to vector<16x1xi32>
        %gather3A_478 = vector.shape_cast %reshape3A_477 : vector<16x1xi32> to vector<16xi32>
        %gather3A_479 = tpu.dynamic_gather %mul3A_423[%gather3A_478] in [0] : vector<16xf32>, vector<16xi32> -> vector<16xf32>
        %add3A_480 = arith.addf %mul3A_423, %gather3A_479 : vector<16xf32>
        %xor3A_481 = arith.constant 8 : i32
        %xor3A_482 = vector.broadcast %xor3A_481 : i32 to vector<16xi32>
        %xor3A_483 = arith.xori %iota3A, %xor3A_482 : vector<16xi32>
        %reshape3A_484 = vector.shape_cast %xor3A_483 : vector<16xi32> to vector<16x1xi32>
        %gather3A_485 = vector.shape_cast %reshape3A_484 : vector<16x1xi32> to vector<16xi32>
        %gather3A_486 = tpu.dynamic_gather %mul3A_432[%gather3A_485] in [0] : vector<16xf32>, vector<16xi32> -> vector<16xf32>
        %add3A_487 = arith.addf %mul3A_432, %gather3A_486 : vector<16xf32>
        %select_n3A_488 = arith.select %eq3A_221, %add3A_480, %add3A_487 : vector<16xi1>, vector<16xf32>
        %xor3A_489 = arith.constant 4 : i32
        %xor3A_490 = vector.broadcast %xor3A_489 : i32 to vector<16xi32>
        %xor3A_491 = arith.xori %iota3A, %xor3A_490 : vector<16xi32>
        %reshape3A_492 = vector.shape_cast %xor3A_491 : vector<16xi32> to vector<16x1xi32>
        %gather3A_493 = vector.shape_cast %reshape3A_492 : vector<16x1xi32> to vector<16xi32>
        %gather3A_494 = tpu.dynamic_gather %select_n3A[%gather3A_493] in [0] : vector<16xf32>, vector<16xi32> -> vector<16xf32>
        %add3A_495 = arith.addf %select_n3A, %gather3A_494 : vector<16xf32>
        %xor3A_496 = arith.constant 4 : i32
        %xor3A_497 = vector.broadcast %xor3A_496 : i32 to vector<16xi32>
        %xor3A_498 = arith.xori %iota3A, %xor3A_497 : vector<16xi32>
        %reshape3A_499 = vector.shape_cast %xor3A_498 : vector<16xi32> to vector<16x1xi32>
        %gather3A_500 = vector.shape_cast %reshape3A_499 : vector<16x1xi32> to vector<16xi32>
        %gather3A_501 = tpu.dynamic_gather %select_n3A_458[%gather3A_500] in [0] : vector<16xf32>, vector<16xi32> -> vector<16xf32>
        %add3A_502 = arith.addf %select_n3A_458, %gather3A_501 : vector<16xf32>
        %select_n3A_503 = arith.select %eq3A_227, %add3A_495, %add3A_502 : vector<16xi1>, vector<16xf32>
        %xor3A_504 = arith.constant 4 : i32
        %xor3A_505 = vector.broadcast %xor3A_504 : i32 to vector<16xi32>
        %xor3A_506 = arith.xori %iota3A, %xor3A_505 : vector<16xi32>
        %reshape3A_507 = vector.shape_cast %xor3A_506 : vector<16xi32> to vector<16x1xi32>
        %gather3A_508 = vector.shape_cast %reshape3A_507 : vector<16x1xi32> to vector<16xi32>
        %gather3A_509 = tpu.dynamic_gather %select_n3A_473[%gather3A_508] in [0] : vector<16xf32>, vector<16xi32> -> vector<16xf32>
        %add3A_510 = arith.addf %select_n3A_473, %gather3A_509 : vector<16xf32>
        %xor3A_511 = arith.constant 4 : i32
        %xor3A_512 = vector.broadcast %xor3A_511 : i32 to vector<16xi32>
        %xor3A_513 = arith.xori %iota3A, %xor3A_512 : vector<16xi32>
        %reshape3A_514 = vector.shape_cast %xor3A_513 : vector<16xi32> to vector<16x1xi32>
        %gather3A_515 = vector.shape_cast %reshape3A_514 : vector<16x1xi32> to vector<16xi32>
        %gather3A_516 = tpu.dynamic_gather %select_n3A_488[%gather3A_515] in [0] : vector<16xf32>, vector<16xi32> -> vector<16xf32>
        %add3A_517 = arith.addf %select_n3A_488, %gather3A_516 : vector<16xf32>
        %select_n3A_518 = arith.select %eq3A_227, %add3A_510, %add3A_517 : vector<16xi1>, vector<16xf32>
        %xor3A_519 = arith.constant 2 : i32
        %xor3A_520 = vector.broadcast %xor3A_519 : i32 to vector<16xi32>
        %xor3A_521 = arith.xori %iota3A, %xor3A_520 : vector<16xi32>
        %reshape3A_522 = vector.shape_cast %xor3A_521 : vector<16xi32> to vector<16x1xi32>
        %gather3A_523 = vector.shape_cast %reshape3A_522 : vector<16x1xi32> to vector<16xi32>
        %gather3A_524 = tpu.dynamic_gather %select_n3A_503[%gather3A_523] in [0] : vector<16xf32>, vector<16xi32> -> vector<16xf32>
        %add3A_525 = arith.addf %select_n3A_503, %gather3A_524 : vector<16xf32>
        %xor3A_526 = arith.constant 2 : i32
        %xor3A_527 = vector.broadcast %xor3A_526 : i32 to vector<16xi32>
        %xor3A_528 = arith.xori %iota3A, %xor3A_527 : vector<16xi32>
        %reshape3A_529 = vector.shape_cast %xor3A_528 : vector<16xi32> to vector<16x1xi32>
        %gather3A_530 = vector.shape_cast %reshape3A_529 : vector<16x1xi32> to vector<16xi32>
        %gather3A_531 = tpu.dynamic_gather %select_n3A_518[%gather3A_530] in [0] : vector<16xf32>, vector<16xi32> -> vector<16xf32>
        %add3A_532 = arith.addf %select_n3A_518, %gather3A_531 : vector<16xf32>
        %select_n3A_533 = arith.select %eq3A_233, %add3A_525, %add3A_532 : vector<16xi1>, vector<16xf32>
        %xor3A_534 = arith.constant 1 : i32
        %xor3A_535 = vector.broadcast %xor3A_534 : i32 to vector<16xi32>
        %xor3A_536 = arith.xori %iota3A, %xor3A_535 : vector<16xi32>
        %reshape3A_537 = vector.shape_cast %xor3A_536 : vector<16xi32> to vector<16x1xi32>
        %gather3A_538 = vector.shape_cast %reshape3A_537 : vector<16x1xi32> to vector<16xi32>
        %gather3A_539 = tpu.dynamic_gather %select_n3A_533[%gather3A_538] in [0] : vector<16xf32>, vector<16xi32> -> vector<16xf32>
        %add3A_540 = arith.addf %select_n3A_533, %gather3A_539 : vector<16xf32>
        %mul3A_541 = arith.constant 2.500000e-01 : f32
        %mul3A_542 = vector.broadcast %mul3A_541 : f32 to vector<16xf32>
        %mul3A_543 = arith.mulf %add3A_540, %mul3A_542 : vector<16xf32>
        %exp3A = math.exp %mul3A_543 : vector<16xf32>
        %jit3A = arith.constant 0.000000e+00 : f32
        %broadcast_in_dim3A_544 = vector.broadcast %jit3A : f32 to vector<16xf32>
        %select_n3A_545 = arith.select %eq3A_239, %exp3A, %broadcast_in_dim3A_544 : vector<16xi1>, vector<16xf32>
        %jit3A_546 = arith.constant 16 : i32
        %div3A = arith.divsi %scan3A_360, %jit3A_546 : i32
        %sign3A = arith.constant 0 : i32
        %sign3A_547 = arith.cmpi sgt, %scan3A_360, %sign3A : i32
        %sign3A_548 = arith.extui %sign3A_547 : i1 to i32
        %sign3A_549 = arith.constant 0 : i32
        %sign3A_550 = arith.cmpi slt, %scan3A_360, %sign3A_549 : i32
        %sign3A_551 = arith.extui %sign3A_550 : i1 to i32
        %sign3A_552 = arith.subi %sign3A_548, %sign3A_551 : i32
        %sign3A_553 = arith.constant 0 : i32
        %sign3A_554 = arith.cmpi sgt, %jit3A_546, %sign3A_553 : i32
        %sign3A_555 = arith.extui %sign3A_554 : i1 to i32
        %sign3A_556 = arith.constant 0 : i32
        %sign3A_557 = arith.cmpi slt, %jit3A_546, %sign3A_556 : i32
        %sign3A_558 = arith.extui %sign3A_557 : i1 to i32
        %sign3A_559 = arith.subi %sign3A_555, %sign3A_558 : i32
        %ne3A = arith.cmpi ne, %sign3A_552, %sign3A_559 : i32
        %rem3A = arith.remsi %scan3A_360, %jit3A_546 : i32
        %ne3A_560 = arith.constant 0 : i32
        %ne3A_561 = arith.cmpi ne, %rem3A, %ne3A_560 : i32
        %and3A_562 = arith.andi %ne3A, %ne3A_561 : i1
        %sub3A_563 = arith.constant 1 : i32
        %sub3A_564 = arith.subi %div3A, %sub3A_563 : i32
        %select_n3A_565 = arith.select %and3A_562, %sub3A_564, %div3A : i32
        %mul3A_566 = arith.constant 16 : i32
        %mul3A_567 = arith.muli %select_n3A_565, %mul3A_566 : i32
        %get3A_568 = arith.constant 0 : i32
        %get3A_569 = arith.index_cast %get3A_568 : i32 to index
        %get3A_570 = arith.index_cast %mul3A_567 : i32 to index
        %get3A_571 = tpu.vector_load %arg6[%get3A_569, %get3A_570] {strides = array<i32>} : memref<2x32xi32, #tpu.memory_space<vmem>>, vector<1x16xi32>,
        %get3A_572 = vector.shape_cast %get3A_571 : vector<1x16xi32> to vector<16xi32>
        %jit3A_573 = arith.constant 16 : i32
        %eq3A_574 = arith.constant 0 : i32
        %eq3A_575 = arith.cmpi eq, %jit3A_573, %eq3A_574 : i32
        %jit3A_576 = arith.constant 1 : i32
        %select_n3A_577 = arith.select %eq3A_575, %jit3A_576, %jit3A_573 : i32
        %rem3A_578 = arith.remsi %scan3A_360, %select_n3A_577 : i32
        %ne3A_579 = arith.constant 0 : i32
        %ne3A_580 = arith.cmpi ne, %rem3A_578, %ne3A_579 : i32
        %lt3A = arith.constant 0 : i32
        %lt3A_581 = arith.cmpi slt, %rem3A_578, %lt3A : i32
        %lt3A_582 = arith.constant 0 : i32
        %lt3A_583 = arith.cmpi slt, %select_n3A_577, %lt3A_582 : i32
        %ne3A_584 = arith.xori %lt3A_581, %lt3A_583 : i1
        %and3A_585 = arith.andi %ne3A_584, %ne3A_580 : i1
        %add3A_586 = arith.addi %rem3A_578, %select_n3A_577 : i32
        %select_n3A_587 = arith.select %and3A_585, %add3A_586, %rem3A_578 : i32
        %broadcast_in_dim3A_588 = vector.broadcast %select_n3A_587 : i32 to vector<16xi32>
        %reshape3A_589 = vector.shape_cast %broadcast_in_dim3A_588 : vector<16xi32> to vector<16x1xi32>
        %gather3A_590 = vector.shape_cast %reshape3A_589 : vector<16x1xi32> to vector<16xi32>
        %gather3A_591 = tpu.dynamic_gather %get3A_572[%gather3A_590] in [0] : vector<16xi32>, vector<16xi32> -> vector<16xi32>
        %and3A_592 = arith.constant 7 : i32
        %and3A_593 = vector.broadcast %and3A_592 : i32 to vector<16xi32>
        %and3A_594 = arith.andi %gather3A_591, %and3A_593 : vector<16xi32>
        %convert_element_type3A = arith.sitofp %and3A_594 : vector<16xi32> to vector<16xf32>
        %sub3A_595 = arith.constant 0.000000e+00 : f32
        %sub3A_596 = vector.broadcast %sub3A_595 : f32 to vector<16xf32>
        %sub3A_597 = arith.subf %convert_element_type3A, %sub3A_596 : vector<16xf32>
        %abs3A = math.absf %sub3A_597 : vector<16xf32>
        %sub3A_598 = arith.constant 1.000000e+00 : f32
        %sub3A_599 = vector.broadcast %sub3A_598 : f32 to vector<16xf32>
        %sub3A_600 = arith.subf %sub3A_599, %abs3A : vector<16xf32>
        %max3A = arith.constant 0.000000e+00 : f32
        %max3A_601 = vector.broadcast %max3A : f32 to vector<16xf32>
        %max3A_602 = arith.maximumf %sub3A_600, %max3A_601 : vector<16xf32>
        %mul3A_603 = arith.mulf %select_n3A_545, %max3A_602 : vector<16xf32>
        %swap3A_604 = arith.index_cast %scan3A_360 : i32 to index
        %swap3A_605 = arith.constant 0 : index
        %swap3A_606 = tpu.vector_load %arg14[%swap3A_604, %swap3A_605] {strides = array<i32>} : memref<32x128xf32, #tpu.memory_space<vmem>>, vector<1x16xf32>,
        %swap3A_607 = vector.shape_cast %swap3A_606 : vector<1x16xf32> to vector<16xf32>
        %swap3A_608 = vector.shape_cast %mul3A_603 : vector<16xf32> to vector<1x16xf32>
        tpu.vector_store %arg14[%swap3A_604, %swap3A_605], %swap3A_608 {strides = array<i32>} : memref<32x128xf32, #tpu.memory_space<vmem>>, vector<1x16xf32>,
        %sub3A_609 = arith.constant 1.000000e+00 : f32
        %sub3A_610 = vector.broadcast %sub3A_609 : f32 to vector<16xf32>
        %sub3A_611 = arith.subf %convert_element_type3A, %sub3A_610 : vector<16xf32>
        %abs3A_612 = math.absf %sub3A_611 : vector<16xf32>
        %sub3A_613 = arith.constant 1.000000e+00 : f32
        %sub3A_614 = vector.broadcast %sub3A_613 : f32 to vector<16xf32>
        %sub3A_615 = arith.subf %sub3A_614, %abs3A_612 : vector<16xf32>
        %max3A_616 = arith.constant 0.000000e+00 : f32
        %max3A_617 = vector.broadcast %max3A_616 : f32 to vector<16xf32>
        %max3A_618 = arith.maximumf %sub3A_615, %max3A_617 : vector<16xf32>
        %mul3A_619 = arith.mulf %select_n3A_545, %max3A_618 : vector<16xf32>
        %swap3A_620 = arith.index_cast %scan3A_360 : i32 to index
        %swap3A_621 = arith.constant 16 : index
        %swap3A_622 = tpu.vector_load %arg14[%swap3A_620, %swap3A_621] {strides = array<i32>} : memref<32x128xf32, #tpu.memory_space<vmem>>, vector<1x16xf32>,
        %swap3A_623 = vector.shape_cast %swap3A_622 : vector<1x16xf32> to vector<16xf32>
        %swap3A_624 = vector.shape_cast %mul3A_619 : vector<16xf32> to vector<1x16xf32>
        tpu.vector_store %arg14[%swap3A_620, %swap3A_621], %swap3A_624 {strides = array<i32>} : memref<32x128xf32, #tpu.memory_space<vmem>>, vector<1x16xf32>,
        %sub3A_625 = arith.constant 2.000000e+00 : f32
        %sub3A_626 = vector.broadcast %sub3A_625 : f32 to vector<16xf32>
        %sub3A_627 = arith.subf %convert_element_type3A, %sub3A_626 : vector<16xf32>
        %abs3A_628 = math.absf %sub3A_627 : vector<16xf32>
        %sub3A_629 = arith.constant 1.000000e+00 : f32
        %sub3A_630 = vector.broadcast %sub3A_629 : f32 to vector<16xf32>
        %sub3A_631 = arith.subf %sub3A_630, %abs3A_628 : vector<16xf32>
        %max3A_632 = arith.constant 0.000000e+00 : f32
        %max3A_633 = vector.broadcast %max3A_632 : f32 to vector<16xf32>
        %max3A_634 = arith.maximumf %sub3A_631, %max3A_633 : vector<16xf32>
        %mul3A_635 = arith.mulf %select_n3A_545, %max3A_634 : vector<16xf32>
        %swap3A_636 = arith.index_cast %scan3A_360 : i32 to index
        %swap3A_637 = arith.constant 32 : index
        %swap3A_638 = tpu.vector_load %arg14[%swap3A_636, %swap3A_637] {strides = array<i32>} : memref<32x128xf32, #tpu.memory_space<vmem>>, vector<1x16xf32>,
        %swap3A_639 = vector.shape_cast %swap3A_638 : vector<1x16xf32> to vector<16xf32>
        %swap3A_640 = vector.shape_cast %mul3A_635 : vector<16xf32> to vector<1x16xf32>
        tpu.vector_store %arg14[%swap3A_636, %swap3A_637], %swap3A_640 {strides = array<i32>} : memref<32x128xf32, #tpu.memory_space<vmem>>, vector<1x16xf32>,
        %sub3A_641 = arith.constant 3.000000e+00 : f32
        %sub3A_642 = vector.broadcast %sub3A_641 : f32 to vector<16xf32>
        %sub3A_643 = arith.subf %convert_element_type3A, %sub3A_642 : vector<16xf32>
        %abs3A_644 = math.absf %sub3A_643 : vector<16xf32>
        %sub3A_645 = arith.constant 1.000000e+00 : f32
        %sub3A_646 = vector.broadcast %sub3A_645 : f32 to vector<16xf32>
        %sub3A_647 = arith.subf %sub3A_646, %abs3A_644 : vector<16xf32>
        %max3A_648 = arith.constant 0.000000e+00 : f32
        %max3A_649 = vector.broadcast %max3A_648 : f32 to vector<16xf32>
        %max3A_650 = arith.maximumf %sub3A_647, %max3A_649 : vector<16xf32>
        %mul3A_651 = arith.mulf %select_n3A_545, %max3A_650 : vector<16xf32>
        %swap3A_652 = arith.index_cast %scan3A_360 : i32 to index
        %swap3A_653 = arith.constant 48 : index
        %swap3A_654 = tpu.vector_load %arg14[%swap3A_652, %swap3A_653] {strides = array<i32>} : memref<32x128xf32, #tpu.memory_space<vmem>>, vector<1x16xf32>,
        %swap3A_655 = vector.shape_cast %swap3A_654 : vector<1x16xf32> to vector<16xf32>
        %swap3A_656 = vector.shape_cast %mul3A_651 : vector<16xf32> to vector<1x16xf32>
        tpu.vector_store %arg14[%swap3A_652, %swap3A_653], %swap3A_656 {strides = array<i32>} : memref<32x128xf32, #tpu.memory_space<vmem>>, vector<1x16xf32>,
        %sub3A_657 = arith.constant 4.000000e+00 : f32
        %sub3A_658 = vector.broadcast %sub3A_657 : f32 to vector<16xf32>
        %sub3A_659 = arith.subf %convert_element_type3A, %sub3A_658 : vector<16xf32>
        %abs3A_660 = math.absf %sub3A_659 : vector<16xf32>
        %sub3A_661 = arith.constant 1.000000e+00 : f32
        %sub3A_662 = vector.broadcast %sub3A_661 : f32 to vector<16xf32>
        %sub3A_663 = arith.subf %sub3A_662, %abs3A_660 : vector<16xf32>
        %max3A_664 = arith.constant 0.000000e+00 : f32
        %max3A_665 = vector.broadcast %max3A_664 : f32 to vector<16xf32>
        %max3A_666 = arith.maximumf %sub3A_663, %max3A_665 : vector<16xf32>
        %mul3A_667 = arith.mulf %select_n3A_545, %max3A_666 : vector<16xf32>
        %swap3A_668 = arith.index_cast %scan3A_360 : i32 to index
        %swap3A_669 = arith.constant 64 : index
        %swap3A_670 = tpu.vector_load %arg14[%swap3A_668, %swap3A_669] {strides = array<i32>} : memref<32x128xf32, #tpu.memory_space<vmem>>, vector<1x16xf32>,
        %swap3A_671 = vector.shape_cast %swap3A_670 : vector<1x16xf32> to vector<16xf32>
        %swap3A_672 = vector.shape_cast %mul3A_667 : vector<16xf32> to vector<1x16xf32>
        tpu.vector_store %arg14[%swap3A_668, %swap3A_669], %swap3A_672 {strides = array<i32>} : memref<32x128xf32, #tpu.memory_space<vmem>>, vector<1x16xf32>,
        %sub3A_673 = arith.constant 5.000000e+00 : f32
        %sub3A_674 = vector.broadcast %sub3A_673 : f32 to vector<16xf32>
        %sub3A_675 = arith.subf %convert_element_type3A, %sub3A_674 : vector<16xf32>
        %abs3A_676 = math.absf %sub3A_675 : vector<16xf32>
        %sub3A_677 = arith.constant 1.000000e+00 : f32
        %sub3A_678 = vector.broadcast %sub3A_677 : f32 to vector<16xf32>
        %sub3A_679 = arith.subf %sub3A_678, %abs3A_676 : vector<16xf32>
        %max3A_680 = arith.constant 0.000000e+00 : f32
        %max3A_681 = vector.broadcast %max3A_680 : f32 to vector<16xf32>
        %max3A_682 = arith.maximumf %sub3A_679, %max3A_681 : vector<16xf32>
        %mul3A_683 = arith.mulf %select_n3A_545, %max3A_682 : vector<16xf32>
        %swap3A_684 = arith.index_cast %scan3A_360 : i32 to index
        %swap3A_685 = arith.constant 80 : index
        %swap3A_686 = tpu.vector_load %arg14[%swap3A_684, %swap3A_685] {strides = array<i32>} : memref<32x128xf32, #tpu.memory_space<vmem>>, vector<1x16xf32>,
        %swap3A_687 = vector.shape_cast %swap3A_686 : vector<1x16xf32> to vector<16xf32>
        %swap3A_688 = vector.shape_cast %mul3A_683 : vector<16xf32> to vector<1x16xf32>
        tpu.vector_store %arg14[%swap3A_684, %swap3A_685], %swap3A_688 {strides = array<i32>} : memref<32x128xf32, #tpu.memory_space<vmem>>, vector<1x16xf32>,
        %sub3A_689 = arith.constant 6.000000e+00 : f32
        %sub3A_690 = vector.broadcast %sub3A_689 : f32 to vector<16xf32>
        %sub3A_691 = arith.subf %convert_element_type3A, %sub3A_690 : vector<16xf32>
        %abs3A_692 = math.absf %sub3A_691 : vector<16xf32>
        %sub3A_693 = arith.constant 1.000000e+00 : f32
        %sub3A_694 = vector.broadcast %sub3A_693 : f32 to vector<16xf32>
        %sub3A_695 = arith.subf %sub3A_694, %abs3A_692 : vector<16xf32>
        %max3A_696 = arith.constant 0.000000e+00 : f32
        %max3A_697 = vector.broadcast %max3A_696 : f32 to vector<16xf32>
        %max3A_698 = arith.maximumf %sub3A_695, %max3A_697 : vector<16xf32>
        %mul3A_699 = arith.mulf %select_n3A_545, %max3A_698 : vector<16xf32>
        %swap3A_700 = arith.index_cast %scan3A_360 : i32 to index
        %swap3A_701 = arith.constant 96 : index
        %swap3A_702 = tpu.vector_load %arg14[%swap3A_700, %swap3A_701] {strides = array<i32>} : memref<32x128xf32, #tpu.memory_space<vmem>>, vector<1x16xf32>,
        %swap3A_703 = vector.shape_cast %swap3A_702 : vector<1x16xf32> to vector<16xf32>
        %swap3A_704 = vector.shape_cast %mul3A_699 : vector<16xf32> to vector<1x16xf32>
        tpu.vector_store %arg14[%swap3A_700, %swap3A_701], %swap3A_704 {strides = array<i32>} : memref<32x128xf32, #tpu.memory_space<vmem>>, vector<1x16xf32>,
        %sub3A_705 = arith.constant 7.000000e+00 : f32
        %sub3A_706 = vector.broadcast %sub3A_705 : f32 to vector<16xf32>
        %sub3A_707 = arith.subf %convert_element_type3A, %sub3A_706 : vector<16xf32>
        %abs3A_708 = math.absf %sub3A_707 : vector<16xf32>
        %sub3A_709 = arith.constant 1.000000e+00 : f32
        %sub3A_710 = vector.broadcast %sub3A_709 : f32 to vector<16xf32>
        %sub3A_711 = arith.subf %sub3A_710, %abs3A_708 : vector<16xf32>
        %max3A_712 = arith.constant 0.000000e+00 : f32
        %max3A_713 = vector.broadcast %max3A_712 : f32 to vector<16xf32>
        %max3A_714 = arith.maximumf %sub3A_711, %max3A_713 : vector<16xf32>
        %mul3A_715 = arith.mulf %select_n3A_545, %max3A_714 : vector<16xf32>
        %swap3A_716 = arith.index_cast %scan3A_360 : i32 to index
        %swap3A_717 = arith.constant 112 : index
        %swap3A_718 = tpu.vector_load %arg14[%swap3A_716, %swap3A_717] {strides = array<i32>} : memref<32x128xf32, #tpu.memory_space<vmem>>, vector<1x16xf32>,
        %swap3A_719 = vector.shape_cast %swap3A_718 : vector<1x16xf32> to vector<16xf32>
        %swap3A_720 = vector.shape_cast %mul3A_715 : vector<16xf32> to vector<1x16xf32>
        tpu.vector_store %arg14[%swap3A_716, %swap3A_717], %swap3A_720 {strides = array<i32>} : memref<32x128xf32, #tpu.memory_space<vmem>>, vector<1x16xf32>,
        %broadcast_in_dim3A_721 = arith.constant 0 : i32
        %broadcast_in_dim3A_722 = vector.broadcast %broadcast_in_dim3A_721 : i32 to vector<16xi32>
        %reshape3A_723 = vector.shape_cast %broadcast_in_dim3A_722 : vector<16xi32> to vector<16x1xi32>
        %gather3A_724 = vector.shape_cast %reshape3A_723 : vector<16x1xi32> to vector<16xi32>
        %gather3A_725 = tpu.dynamic_gather %exp3A[%gather3A_724] in [0] : vector<16xf32>, vector<16xi32> -> vector<16xf32>
        %get3A_726 = arith.index_cast %scan3A_360 : i32 to index
        %get3A_727 = arith.constant 128 : index
        %get3A_728 = tpu.vector_load %arg12[%get3A_726, %get3A_727] {strides = array<i32>} : memref<32x256xf32, #tpu.memory_space<vmem>>, vector<1x16xf32>,
        %get3A_729 = vector.shape_cast %get3A_728 : vector<1x16xf32> to vector<16xf32>
        %mul3A_730 = arith.mulf %gather3A_725, %get3A_729 : vector<16xf32>
        %swap3A_731 = arith.index_cast %scan3A_360 : i32 to index
        %swap3A_732 = arith.constant 0 : index
        %swap3A_733 = tpu.vector_load %arg10[%swap3A_731, %swap3A_732] {strides = array<i32>} : memref<32x128xf32, #tpu.memory_space<vmem>>, vector<1x16xf32>,
        %swap3A_734 = vector.shape_cast %swap3A_733 : vector<1x16xf32> to vector<16xf32>
        %swap3A_735 = vector.shape_cast %mul3A_730 : vector<16xf32> to vector<1x16xf32>
        tpu.vector_store %arg10[%swap3A_731, %swap3A_732], %swap3A_735 {strides = array<i32>} : memref<32x128xf32, #tpu.memory_space<vmem>>, vector<1x16xf32>,
        %broadcast_in_dim3A_736 = arith.constant 8 : i32
        %broadcast_in_dim3A_737 = vector.broadcast %broadcast_in_dim3A_736 : i32 to vector<16xi32>
        %reshape3A_738 = vector.shape_cast %broadcast_in_dim3A_737 : vector<16xi32> to vector<16x1xi32>
        %gather3A_739 = vector.shape_cast %reshape3A_738 : vector<16x1xi32> to vector<16xi32>
        %gather3A_740 = tpu.dynamic_gather %exp3A[%gather3A_739] in [0] : vector<16xf32>, vector<16xi32> -> vector<16xf32>
        %get3A_741 = arith.index_cast %scan3A_360 : i32 to index
        %get3A_742 = arith.constant 144 : index
        %get3A_743 = tpu.vector_load %arg12[%get3A_741, %get3A_742] {strides = array<i32>} : memref<32x256xf32, #tpu.memory_space<vmem>>, vector<1x16xf32>,
        %get3A_744 = vector.shape_cast %get3A_743 : vector<1x16xf32> to vector<16xf32>
        %mul3A_745 = arith.mulf %gather3A_740, %get3A_744 : vector<16xf32>
        %swap3A_746 = arith.index_cast %scan3A_360 : i32 to index
        %swap3A_747 = arith.constant 16 : index
        %swap3A_748 = tpu.vector_load %arg10[%swap3A_746, %swap3A_747] {strides = array<i32>} : memref<32x128xf32, #tpu.memory_space<vmem>>, vector<1x16xf32>,
        %swap3A_749 = vector.shape_cast %swap3A_748 : vector<1x16xf32> to vector<16xf32>
        %swap3A_750 = vector.shape_cast %mul3A_745 : vector<16xf32> to vector<1x16xf32>
        tpu.vector_store %arg10[%swap3A_746, %swap3A_747], %swap3A_750 {strides = array<i32>} : memref<32x128xf32, #tpu.memory_space<vmem>>, vector<1x16xf32>,
        %broadcast_in_dim3A_751 = arith.constant 4 : i32
        %broadcast_in_dim3A_752 = vector.broadcast %broadcast_in_dim3A_751 : i32 to vector<16xi32>
        %reshape3A_753 = vector.shape_cast %broadcast_in_dim3A_752 : vector<16xi32> to vector<16x1xi32>
        %gather3A_754 = vector.shape_cast %reshape3A_753 : vector<16x1xi32> to vector<16xi32>
        %gather3A_755 = tpu.dynamic_gather %exp3A[%gather3A_754] in [0] : vector<16xf32>, vector<16xi32> -> vector<16xf32>
        %get3A_756 = arith.index_cast %scan3A_360 : i32 to index
        %get3A_757 = arith.constant 160 : index
        %get3A_758 = tpu.vector_load %arg12[%get3A_756, %get3A_757] {strides = array<i32>} : memref<32x256xf32, #tpu.memory_space<vmem>>, vector<1x16xf32>,
        %get3A_759 = vector.shape_cast %get3A_758 : vector<1x16xf32> to vector<16xf32>
        %mul3A_760 = arith.mulf %gather3A_755, %get3A_759 : vector<16xf32>
        %swap3A_761 = arith.index_cast %scan3A_360 : i32 to index
        %swap3A_762 = arith.constant 32 : index
        %swap3A_763 = tpu.vector_load %arg10[%swap3A_761, %swap3A_762] {strides = array<i32>} : memref<32x128xf32, #tpu.memory_space<vmem>>, vector<1x16xf32>,
        %swap3A_764 = vector.shape_cast %swap3A_763 : vector<1x16xf32> to vector<16xf32>
        %swap3A_765 = vector.shape_cast %mul3A_760 : vector<16xf32> to vector<1x16xf32>
        tpu.vector_store %arg10[%swap3A_761, %swap3A_762], %swap3A_765 {strides = array<i32>} : memref<32x128xf32, #tpu.memory_space<vmem>>, vector<1x16xf32>,
        %broadcast_in_dim3A_766 = arith.constant 12 : i32
        %broadcast_in_dim3A_767 = vector.broadcast %broadcast_in_dim3A_766 : i32 to vector<16xi32>
        %reshape3A_768 = vector.shape_cast %broadcast_in_dim3A_767 : vector<16xi32> to vector<16x1xi32>
        %gather3A_769 = vector.shape_cast %reshape3A_768 : vector<16x1xi32> to vector<16xi32>
        %gather3A_770 = tpu.dynamic_gather %exp3A[%gather3A_769] in [0] : vector<16xf32>, vector<16xi32> -> vector<16xf32>
        %get3A_771 = arith.index_cast %scan3A_360 : i32 to index
        %get3A_772 = arith.constant 176 : index
        %get3A_773 = tpu.vector_load %arg12[%get3A_771, %get3A_772] {strides = array<i32>} : memref<32x256xf32, #tpu.memory_space<vmem>>, vector<1x16xf32>,
        %get3A_774 = vector.shape_cast %get3A_773 : vector<1x16xf32> to vector<16xf32>
        %mul3A_775 = arith.mulf %gather3A_770, %get3A_774 : vector<16xf32>
        %swap3A_776 = arith.index_cast %scan3A_360 : i32 to index
        %swap3A_777 = arith.constant 48 : index
        %swap3A_778 = tpu.vector_load %arg10[%swap3A_776, %swap3A_777] {strides = array<i32>} : memref<32x128xf32, #tpu.memory_space<vmem>>, vector<1x16xf32>,
        %swap3A_779 = vector.shape_cast %swap3A_778 : vector<1x16xf32> to vector<16xf32>
        %swap3A_780 = vector.shape_cast %mul3A_775 : vector<16xf32> to vector<1x16xf32>
        tpu.vector_store %arg10[%swap3A_776, %swap3A_777], %swap3A_780 {strides = array<i32>} : memref<32x128xf32, #tpu.memory_space<vmem>>, vector<1x16xf32>,
        %broadcast_in_dim3A_781 = arith.constant 2 : i32
        %broadcast_in_dim3A_782 = vector.broadcast %broadcast_in_dim3A_781 : i32 to vector<16xi32>
        %reshape3A_783 = vector.shape_cast %broadcast_in_dim3A_782 : vector<16xi32> to vector<16x1xi32>
        %gather3A_784 = vector.shape_cast %reshape3A_783 : vector<16x1xi32> to vector<16xi32>
        %gather3A_785 = tpu.dynamic_gather %exp3A[%gather3A_784] in [0] : vector<16xf32>, vector<16xi32> -> vector<16xf32>
        %get3A_786 = arith.index_cast %scan3A_360 : i32 to index
        %get3A_787 = arith.constant 192 : index
        %get3A_788 = tpu.vector_load %arg12[%get3A_786, %get3A_787] {strides = array<i32>} : memref<32x256xf32, #tpu.memory_space<vmem>>, vector<1x16xf32>,
        %get3A_789 = vector.shape_cast %get3A_788 : vector<1x16xf32> to vector<16xf32>
        %mul3A_790 = arith.mulf %gather3A_785, %get3A_789 : vector<16xf32>
        %swap3A_791 = arith.index_cast %scan3A_360 : i32 to index
        %swap3A_792 = arith.constant 64 : index
        %swap3A_793 = tpu.vector_load %arg10[%swap3A_791, %swap3A_792] {strides = array<i32>} : memref<32x128xf32, #tpu.memory_space<vmem>>, vector<1x16xf32>,
        %swap3A_794 = vector.shape_cast %swap3A_793 : vector<1x16xf32> to vector<16xf32>
        %swap3A_795 = vector.shape_cast %mul3A_790 : vector<16xf32> to vector<1x16xf32>
        tpu.vector_store %arg10[%swap3A_791, %swap3A_792], %swap3A_795 {strides = array<i32>} : memref<32x128xf32, #tpu.memory_space<vmem>>, vector<1x16xf32>,
        %broadcast_in_dim3A_796 = arith.constant 10 : i32
        %broadcast_in_dim3A_797 = vector.broadcast %broadcast_in_dim3A_796 : i32 to vector<16xi32>
        %reshape3A_798 = vector.shape_cast %broadcast_in_dim3A_797 : vector<16xi32> to vector<16x1xi32>
        %gather3A_799 = vector.shape_cast %reshape3A_798 : vector<16x1xi32> to vector<16xi32>
        %gather3A_800 = tpu.dynamic_gather %exp3A[%gather3A_799] in [0] : vector<16xf32>, vector<16xi32> -> vector<16xf32>
        %get3A_801 = arith.index_cast %scan3A_360 : i32 to index
        %get3A_802 = arith.constant 208 : index
        %get3A_803 = tpu.vector_load %arg12[%get3A_801, %get3A_802] {strides = array<i32>} : memref<32x256xf32, #tpu.memory_space<vmem>>, vector<1x16xf32>,
        %get3A_804 = vector.shape_cast %get3A_803 : vector<1x16xf32> to vector<16xf32>
        %mul3A_805 = arith.mulf %gather3A_800, %get3A_804 : vector<16xf32>
        %swap3A_806 = arith.index_cast %scan3A_360 : i32 to index
        %swap3A_807 = arith.constant 80 : index
        %swap3A_808 = tpu.vector_load %arg10[%swap3A_806, %swap3A_807] {strides = array<i32>} : memref<32x128xf32, #tpu.memory_space<vmem>>, vector<1x16xf32>,
        %swap3A_809 = vector.shape_cast %swap3A_808 : vector<1x16xf32> to vector<16xf32>
        %swap3A_810 = vector.shape_cast %mul3A_805 : vector<16xf32> to vector<1x16xf32>
        tpu.vector_store %arg10[%swap3A_806, %swap3A_807], %swap3A_810 {strides = array<i32>} : memref<32x128xf32, #tpu.memory_space<vmem>>, vector<1x16xf32>,
        %broadcast_in_dim3A_811 = arith.constant 6 : i32
        %broadcast_in_dim3A_812 = vector.broadcast %broadcast_in_dim3A_811 : i32 to vector<16xi32>
        %reshape3A_813 = vector.shape_cast %broadcast_in_dim3A_812 : vector<16xi32> to vector<16x1xi32>
        %gather3A_814 = vector.shape_cast %reshape3A_813 : vector<16x1xi32> to vector<16xi32>
        %gather3A_815 = tpu.dynamic_gather %exp3A[%gather3A_814] in [0] : vector<16xf32>, vector<16xi32> -> vector<16xf32>
        %get3A_816 = arith.index_cast %scan3A_360 : i32 to index
        %get3A_817 = arith.constant 224 : index
        %get3A_818 = tpu.vector_load %arg12[%get3A_816, %get3A_817] {strides = array<i32>} : memref<32x256xf32, #tpu.memory_space<vmem>>, vector<1x16xf32>,
        %get3A_819 = vector.shape_cast %get3A_818 : vector<1x16xf32> to vector<16xf32>
        %mul3A_820 = arith.mulf %gather3A_815, %get3A_819 : vector<16xf32>
        %swap3A_821 = arith.index_cast %scan3A_360 : i32 to index
        %swap3A_822 = arith.constant 96 : index
        %swap3A_823 = tpu.vector_load %arg10[%swap3A_821, %swap3A_822] {strides = array<i32>} : memref<32x128xf32, #tpu.memory_space<vmem>>, vector<1x16xf32>,
        %swap3A_824 = vector.shape_cast %swap3A_823 : vector<1x16xf32> to vector<16xf32>
        %swap3A_825 = vector.shape_cast %mul3A_820 : vector<16xf32> to vector<1x16xf32>
        tpu.vector_store %arg10[%swap3A_821, %swap3A_822], %swap3A_825 {strides = array<i32>} : memref<32x128xf32, #tpu.memory_space<vmem>>, vector<1x16xf32>,
        %broadcast_in_dim3A_826 = arith.constant 14 : i32
        %broadcast_in_dim3A_827 = vector.broadcast %broadcast_in_dim3A_826 : i32 to vector<16xi32>
        %reshape3A_828 = vector.shape_cast %broadcast_in_dim3A_827 : vector<16xi32> to vector<16x1xi32>
        %gather3A_829 = vector.shape_cast %reshape3A_828 : vector<16x1xi32> to vector<16xi32>
        %gather3A_830 = tpu.dynamic_gather %exp3A[%gather3A_829] in [0] : vector<16xf32>, vector<16xi32> -> vector<16xf32>
        %get3A_831 = arith.index_cast %scan3A_360 : i32 to index
        %get3A_832 = arith.constant 240 : index
        %get3A_833 = tpu.vector_load %arg12[%get3A_831, %get3A_832] {strides = array<i32>} : memref<32x256xf32, #tpu.memory_space<vmem>>, vector<1x16xf32>,
        %get3A_834 = vector.shape_cast %get3A_833 : vector<1x16xf32> to vector<16xf32>
        %mul3A_835 = arith.mulf %gather3A_830, %get3A_834 : vector<16xf32>
        %swap3A_836 = arith.index_cast %scan3A_360 : i32 to index
        %swap3A_837 = arith.constant 112 : index
        %swap3A_838 = tpu.vector_load %arg10[%swap3A_836, %swap3A_837] {strides = array<i32>} : memref<32x128xf32, #tpu.memory_space<vmem>>, vector<1x16xf32>,
        %swap3A_839 = vector.shape_cast %swap3A_838 : vector<1x16xf32> to vector<16xf32>
        %swap3A_840 = vector.shape_cast %mul3A_835 : vector<16xf32> to vector<1x16xf32>
        tpu.vector_store %arg10[%swap3A_836, %swap3A_837], %swap3A_840 {strides = array<i32>} : memref<32x128xf32, #tpu.memory_space<vmem>>, vector<1x16xf32>,
      }
      %scan3A_245 = arith.constant 32 : i32
      %run_scoped3A = arith.constant 0 : i32
      "tpu.region"() ({
        %run_scoped3A_360 = tpu.sem_alloc : memref<!tpu.dma_semaphore, #tpu.memory_space<semaphore_mem>>
        %dma_start3A_361 = arith.constant 0 : i32
        %dma_start3A_362 = tpu.memref_slice %arg6[%run_scoped3A, %dma_start3A_361] : memref<2x32xi32, #tpu.memory_space<vmem>> -> memref<1x32xi32, #tpu.memory_space<vmem>>
        %dma_start3A_363 = tpu.memref_squeeze %dma_start3A_362 : memref<1x32xi32, #tpu.memory_space<vmem>> -> memref<32xi32, #tpu.memory_space<vmem>>
        %dma_start3A_364 = arith.constant 0 : i32
        %dma_start3A_365 = arith.constant 0 : i32
        %dma_start3A_366 = tpu.memref_slice %arg16[%dma_start3A_364, %dma_start3A_365] : memref<11520x128xf32, #tpu.memory_space<vmem_shared>> -> memref<11520x128xf32, #tpu.memory_space<vmem_shared>>
        tpu.enqueue_indirect_dma source(%arg10 : memref<32x128xf32, #tpu.memory_space<vmem>>) target(%dma_start3A_366 : memref<11520x128xf32, #tpu.memory_space<vmem_shared>>) offsets(%dma_start3A_363 : memref<32xi32, #tpu.memory_space<vmem>>) semaphore(%run_scoped3A_360 : memref<!tpu.dma_semaphore, #tpu.memory_space<semaphore_mem>>) {add = true}
        %dma_wait3A_367 = arith.constant 0 : i32
        %dma_wait3A_368 = tpu.memref_slice %arg6[%run_scoped3A, %dma_wait3A_367] : memref<2x32xi32, #tpu.memory_space<vmem>> -> memref<1x32xi32, #tpu.memory_space<vmem>>
        %dma_wait3A_369 = tpu.memref_squeeze %dma_wait3A_368 : memref<1x32xi32, #tpu.memory_space<vmem>> -> memref<32xi32, #tpu.memory_space<vmem>>
        %dma_wait3A_370 = arith.constant 0 : i32
        %dma_wait3A_371 = arith.constant 0 : i32
        %dma_wait3A_372 = tpu.memref_slice %arg16[%dma_wait3A_370, %dma_wait3A_371] : memref<11520x128xf32, #tpu.memory_space<vmem_shared>> -> memref<11520x128xf32, #tpu.memory_space<vmem_shared>>
        tpu.wait_indirect_dma semaphore(%run_scoped3A_360 : memref<!tpu.dma_semaphore, #tpu.memory_space<semaphore_mem>>) src(%arg10 : memref<32x128xf32, #tpu.memory_space<vmem>>) dst(%dma_wait3A_372 : memref<11520x128xf32, #tpu.memory_space<vmem_shared>>)
        tpu.yield
      }) : () -> ()
      %dma_start3A_246 = arith.constant 0 : i32
      %dma_start3A_247 = arith.constant 0 : i32
      %dma_start3A_248 = tpu.memref_slice %arg8[%dma_start3A_246, %dma_start3A_247] : memref<1x32xi32, #tpu.memory_space<vmem>> -> memref<1x32xi32, #tpu.memory_space<vmem>>
      %dma_start3A_249 = tpu.memref_squeeze %dma_start3A_248 : memref<1x32xi32, #tpu.memory_space<vmem>> -> memref<32xi32, #tpu.memory_space<vmem>>
      %dma_start3A_250 = arith.constant 0 : i32
      %dma_start3A_251 = arith.constant 0 : i32
      %dma_start3A_252 = tpu.memref_slice %arg16[%dma_start3A_250, %dma_start3A_251] : memref<11520x128xf32, #tpu.memory_space<vmem_shared>> -> memref<11520x128xf32, #tpu.memory_space<vmem_shared>>
      tpu.enqueue_indirect_dma source(%arg14 : memref<32x128xf32, #tpu.memory_space<vmem>>) target(%dma_start3A_252 : memref<11520x128xf32, #tpu.memory_space<vmem_shared>>) offsets(%dma_start3A_249 : memref<32xi32, #tpu.memory_space<vmem>>) semaphore(%arg21 : memref<!tpu.dma_semaphore, #tpu.memory_space<semaphore_mem>>) {add = true}
      %add3A_253 = arith.constant 2 : i32
      %add3A_254 = arith.addi %mul3A_150, %add3A_253 : i32
      %add3A_255 = arith.addi %mul3A_57, %add3A_254 : i32
      "tpu.region"() ({
        %run_scoped3A_360 = tpu.sem_alloc : memref<!tpu.dma_semaphore, #tpu.memory_space<semaphore_mem>>
        %dma_start3A_361 = arith.constant 0 : i32
        %dma_start3A_362 = arith.constant 0 : i32
        %dma_start3A_363 = tpu.memref_slice %arg4[%add3A_255, %dma_start3A_361, %dma_start3A_362] : memref<10241x2x32xi32, #tpu.memory_space<hbm>> -> memref<1x2x32xi32, #tpu.memory_space<hbm>>
        %dma_start3A_364 = tpu.memref_squeeze %dma_start3A_363 : memref<1x2x32xi32, #tpu.memory_space<hbm>> -> memref<2x32xi32, #tpu.memory_space<hbm>>
        %dma_start3A_365 = arith.constant 0 : i32
        %dma_start3A_366 = arith.constant 0 : i32
        %dma_start3A_367 = tpu.memref_slice %arg4[%add3A_255, %dma_start3A_365, %dma_start3A_366] : memref<10241x2x32xi32, #tpu.memory_space<hbm>> -> memref<1x2x32xi32, #tpu.memory_space<hbm>>
        %dma_start3A_368 = tpu.memref_squeeze %dma_start3A_367 : memref<1x2x32xi32, #tpu.memory_space<hbm>> -> memref<2x32xi32, #tpu.memory_space<hbm>>
        tpu.enqueue_dma source(%dma_start3A_368 : memref<2x32xi32, #tpu.memory_space<hbm>>) target(%arg6 : memref<2x32xi32, #tpu.memory_space<vmem>>) target_semaphore(%run_scoped3A_360 : memref<!tpu.dma_semaphore, #tpu.memory_space<semaphore_mem>>)
        %dma_wait3A_369 = arith.constant 0 : i32
        %dma_wait3A_370 = arith.constant 0 : i32
        %dma_wait3A_371 = tpu.memref_slice %arg4[%add3A_255, %dma_wait3A_369, %dma_wait3A_370] : memref<10241x2x32xi32, #tpu.memory_space<hbm>> -> memref<1x2x32xi32, #tpu.memory_space<hbm>>
        %dma_wait3A_372 = tpu.memref_squeeze %dma_wait3A_371 : memref<1x2x32xi32, #tpu.memory_space<hbm>> -> memref<2x32xi32, #tpu.memory_space<hbm>>
        %dma_wait3A_373 = arith.constant 0 : i32
        %dma_wait3A_374 = arith.constant 0 : i32
        %dma_wait3A_375 = tpu.memref_slice %arg4[%add3A_255, %dma_wait3A_373, %dma_wait3A_374] : memref<10241x2x32xi32, #tpu.memory_space<hbm>> -> memref<1x2x32xi32, #tpu.memory_space<hbm>>
        %dma_wait3A_376 = tpu.memref_squeeze %dma_wait3A_375 : memref<1x2x32xi32, #tpu.memory_space<hbm>> -> memref<2x32xi32, #tpu.memory_space<hbm>>
        tpu.wait_dma2 semaphore(%run_scoped3A_360 : memref<!tpu.dma_semaphore, #tpu.memory_space<semaphore_mem>>) src(%dma_wait3A_376 : memref<2x32xi32, #tpu.memory_space<hbm>>) dst(%arg6 : memref<2x32xi32, #tpu.memory_space<vmem>>)
        tpu.yield
      }) : () -> ()
      %dma_start3A_256 = arith.constant 0 : i32
      %dma_start3A_257 = arith.constant 0 : i32
      %dma_start3A_258 = tpu.memref_slice %arg6[%dma_start3A_256, %dma_start3A_257] : memref<2x32xi32, #tpu.memory_space<vmem>> -> memref<1x32xi32, #tpu.memory_space<vmem>>
      %dma_start3A_259 = tpu.memref_squeeze %dma_start3A_258 : memref<1x32xi32, #tpu.memory_space<vmem>> -> memref<32xi32, #tpu.memory_space<vmem>>
      %dma_start3A_260 = arith.constant 0 : i32
      %dma_start3A_261 = arith.constant 0 : i32
      %dma_start3A_262 = tpu.memref_slice %arg2[%dma_start3A_260, %dma_start3A_261] : memref<10240x128xf32, #tpu.memory_space<hbm>> -> memref<10240x128xf32, #tpu.memory_space<hbm>>
      tpu.enqueue_indirect_dma source(%dma_start3A_262 : memref<10240x128xf32, #tpu.memory_space<hbm>>) target(%arg10 : memref<32x128xf32, #tpu.memory_space<vmem>>) offsets(%dma_start3A_259 : memref<32xi32, #tpu.memory_space<vmem>>) semaphore(%arg17 : memref<!tpu.dma_semaphore, #tpu.memory_space<semaphore_mem>>)
      %dma_start3A_263 = arith.constant 1 : i32
      %dma_start3A_264 = arith.constant 0 : i32
      %dma_start3A_265 = tpu.memref_slice %arg6[%dma_start3A_263, %dma_start3A_264] : memref<2x32xi32, #tpu.memory_space<vmem>> -> memref<1x32xi32, #tpu.memory_space<vmem>>
      %dma_start3A_266 = tpu.memref_squeeze %dma_start3A_265 : memref<1x32xi32, #tpu.memory_space<vmem>> -> memref<32xi32, #tpu.memory_space<vmem>>
      %dma_start3A_267 = arith.constant 0 : i32
      %dma_start3A_268 = arith.constant 0 : i32
      %dma_start3A_269 = tpu.memref_slice %arg3[%dma_start3A_267, %dma_start3A_268] : memref<10240x256xf32, #tpu.memory_space<hbm>> -> memref<10240x256xf32, #tpu.memory_space<hbm>>
      tpu.enqueue_indirect_dma source(%dma_start3A_269 : memref<10240x256xf32, #tpu.memory_space<hbm>>) target(%arg12 : memref<32x256xf32, #tpu.memory_space<vmem>>) offsets(%dma_start3A_266 : memref<32xi32, #tpu.memory_space<vmem>>) semaphore(%arg19 : memref<!tpu.dma_semaphore, #tpu.memory_space<semaphore_mem>>)
      %dma_wait3A_270 = arith.constant 0 : i32
      %dma_wait3A_271 = arith.constant 0 : i32
      %dma_wait3A_272 = tpu.memref_slice %arg2[%dma_wait3A_270, %dma_wait3A_271] : memref<10240x128xf32, #tpu.memory_space<hbm>> -> memref<32x128xf32, #tpu.memory_space<hbm>>
      %dma_wait3A_273 = arith.constant 0 : i32
      %dma_wait3A_274 = arith.constant 0 : i32
      %dma_wait3A_275 = tpu.memref_slice %arg2[%dma_wait3A_273, %dma_wait3A_274] : memref<10240x128xf32, #tpu.memory_space<hbm>> -> memref<32x128xf32, #tpu.memory_space<hbm>>
      tpu.wait_dma2 semaphore(%arg18 : memref<!tpu.dma_semaphore, #tpu.memory_space<semaphore_mem>>) src(%dma_wait3A_275 : memref<32x128xf32, #tpu.memory_space<hbm>>) dst(%arg11 : memref<32x128xf32, #tpu.memory_space<vmem>>)
      %dma_wait3A_276 = arith.constant 0 : i32
      %dma_wait3A_277 = arith.constant 0 : i32
      %dma_wait3A_278 = tpu.memref_slice %arg3[%dma_wait3A_276, %dma_wait3A_277] : memref<10240x256xf32, #tpu.memory_space<hbm>> -> memref<32x256xf32, #tpu.memory_space<hbm>>
      %dma_wait3A_279 = arith.constant 0 : i32
      %dma_wait3A_280 = arith.constant 0 : i32
      %dma_wait3A_281 = tpu.memref_slice %arg3[%dma_wait3A_279, %dma_wait3A_280] : memref<10240x256xf32, #tpu.memory_space<hbm>> -> memref<32x256xf32, #tpu.memory_space<hbm>>
      tpu.wait_dma2 semaphore(%arg20 : memref<!tpu.dma_semaphore, #tpu.memory_space<semaphore_mem>>) src(%dma_wait3A_281 : memref<32x256xf32, #tpu.memory_space<hbm>>) dst(%arg13 : memref<32x256xf32, #tpu.memory_space<vmem>>)
      %dma_wait3A_282 = arith.constant 0 : i32
      %dma_wait3A_283 = arith.constant 0 : i32
      %dma_wait3A_284 = tpu.memref_slice %arg2[%dma_wait3A_282, %dma_wait3A_283] : memref<10240x128xf32, #tpu.memory_space<hbm>> -> memref<32x128xf32, #tpu.memory_space<hbm>>
      %dma_wait3A_285 = arith.constant 0 : i32
      %dma_wait3A_286 = arith.constant 0 : i32
      %dma_wait3A_287 = tpu.memref_slice %arg2[%dma_wait3A_285, %dma_wait3A_286] : memref<10240x128xf32, #tpu.memory_space<hbm>> -> memref<32x128xf32, #tpu.memory_space<hbm>>
      tpu.wait_dma2 semaphore(%arg22 : memref<!tpu.dma_semaphore, #tpu.memory_space<semaphore_mem>>) src(%dma_wait3A_287 : memref<32x128xf32, #tpu.memory_space<hbm>>) dst(%arg15 : memref<32x128xf32, #tpu.memory_space<vmem>>)
      %get3A_288 = arith.constant 0 : i32
      %get3A_289 = arith.index_cast %get3A_288 : i32 to index
      %get3A_290 = arith.constant 0 : index
      %get3A_291 = tpu.vector_load %arg7[%get3A_289, %get3A_290] {strides = array<i32>} : memref<2x32xi32, #tpu.memory_space<vmem>>, vector<1x16xi32>,
      %get3A_292 = vector.shape_cast %get3A_291 : vector<1x16xi32> to vector<16xi32>
      %shift_right_logical3A_293 = arith.constant 3 : i32
      %shift_right_logical3A_294 = vector.broadcast %shift_right_logical3A_293 : i32 to vector<16xi32>
      %shift_right_logical3A_295 = arith.shrui %get3A_292, %shift_right_logical3A_294 : vector<16xi32>
      %add3A_296 = arith.constant 10240 : i32
      %add3A_297 = vector.broadcast %add3A_296 : i32 to vector<16xi32>
      %add3A_298 = arith.addi %add3A_297, %shift_right_logical3A_295 : vector<16xi32>
      %swap3A_299 = arith.constant 0 : i32
      %swap3A_300 = arith.index_cast %swap3A_299 : i32 to index
      %swap3A_301 = arith.constant 0 : index
      %swap3A_302 = tpu.vector_load %arg9[%swap3A_300, %swap3A_301] {strides = array<i32>} : memref<1x32xi32, #tpu.memory_space<vmem>>, vector<1x16xi32>,
      %swap3A_303 = vector.shape_cast %swap3A_302 : vector<1x16xi32> to vector<16xi32>
      %swap3A_304 = vector.shape_cast %add3A_298 : vector<16xi32> to vector<1x16xi32>
      tpu.vector_store %arg9[%swap3A_300, %swap3A_301], %swap3A_304 {strides = array<i32>} : memref<1x32xi32, #tpu.memory_space<vmem>>, vector<1x16xi32>,
      %get3A_305 = arith.constant 0 : i32
      %get3A_306 = arith.index_cast %get3A_305 : i32 to index
      %get3A_307 = arith.constant 16 : index
      %get3A_308 = tpu.vector_load %arg7[%get3A_306, %get3A_307] {strides = array<i32>} : memref<2x32xi32, #tpu.memory_space<vmem>>, vector<1x16xi32>,
      %get3A_309 = vector.shape_cast %get3A_308 : vector<1x16xi32> to vector<16xi32>
      %shift_right_logical3A_310 = arith.constant 3 : i32
      %shift_right_logical3A_311 = vector.broadcast %shift_right_logical3A_310 : i32 to vector<16xi32>
      %shift_right_logical3A_312 = arith.shrui %get3A_309, %shift_right_logical3A_311 : vector<16xi32>
      %add3A_313 = arith.constant 10240 : i32
      %add3A_314 = vector.broadcast %add3A_313 : i32 to vector<16xi32>
      %add3A_315 = arith.addi %add3A_314, %shift_right_logical3A_312 : vector<16xi32>
      %swap3A_316 = arith.constant 0 : i32
      %swap3A_317 = arith.index_cast %swap3A_316 : i32 to index
      %swap3A_318 = arith.constant 16 : index
      %swap3A_319 = tpu.vector_load %arg9[%swap3A_317, %swap3A_318] {strides = array<i32>} : memref<1x32xi32, #tpu.memory_space<vmem>>, vector<1x16xi32>,
      %swap3A_320 = vector.shape_cast %swap3A_319 : vector<1x16xi32> to vector<16xi32>
      %swap3A_321 = vector.shape_cast %add3A_315 : vector<16xi32> to vector<1x16xi32>
      tpu.vector_store %arg9[%swap3A_317, %swap3A_318], %swap3A_321 {strides = array<i32>} : memref<1x32xi32, #tpu.memory_space<vmem>>, vector<1x16xi32>,
      %and3A_322 = arith.constant 8 : i32
      %and3A_323 = vector.broadcast %and3A_322 : i32 to vector<16xi32>
      %and3A_324 = arith.andi %iota3A, %and3A_323 : vector<16xi32>
      %eq3A_325 = arith.constant 0 : i32
      %eq3A_326 = vector.broadcast %eq3A_325 : i32 to vector<16xi32>
      %eq3A_327 = arith.cmpi eq, %and3A_324, %eq3A_326 : vector<16xi32>
      %and3A_328 = arith.constant 4 : i32
      %and3A_329 = vector.broadcast %and3A_328 : i32 to vector<16xi32>
      %and3A_330 = arith.andi %iota3A, %and3A_329 : vector<16xi32>
      %eq3A_331 = arith.constant 0 : i32
      %eq3A_332 = vector.broadcast %eq3A_331 : i32 to vector<16xi32>
      %eq3A_333 = arith.cmpi eq, %and3A_330, %eq3A_332 : vector<16xi32>
      %and3A_334 = arith.constant 2 : i32
      %and3A_335 = vector.broadcast %and3A_334 : i32 to vector<16xi32>
      %and3A_336 = arith.andi %iota3A, %and3A_335 : vector<16xi32>
      %eq3A_337 = arith.constant 0 : i32
      %eq3A_338 = vector.broadcast %eq3A_337 : i32 to vector<16xi32>
      %eq3A_339 = arith.cmpi eq, %and3A_336, %eq3A_338 : vector<16xi32>
      %and3A_340 = arith.constant 1 : i32
      %and3A_341 = vector.broadcast %and3A_340 : i32 to vector<16xi32>
      %and3A_342 = arith.andi %iota3A, %and3A_341 : vector<16xi32>
      %eq3A_343 = arith.constant 0 : i32
      %eq3A_344 = vector.broadcast %eq3A_343 : i32 to vector<16xi32>
      %eq3A_345 = arith.cmpi eq, %and3A_342, %eq3A_344 : vector<16xi32>
      %scan3A_346 = arith.constant 0 : i32
      %scan3A_347 = arith.constant 0 : i32
      %scan3A_348 = arith.constant 32 : i32
      %scan3A_349 = arith.addi %scan3A_347, %scan3A_348 : i32
      %scan3A_350 = arith.constant 1 : i32
      scf.for %scan3A_360 = %scan3A_347 to %scan3A_349 step %scan3A_350  : i32 {
        %get3A_361 = arith.index_cast %scan3A_360 : i32 to index
        %get3A_362 = arith.constant 0 : index
        %get3A_363 = tpu.vector_load %arg11[%get3A_361, %get3A_362] {strides = array<i32>} : memref<32x128xf32, #tpu.memory_space<vmem>>, vector<1x16xf32>,
        %get3A_364 = vector.shape_cast %get3A_363 : vector<1x16xf32> to vector<16xf32>
        %get3A_365 = arith.index_cast %scan3A_360 : i32 to index
        %get3A_366 = arith.constant 0 : index
        %get3A_367 = tpu.vector_load %arg13[%get3A_365, %get3A_366] {strides = array<i32>} : memref<32x256xf32, #tpu.memory_space<vmem>>, vector<1x16xf32>,
        %get3A_368 = vector.shape_cast %get3A_367 : vector<1x16xf32> to vector<16xf32>
        %mul3A_369 = arith.mulf %get3A_364, %get3A_368 : vector<16xf32>
        %get3A_370 = arith.index_cast %scan3A_360 : i32 to index
        %get3A_371 = arith.constant 16 : index
        %get3A_372 = tpu.vector_load %arg11[%get3A_370, %get3A_371] {strides = array<i32>} : memref<32x128xf32, #tpu.memory_space<vmem>>, vector<1x16xf32>,
        %get3A_373 = vector.shape_cast %get3A_372 : vector<1x16xf32> to vector<16xf32>
        %get3A_374 = arith.index_cast %scan3A_360 : i32 to index
        %get3A_375 = arith.constant 16 : index
        %get3A_376 = tpu.vector_load %arg13[%get3A_374, %get3A_375] {strides = array<i32>} : memref<32x256xf32, #tpu.memory_space<vmem>>, vector<1x16xf32>,
        %get3A_377 = vector.shape_cast %get3A_376 : vector<1x16xf32> to vector<16xf32>
        %mul3A_378 = arith.mulf %get3A_373, %get3A_377 : vector<16xf32>
        %get3A_379 = arith.index_cast %scan3A_360 : i32 to index
        %get3A_380 = arith.constant 32 : index
        %get3A_381 = tpu.vector_load %arg11[%get3A_379, %get3A_380] {strides = array<i32>} : memref<32x128xf32, #tpu.memory_space<vmem>>, vector<1x16xf32>,
        %get3A_382 = vector.shape_cast %get3A_381 : vector<1x16xf32> to vector<16xf32>
        %get3A_383 = arith.index_cast %scan3A_360 : i32 to index
        %get3A_384 = arith.constant 32 : index
        %get3A_385 = tpu.vector_load %arg13[%get3A_383, %get3A_384] {strides = array<i32>} : memref<32x256xf32, #tpu.memory_space<vmem>>, vector<1x16xf32>,
        %get3A_386 = vector.shape_cast %get3A_385 : vector<1x16xf32> to vector<16xf32>
        %mul3A_387 = arith.mulf %get3A_382, %get3A_386 : vector<16xf32>
        %get3A_388 = arith.index_cast %scan3A_360 : i32 to index
        %get3A_389 = arith.constant 48 : index
        %get3A_390 = tpu.vector_load %arg11[%get3A_388, %get3A_389] {strides = array<i32>} : memref<32x128xf32, #tpu.memory_space<vmem>>, vector<1x16xf32>,
        %get3A_391 = vector.shape_cast %get3A_390 : vector<1x16xf32> to vector<16xf32>
        %get3A_392 = arith.index_cast %scan3A_360 : i32 to index
        %get3A_393 = arith.constant 48 : index
        %get3A_394 = tpu.vector_load %arg13[%get3A_392, %get3A_393] {strides = array<i32>} : memref<32x256xf32, #tpu.memory_space<vmem>>, vector<1x16xf32>,
        %get3A_395 = vector.shape_cast %get3A_394 : vector<1x16xf32> to vector<16xf32>
        %mul3A_396 = arith.mulf %get3A_391, %get3A_395 : vector<16xf32>
        %get3A_397 = arith.index_cast %scan3A_360 : i32 to index
        %get3A_398 = arith.constant 64 : index
        %get3A_399 = tpu.vector_load %arg11[%get3A_397, %get3A_398] {strides = array<i32>} : memref<32x128xf32, #tpu.memory_space<vmem>>, vector<1x16xf32>,
        %get3A_400 = vector.shape_cast %get3A_399 : vector<1x16xf32> to vector<16xf32>
        %get3A_401 = arith.index_cast %scan3A_360 : i32 to index
        %get3A_402 = arith.constant 64 : index
        %get3A_403 = tpu.vector_load %arg13[%get3A_401, %get3A_402] {strides = array<i32>} : memref<32x256xf32, #tpu.memory_space<vmem>>, vector<1x16xf32>,
        %get3A_404 = vector.shape_cast %get3A_403 : vector<1x16xf32> to vector<16xf32>
        %mul3A_405 = arith.mulf %get3A_400, %get3A_404 : vector<16xf32>
        %get3A_406 = arith.index_cast %scan3A_360 : i32 to index
        %get3A_407 = arith.constant 80 : index
        %get3A_408 = tpu.vector_load %arg11[%get3A_406, %get3A_407] {strides = array<i32>} : memref<32x128xf32, #tpu.memory_space<vmem>>, vector<1x16xf32>,
        %get3A_409 = vector.shape_cast %get3A_408 : vector<1x16xf32> to vector<16xf32>
        %get3A_410 = arith.index_cast %scan3A_360 : i32 to index
        %get3A_411 = arith.constant 80 : index
        %get3A_412 = tpu.vector_load %arg13[%get3A_410, %get3A_411] {strides = array<i32>} : memref<32x256xf32, #tpu.memory_space<vmem>>, vector<1x16xf32>,
        %get3A_413 = vector.shape_cast %get3A_412 : vector<1x16xf32> to vector<16xf32>
        %mul3A_414 = arith.mulf %get3A_409, %get3A_413 : vector<16xf32>
        %get3A_415 = arith.index_cast %scan3A_360 : i32 to index
        %get3A_416 = arith.constant 96 : index
        %get3A_417 = tpu.vector_load %arg11[%get3A_415, %get3A_416] {strides = array<i32>} : memref<32x128xf32, #tpu.memory_space<vmem>>, vector<1x16xf32>,
        %get3A_418 = vector.shape_cast %get3A_417 : vector<1x16xf32> to vector<16xf32>
        %get3A_419 = arith.index_cast %scan3A_360 : i32 to index
        %get3A_420 = arith.constant 96 : index
        %get3A_421 = tpu.vector_load %arg13[%get3A_419, %get3A_420] {strides = array<i32>} : memref<32x256xf32, #tpu.memory_space<vmem>>, vector<1x16xf32>,
        %get3A_422 = vector.shape_cast %get3A_421 : vector<1x16xf32> to vector<16xf32>
        %mul3A_423 = arith.mulf %get3A_418, %get3A_422 : vector<16xf32>
        %get3A_424 = arith.index_cast %scan3A_360 : i32 to index
        %get3A_425 = arith.constant 112 : index
        %get3A_426 = tpu.vector_load %arg11[%get3A_424, %get3A_425] {strides = array<i32>} : memref<32x128xf32, #tpu.memory_space<vmem>>, vector<1x16xf32>,
        %get3A_427 = vector.shape_cast %get3A_426 : vector<1x16xf32> to vector<16xf32>
        %get3A_428 = arith.index_cast %scan3A_360 : i32 to index
        %get3A_429 = arith.constant 112 : index
        %get3A_430 = tpu.vector_load %arg13[%get3A_428, %get3A_429] {strides = array<i32>} : memref<32x256xf32, #tpu.memory_space<vmem>>, vector<1x16xf32>,
        %get3A_431 = vector.shape_cast %get3A_430 : vector<1x16xf32> to vector<16xf32>
        %mul3A_432 = arith.mulf %get3A_427, %get3A_431 : vector<16xf32>
        %xor3A = arith.constant 8 : i32
        %xor3A_433 = vector.broadcast %xor3A : i32 to vector<16xi32>
        %xor3A_434 = arith.xori %iota3A, %xor3A_433 : vector<16xi32>
        %reshape3A = vector.shape_cast %xor3A_434 : vector<16xi32> to vector<16x1xi32>
        %gather3A = vector.shape_cast %reshape3A : vector<16x1xi32> to vector<16xi32>
        %gather3A_435 = tpu.dynamic_gather %mul3A_369[%gather3A] in [0] : vector<16xf32>, vector<16xi32> -> vector<16xf32>
        %add3A_436 = arith.addf %mul3A_369, %gather3A_435 : vector<16xf32>
        %xor3A_437 = arith.constant 8 : i32
        %xor3A_438 = vector.broadcast %xor3A_437 : i32 to vector<16xi32>
        %xor3A_439 = arith.xori %iota3A, %xor3A_438 : vector<16xi32>
        %reshape3A_440 = vector.shape_cast %xor3A_439 : vector<16xi32> to vector<16x1xi32>
        %gather3A_441 = vector.shape_cast %reshape3A_440 : vector<16x1xi32> to vector<16xi32>
        %gather3A_442 = tpu.dynamic_gather %mul3A_378[%gather3A_441] in [0] : vector<16xf32>, vector<16xi32> -> vector<16xf32>
        %add3A_443 = arith.addf %mul3A_378, %gather3A_442 : vector<16xf32>
        %select_n3A = arith.select %eq3A_327, %add3A_436, %add3A_443 : vector<16xi1>, vector<16xf32>
        %xor3A_444 = arith.constant 8 : i32
        %xor3A_445 = vector.broadcast %xor3A_444 : i32 to vector<16xi32>
        %xor3A_446 = arith.xori %iota3A, %xor3A_445 : vector<16xi32>
        %reshape3A_447 = vector.shape_cast %xor3A_446 : vector<16xi32> to vector<16x1xi32>
        %gather3A_448 = vector.shape_cast %reshape3A_447 : vector<16x1xi32> to vector<16xi32>
        %gather3A_449 = tpu.dynamic_gather %mul3A_387[%gather3A_448] in [0] : vector<16xf32>, vector<16xi32> -> vector<16xf32>
        %add3A_450 = arith.addf %mul3A_387, %gather3A_449 : vector<16xf32>
        %xor3A_451 = arith.constant 8 : i32
        %xor3A_452 = vector.broadcast %xor3A_451 : i32 to vector<16xi32>
        %xor3A_453 = arith.xori %iota3A, %xor3A_452 : vector<16xi32>
        %reshape3A_454 = vector.shape_cast %xor3A_453 : vector<16xi32> to vector<16x1xi32>
        %gather3A_455 = vector.shape_cast %reshape3A_454 : vector<16x1xi32> to vector<16xi32>
        %gather3A_456 = tpu.dynamic_gather %mul3A_396[%gather3A_455] in [0] : vector<16xf32>, vector<16xi32> -> vector<16xf32>
        %add3A_457 = arith.addf %mul3A_396, %gather3A_456 : vector<16xf32>
        %select_n3A_458 = arith.select %eq3A_327, %add3A_450, %add3A_457 : vector<16xi1>, vector<16xf32>
        %xor3A_459 = arith.constant 8 : i32
        %xor3A_460 = vector.broadcast %xor3A_459 : i32 to vector<16xi32>
        %xor3A_461 = arith.xori %iota3A, %xor3A_460 : vector<16xi32>
        %reshape3A_462 = vector.shape_cast %xor3A_461 : vector<16xi32> to vector<16x1xi32>
        %gather3A_463 = vector.shape_cast %reshape3A_462 : vector<16x1xi32> to vector<16xi32>
        %gather3A_464 = tpu.dynamic_gather %mul3A_405[%gather3A_463] in [0] : vector<16xf32>, vector<16xi32> -> vector<16xf32>
        %add3A_465 = arith.addf %mul3A_405, %gather3A_464 : vector<16xf32>
        %xor3A_466 = arith.constant 8 : i32
        %xor3A_467 = vector.broadcast %xor3A_466 : i32 to vector<16xi32>
        %xor3A_468 = arith.xori %iota3A, %xor3A_467 : vector<16xi32>
        %reshape3A_469 = vector.shape_cast %xor3A_468 : vector<16xi32> to vector<16x1xi32>
        %gather3A_470 = vector.shape_cast %reshape3A_469 : vector<16x1xi32> to vector<16xi32>
        %gather3A_471 = tpu.dynamic_gather %mul3A_414[%gather3A_470] in [0] : vector<16xf32>, vector<16xi32> -> vector<16xf32>
        %add3A_472 = arith.addf %mul3A_414, %gather3A_471 : vector<16xf32>
        %select_n3A_473 = arith.select %eq3A_327, %add3A_465, %add3A_472 : vector<16xi1>, vector<16xf32>
        %xor3A_474 = arith.constant 8 : i32
        %xor3A_475 = vector.broadcast %xor3A_474 : i32 to vector<16xi32>
        %xor3A_476 = arith.xori %iota3A, %xor3A_475 : vector<16xi32>
        %reshape3A_477 = vector.shape_cast %xor3A_476 : vector<16xi32> to vector<16x1xi32>
        %gather3A_478 = vector.shape_cast %reshape3A_477 : vector<16x1xi32> to vector<16xi32>
        %gather3A_479 = tpu.dynamic_gather %mul3A_423[%gather3A_478] in [0] : vector<16xf32>, vector<16xi32> -> vector<16xf32>
        %add3A_480 = arith.addf %mul3A_423, %gather3A_479 : vector<16xf32>
        %xor3A_481 = arith.constant 8 : i32
        %xor3A_482 = vector.broadcast %xor3A_481 : i32 to vector<16xi32>
        %xor3A_483 = arith.xori %iota3A, %xor3A_482 : vector<16xi32>
        %reshape3A_484 = vector.shape_cast %xor3A_483 : vector<16xi32> to vector<16x1xi32>
        %gather3A_485 = vector.shape_cast %reshape3A_484 : vector<16x1xi32> to vector<16xi32>
        %gather3A_486 = tpu.dynamic_gather %mul3A_432[%gather3A_485] in [0] : vector<16xf32>, vector<16xi32> -> vector<16xf32>
        %add3A_487 = arith.addf %mul3A_432, %gather3A_486 : vector<16xf32>
        %select_n3A_488 = arith.select %eq3A_327, %add3A_480, %add3A_487 : vector<16xi1>, vector<16xf32>
        %xor3A_489 = arith.constant 4 : i32
        %xor3A_490 = vector.broadcast %xor3A_489 : i32 to vector<16xi32>
        %xor3A_491 = arith.xori %iota3A, %xor3A_490 : vector<16xi32>
        %reshape3A_492 = vector.shape_cast %xor3A_491 : vector<16xi32> to vector<16x1xi32>
        %gather3A_493 = vector.shape_cast %reshape3A_492 : vector<16x1xi32> to vector<16xi32>
        %gather3A_494 = tpu.dynamic_gather %select_n3A[%gather3A_493] in [0] : vector<16xf32>, vector<16xi32> -> vector<16xf32>
        %add3A_495 = arith.addf %select_n3A, %gather3A_494 : vector<16xf32>
        %xor3A_496 = arith.constant 4 : i32
        %xor3A_497 = vector.broadcast %xor3A_496 : i32 to vector<16xi32>
        %xor3A_498 = arith.xori %iota3A, %xor3A_497 : vector<16xi32>
        %reshape3A_499 = vector.shape_cast %xor3A_498 : vector<16xi32> to vector<16x1xi32>
        %gather3A_500 = vector.shape_cast %reshape3A_499 : vector<16x1xi32> to vector<16xi32>
        %gather3A_501 = tpu.dynamic_gather %select_n3A_458[%gather3A_500] in [0] : vector<16xf32>, vector<16xi32> -> vector<16xf32>
        %add3A_502 = arith.addf %select_n3A_458, %gather3A_501 : vector<16xf32>
        %select_n3A_503 = arith.select %eq3A_333, %add3A_495, %add3A_502 : vector<16xi1>, vector<16xf32>
        %xor3A_504 = arith.constant 4 : i32
        %xor3A_505 = vector.broadcast %xor3A_504 : i32 to vector<16xi32>
        %xor3A_506 = arith.xori %iota3A, %xor3A_505 : vector<16xi32>
        %reshape3A_507 = vector.shape_cast %xor3A_506 : vector<16xi32> to vector<16x1xi32>
        %gather3A_508 = vector.shape_cast %reshape3A_507 : vector<16x1xi32> to vector<16xi32>
        %gather3A_509 = tpu.dynamic_gather %select_n3A_473[%gather3A_508] in [0] : vector<16xf32>, vector<16xi32> -> vector<16xf32>
        %add3A_510 = arith.addf %select_n3A_473, %gather3A_509 : vector<16xf32>
        %xor3A_511 = arith.constant 4 : i32
        %xor3A_512 = vector.broadcast %xor3A_511 : i32 to vector<16xi32>
        %xor3A_513 = arith.xori %iota3A, %xor3A_512 : vector<16xi32>
        %reshape3A_514 = vector.shape_cast %xor3A_513 : vector<16xi32> to vector<16x1xi32>
        %gather3A_515 = vector.shape_cast %reshape3A_514 : vector<16x1xi32> to vector<16xi32>
        %gather3A_516 = tpu.dynamic_gather %select_n3A_488[%gather3A_515] in [0] : vector<16xf32>, vector<16xi32> -> vector<16xf32>
        %add3A_517 = arith.addf %select_n3A_488, %gather3A_516 : vector<16xf32>
        %select_n3A_518 = arith.select %eq3A_333, %add3A_510, %add3A_517 : vector<16xi1>, vector<16xf32>
        %xor3A_519 = arith.constant 2 : i32
        %xor3A_520 = vector.broadcast %xor3A_519 : i32 to vector<16xi32>
        %xor3A_521 = arith.xori %iota3A, %xor3A_520 : vector<16xi32>
        %reshape3A_522 = vector.shape_cast %xor3A_521 : vector<16xi32> to vector<16x1xi32>
        %gather3A_523 = vector.shape_cast %reshape3A_522 : vector<16x1xi32> to vector<16xi32>
        %gather3A_524 = tpu.dynamic_gather %select_n3A_503[%gather3A_523] in [0] : vector<16xf32>, vector<16xi32> -> vector<16xf32>
        %add3A_525 = arith.addf %select_n3A_503, %gather3A_524 : vector<16xf32>
        %xor3A_526 = arith.constant 2 : i32
        %xor3A_527 = vector.broadcast %xor3A_526 : i32 to vector<16xi32>
        %xor3A_528 = arith.xori %iota3A, %xor3A_527 : vector<16xi32>
        %reshape3A_529 = vector.shape_cast %xor3A_528 : vector<16xi32> to vector<16x1xi32>
        %gather3A_530 = vector.shape_cast %reshape3A_529 : vector<16x1xi32> to vector<16xi32>
        %gather3A_531 = tpu.dynamic_gather %select_n3A_518[%gather3A_530] in [0] : vector<16xf32>, vector<16xi32> -> vector<16xf32>
        %add3A_532 = arith.addf %select_n3A_518, %gather3A_531 : vector<16xf32>
        %select_n3A_533 = arith.select %eq3A_339, %add3A_525, %add3A_532 : vector<16xi1>, vector<16xf32>
        %xor3A_534 = arith.constant 1 : i32
        %xor3A_535 = vector.broadcast %xor3A_534 : i32 to vector<16xi32>
        %xor3A_536 = arith.xori %iota3A, %xor3A_535 : vector<16xi32>
        %reshape3A_537 = vector.shape_cast %xor3A_536 : vector<16xi32> to vector<16x1xi32>
        %gather3A_538 = vector.shape_cast %reshape3A_537 : vector<16x1xi32> to vector<16xi32>
        %gather3A_539 = tpu.dynamic_gather %select_n3A_533[%gather3A_538] in [0] : vector<16xf32>, vector<16xi32> -> vector<16xf32>
        %add3A_540 = arith.addf %select_n3A_533, %gather3A_539 : vector<16xf32>
        %mul3A_541 = arith.constant 2.500000e-01 : f32
        %mul3A_542 = vector.broadcast %mul3A_541 : f32 to vector<16xf32>
        %mul3A_543 = arith.mulf %add3A_540, %mul3A_542 : vector<16xf32>
        %exp3A = math.exp %mul3A_543 : vector<16xf32>
        %jit3A = arith.constant 0.000000e+00 : f32
        %broadcast_in_dim3A_544 = vector.broadcast %jit3A : f32 to vector<16xf32>
        %select_n3A_545 = arith.select %eq3A_345, %exp3A, %broadcast_in_dim3A_544 : vector<16xi1>, vector<16xf32>
        %jit3A_546 = arith.constant 16 : i32
        %div3A = arith.divsi %scan3A_360, %jit3A_546 : i32
        %sign3A = arith.constant 0 : i32
        %sign3A_547 = arith.cmpi sgt, %scan3A_360, %sign3A : i32
        %sign3A_548 = arith.extui %sign3A_547 : i1 to i32
        %sign3A_549 = arith.constant 0 : i32
        %sign3A_550 = arith.cmpi slt, %scan3A_360, %sign3A_549 : i32
        %sign3A_551 = arith.extui %sign3A_550 : i1 to i32
        %sign3A_552 = arith.subi %sign3A_548, %sign3A_551 : i32
        %sign3A_553 = arith.constant 0 : i32
        %sign3A_554 = arith.cmpi sgt, %jit3A_546, %sign3A_553 : i32
        %sign3A_555 = arith.extui %sign3A_554 : i1 to i32
        %sign3A_556 = arith.constant 0 : i32
        %sign3A_557 = arith.cmpi slt, %jit3A_546, %sign3A_556 : i32
        %sign3A_558 = arith.extui %sign3A_557 : i1 to i32
        %sign3A_559 = arith.subi %sign3A_555, %sign3A_558 : i32
        %ne3A = arith.cmpi ne, %sign3A_552, %sign3A_559 : i32
        %rem3A = arith.remsi %scan3A_360, %jit3A_546 : i32
        %ne3A_560 = arith.constant 0 : i32
        %ne3A_561 = arith.cmpi ne, %rem3A, %ne3A_560 : i32
        %and3A_562 = arith.andi %ne3A, %ne3A_561 : i1
        %sub3A_563 = arith.constant 1 : i32
        %sub3A_564 = arith.subi %div3A, %sub3A_563 : i32
        %select_n3A_565 = arith.select %and3A_562, %sub3A_564, %div3A : i32
        %mul3A_566 = arith.constant 16 : i32
        %mul3A_567 = arith.muli %select_n3A_565, %mul3A_566 : i32
        %get3A_568 = arith.constant 0 : i32
        %get3A_569 = arith.index_cast %get3A_568 : i32 to index
        %get3A_570 = arith.index_cast %mul3A_567 : i32 to index
        %get3A_571 = tpu.vector_load %arg7[%get3A_569, %get3A_570] {strides = array<i32>} : memref<2x32xi32, #tpu.memory_space<vmem>>, vector<1x16xi32>,
        %get3A_572 = vector.shape_cast %get3A_571 : vector<1x16xi32> to vector<16xi32>
        %jit3A_573 = arith.constant 16 : i32
        %eq3A_574 = arith.constant 0 : i32
        %eq3A_575 = arith.cmpi eq, %jit3A_573, %eq3A_574 : i32
        %jit3A_576 = arith.constant 1 : i32
        %select_n3A_577 = arith.select %eq3A_575, %jit3A_576, %jit3A_573 : i32
        %rem3A_578 = arith.remsi %scan3A_360, %select_n3A_577 : i32
        %ne3A_579 = arith.constant 0 : i32
        %ne3A_580 = arith.cmpi ne, %rem3A_578, %ne3A_579 : i32
        %lt3A = arith.constant 0 : i32
        %lt3A_581 = arith.cmpi slt, %rem3A_578, %lt3A : i32
        %lt3A_582 = arith.constant 0 : i32
        %lt3A_583 = arith.cmpi slt, %select_n3A_577, %lt3A_582 : i32
        %ne3A_584 = arith.xori %lt3A_581, %lt3A_583 : i1
        %and3A_585 = arith.andi %ne3A_584, %ne3A_580 : i1
        %add3A_586 = arith.addi %rem3A_578, %select_n3A_577 : i32
        %select_n3A_587 = arith.select %and3A_585, %add3A_586, %rem3A_578 : i32
        %broadcast_in_dim3A_588 = vector.broadcast %select_n3A_587 : i32 to vector<16xi32>
        %reshape3A_589 = vector.shape_cast %broadcast_in_dim3A_588 : vector<16xi32> to vector<16x1xi32>
        %gather3A_590 = vector.shape_cast %reshape3A_589 : vector<16x1xi32> to vector<16xi32>
        %gather3A_591 = tpu.dynamic_gather %get3A_572[%gather3A_590] in [0] : vector<16xi32>, vector<16xi32> -> vector<16xi32>
        %and3A_592 = arith.constant 7 : i32
        %and3A_593 = vector.broadcast %and3A_592 : i32 to vector<16xi32>
        %and3A_594 = arith.andi %gather3A_591, %and3A_593 : vector<16xi32>
        %convert_element_type3A = arith.sitofp %and3A_594 : vector<16xi32> to vector<16xf32>
        %sub3A_595 = arith.constant 0.000000e+00 : f32
        %sub3A_596 = vector.broadcast %sub3A_595 : f32 to vector<16xf32>
        %sub3A_597 = arith.subf %convert_element_type3A, %sub3A_596 : vector<16xf32>
        %abs3A = math.absf %sub3A_597 : vector<16xf32>
        %sub3A_598 = arith.constant 1.000000e+00 : f32
        %sub3A_599 = vector.broadcast %sub3A_598 : f32 to vector<16xf32>
        %sub3A_600 = arith.subf %sub3A_599, %abs3A : vector<16xf32>
        %max3A = arith.constant 0.000000e+00 : f32
        %max3A_601 = vector.broadcast %max3A : f32 to vector<16xf32>
        %max3A_602 = arith.maximumf %sub3A_600, %max3A_601 : vector<16xf32>
        %mul3A_603 = arith.mulf %select_n3A_545, %max3A_602 : vector<16xf32>
        %swap3A_604 = arith.index_cast %scan3A_360 : i32 to index
        %swap3A_605 = arith.constant 0 : index
        %swap3A_606 = tpu.vector_load %arg15[%swap3A_604, %swap3A_605] {strides = array<i32>} : memref<32x128xf32, #tpu.memory_space<vmem>>, vector<1x16xf32>,
        %swap3A_607 = vector.shape_cast %swap3A_606 : vector<1x16xf32> to vector<16xf32>
        %swap3A_608 = vector.shape_cast %mul3A_603 : vector<16xf32> to vector<1x16xf32>
        tpu.vector_store %arg15[%swap3A_604, %swap3A_605], %swap3A_608 {strides = array<i32>} : memref<32x128xf32, #tpu.memory_space<vmem>>, vector<1x16xf32>,
        %sub3A_609 = arith.constant 1.000000e+00 : f32
        %sub3A_610 = vector.broadcast %sub3A_609 : f32 to vector<16xf32>
        %sub3A_611 = arith.subf %convert_element_type3A, %sub3A_610 : vector<16xf32>
        %abs3A_612 = math.absf %sub3A_611 : vector<16xf32>
        %sub3A_613 = arith.constant 1.000000e+00 : f32
        %sub3A_614 = vector.broadcast %sub3A_613 : f32 to vector<16xf32>
        %sub3A_615 = arith.subf %sub3A_614, %abs3A_612 : vector<16xf32>
        %max3A_616 = arith.constant 0.000000e+00 : f32
        %max3A_617 = vector.broadcast %max3A_616 : f32 to vector<16xf32>
        %max3A_618 = arith.maximumf %sub3A_615, %max3A_617 : vector<16xf32>
        %mul3A_619 = arith.mulf %select_n3A_545, %max3A_618 : vector<16xf32>
        %swap3A_620 = arith.index_cast %scan3A_360 : i32 to index
        %swap3A_621 = arith.constant 16 : index
        %swap3A_622 = tpu.vector_load %arg15[%swap3A_620, %swap3A_621] {strides = array<i32>} : memref<32x128xf32, #tpu.memory_space<vmem>>, vector<1x16xf32>,
        %swap3A_623 = vector.shape_cast %swap3A_622 : vector<1x16xf32> to vector<16xf32>
        %swap3A_624 = vector.shape_cast %mul3A_619 : vector<16xf32> to vector<1x16xf32>
        tpu.vector_store %arg15[%swap3A_620, %swap3A_621], %swap3A_624 {strides = array<i32>} : memref<32x128xf32, #tpu.memory_space<vmem>>, vector<1x16xf32>,
        %sub3A_625 = arith.constant 2.000000e+00 : f32
        %sub3A_626 = vector.broadcast %sub3A_625 : f32 to vector<16xf32>
        %sub3A_627 = arith.subf %convert_element_type3A, %sub3A_626 : vector<16xf32>
        %abs3A_628 = math.absf %sub3A_627 : vector<16xf32>
        %sub3A_629 = arith.constant 1.000000e+00 : f32
        %sub3A_630 = vector.broadcast %sub3A_629 : f32 to vector<16xf32>
        %sub3A_631 = arith.subf %sub3A_630, %abs3A_628 : vector<16xf32>
        %max3A_632 = arith.constant 0.000000e+00 : f32
        %max3A_633 = vector.broadcast %max3A_632 : f32 to vector<16xf32>
        %max3A_634 = arith.maximumf %sub3A_631, %max3A_633 : vector<16xf32>
        %mul3A_635 = arith.mulf %select_n3A_545, %max3A_634 : vector<16xf32>
        %swap3A_636 = arith.index_cast %scan3A_360 : i32 to index
        %swap3A_637 = arith.constant 32 : index
        %swap3A_638 = tpu.vector_load %arg15[%swap3A_636, %swap3A_637] {strides = array<i32>} : memref<32x128xf32, #tpu.memory_space<vmem>>, vector<1x16xf32>,
        %swap3A_639 = vector.shape_cast %swap3A_638 : vector<1x16xf32> to vector<16xf32>
        %swap3A_640 = vector.shape_cast %mul3A_635 : vector<16xf32> to vector<1x16xf32>
        tpu.vector_store %arg15[%swap3A_636, %swap3A_637], %swap3A_640 {strides = array<i32>} : memref<32x128xf32, #tpu.memory_space<vmem>>, vector<1x16xf32>,
        %sub3A_641 = arith.constant 3.000000e+00 : f32
        %sub3A_642 = vector.broadcast %sub3A_641 : f32 to vector<16xf32>
        %sub3A_643 = arith.subf %convert_element_type3A, %sub3A_642 : vector<16xf32>
        %abs3A_644 = math.absf %sub3A_643 : vector<16xf32>
        %sub3A_645 = arith.constant 1.000000e+00 : f32
        %sub3A_646 = vector.broadcast %sub3A_645 : f32 to vector<16xf32>
        %sub3A_647 = arith.subf %sub3A_646, %abs3A_644 : vector<16xf32>
        %max3A_648 = arith.constant 0.000000e+00 : f32
        %max3A_649 = vector.broadcast %max3A_648 : f32 to vector<16xf32>
        %max3A_650 = arith.maximumf %sub3A_647, %max3A_649 : vector<16xf32>
        %mul3A_651 = arith.mulf %select_n3A_545, %max3A_650 : vector<16xf32>
        %swap3A_652 = arith.index_cast %scan3A_360 : i32 to index
        %swap3A_653 = arith.constant 48 : index
        %swap3A_654 = tpu.vector_load %arg15[%swap3A_652, %swap3A_653] {strides = array<i32>} : memref<32x128xf32, #tpu.memory_space<vmem>>, vector<1x16xf32>,
        %swap3A_655 = vector.shape_cast %swap3A_654 : vector<1x16xf32> to vector<16xf32>
        %swap3A_656 = vector.shape_cast %mul3A_651 : vector<16xf32> to vector<1x16xf32>
        tpu.vector_store %arg15[%swap3A_652, %swap3A_653], %swap3A_656 {strides = array<i32>} : memref<32x128xf32, #tpu.memory_space<vmem>>, vector<1x16xf32>,
        %sub3A_657 = arith.constant 4.000000e+00 : f32
        %sub3A_658 = vector.broadcast %sub3A_657 : f32 to vector<16xf32>
        %sub3A_659 = arith.subf %convert_element_type3A, %sub3A_658 : vector<16xf32>
        %abs3A_660 = math.absf %sub3A_659 : vector<16xf32>
        %sub3A_661 = arith.constant 1.000000e+00 : f32
        %sub3A_662 = vector.broadcast %sub3A_661 : f32 to vector<16xf32>
        %sub3A_663 = arith.subf %sub3A_662, %abs3A_660 : vector<16xf32>
        %max3A_664 = arith.constant 0.000000e+00 : f32
        %max3A_665 = vector.broadcast %max3A_664 : f32 to vector<16xf32>
        %max3A_666 = arith.maximumf %sub3A_663, %max3A_665 : vector<16xf32>
        %mul3A_667 = arith.mulf %select_n3A_545, %max3A_666 : vector<16xf32>
        %swap3A_668 = arith.index_cast %scan3A_360 : i32 to index
        %swap3A_669 = arith.constant 64 : index
        %swap3A_670 = tpu.vector_load %arg15[%swap3A_668, %swap3A_669] {strides = array<i32>} : memref<32x128xf32, #tpu.memory_space<vmem>>, vector<1x16xf32>,
        %swap3A_671 = vector.shape_cast %swap3A_670 : vector<1x16xf32> to vector<16xf32>
        %swap3A_672 = vector.shape_cast %mul3A_667 : vector<16xf32> to vector<1x16xf32>
        tpu.vector_store %arg15[%swap3A_668, %swap3A_669], %swap3A_672 {strides = array<i32>} : memref<32x128xf32, #tpu.memory_space<vmem>>, vector<1x16xf32>,
        %sub3A_673 = arith.constant 5.000000e+00 : f32
        %sub3A_674 = vector.broadcast %sub3A_673 : f32 to vector<16xf32>
        %sub3A_675 = arith.subf %convert_element_type3A, %sub3A_674 : vector<16xf32>
        %abs3A_676 = math.absf %sub3A_675 : vector<16xf32>
        %sub3A_677 = arith.constant 1.000000e+00 : f32
        %sub3A_678 = vector.broadcast %sub3A_677 : f32 to vector<16xf32>
        %sub3A_679 = arith.subf %sub3A_678, %abs3A_676 : vector<16xf32>
        %max3A_680 = arith.constant 0.000000e+00 : f32
        %max3A_681 = vector.broadcast %max3A_680 : f32 to vector<16xf32>
        %max3A_682 = arith.maximumf %sub3A_679, %max3A_681 : vector<16xf32>
        %mul3A_683 = arith.mulf %select_n3A_545, %max3A_682 : vector<16xf32>
        %swap3A_684 = arith.index_cast %scan3A_360 : i32 to index
        %swap3A_685 = arith.constant 80 : index
        %swap3A_686 = tpu.vector_load %arg15[%swap3A_684, %swap3A_685] {strides = array<i32>} : memref<32x128xf32, #tpu.memory_space<vmem>>, vector<1x16xf32>,
        %swap3A_687 = vector.shape_cast %swap3A_686 : vector<1x16xf32> to vector<16xf32>
        %swap3A_688 = vector.shape_cast %mul3A_683 : vector<16xf32> to vector<1x16xf32>
        tpu.vector_store %arg15[%swap3A_684, %swap3A_685], %swap3A_688 {strides = array<i32>} : memref<32x128xf32, #tpu.memory_space<vmem>>, vector<1x16xf32>,
        %sub3A_689 = arith.constant 6.000000e+00 : f32
        %sub3A_690 = vector.broadcast %sub3A_689 : f32 to vector<16xf32>
        %sub3A_691 = arith.subf %convert_element_type3A, %sub3A_690 : vector<16xf32>
        %abs3A_692 = math.absf %sub3A_691 : vector<16xf32>
        %sub3A_693 = arith.constant 1.000000e+00 : f32
        %sub3A_694 = vector.broadcast %sub3A_693 : f32 to vector<16xf32>
        %sub3A_695 = arith.subf %sub3A_694, %abs3A_692 : vector<16xf32>
        %max3A_696 = arith.constant 0.000000e+00 : f32
        %max3A_697 = vector.broadcast %max3A_696 : f32 to vector<16xf32>
        %max3A_698 = arith.maximumf %sub3A_695, %max3A_697 : vector<16xf32>
        %mul3A_699 = arith.mulf %select_n3A_545, %max3A_698 : vector<16xf32>
        %swap3A_700 = arith.index_cast %scan3A_360 : i32 to index
        %swap3A_701 = arith.constant 96 : index
        %swap3A_702 = tpu.vector_load %arg15[%swap3A_700, %swap3A_701] {strides = array<i32>} : memref<32x128xf32, #tpu.memory_space<vmem>>, vector<1x16xf32>,
        %swap3A_703 = vector.shape_cast %swap3A_702 : vector<1x16xf32> to vector<16xf32>
        %swap3A_704 = vector.shape_cast %mul3A_699 : vector<16xf32> to vector<1x16xf32>
        tpu.vector_store %arg15[%swap3A_700, %swap3A_701], %swap3A_704 {strides = array<i32>} : memref<32x128xf32, #tpu.memory_space<vmem>>, vector<1x16xf32>,
        %sub3A_705 = arith.constant 7.000000e+00 : f32
        %sub3A_706 = vector.broadcast %sub3A_705 : f32 to vector<16xf32>
        %sub3A_707 = arith.subf %convert_element_type3A, %sub3A_706 : vector<16xf32>
        %abs3A_708 = math.absf %sub3A_707 : vector<16xf32>
        %sub3A_709 = arith.constant 1.000000e+00 : f32
        %sub3A_710 = vector.broadcast %sub3A_709 : f32 to vector<16xf32>
        %sub3A_711 = arith.subf %sub3A_710, %abs3A_708 : vector<16xf32>
        %max3A_712 = arith.constant 0.000000e+00 : f32
        %max3A_713 = vector.broadcast %max3A_712 : f32 to vector<16xf32>
        %max3A_714 = arith.maximumf %sub3A_711, %max3A_713 : vector<16xf32>
        %mul3A_715 = arith.mulf %select_n3A_545, %max3A_714 : vector<16xf32>
        %swap3A_716 = arith.index_cast %scan3A_360 : i32 to index
        %swap3A_717 = arith.constant 112 : index
        %swap3A_718 = tpu.vector_load %arg15[%swap3A_716, %swap3A_717] {strides = array<i32>} : memref<32x128xf32, #tpu.memory_space<vmem>>, vector<1x16xf32>,
        %swap3A_719 = vector.shape_cast %swap3A_718 : vector<1x16xf32> to vector<16xf32>
        %swap3A_720 = vector.shape_cast %mul3A_715 : vector<16xf32> to vector<1x16xf32>
        tpu.vector_store %arg15[%swap3A_716, %swap3A_717], %swap3A_720 {strides = array<i32>} : memref<32x128xf32, #tpu.memory_space<vmem>>, vector<1x16xf32>,
        %broadcast_in_dim3A_721 = arith.constant 0 : i32
        %broadcast_in_dim3A_722 = vector.broadcast %broadcast_in_dim3A_721 : i32 to vector<16xi32>
        %reshape3A_723 = vector.shape_cast %broadcast_in_dim3A_722 : vector<16xi32> to vector<16x1xi32>
        %gather3A_724 = vector.shape_cast %reshape3A_723 : vector<16x1xi32> to vector<16xi32>
        %gather3A_725 = tpu.dynamic_gather %exp3A[%gather3A_724] in [0] : vector<16xf32>, vector<16xi32> -> vector<16xf32>
        %get3A_726 = arith.index_cast %scan3A_360 : i32 to index
        %get3A_727 = arith.constant 128 : index
        %get3A_728 = tpu.vector_load %arg13[%get3A_726, %get3A_727] {strides = array<i32>} : memref<32x256xf32, #tpu.memory_space<vmem>>, vector<1x16xf32>,
        %get3A_729 = vector.shape_cast %get3A_728 : vector<1x16xf32> to vector<16xf32>
        %mul3A_730 = arith.mulf %gather3A_725, %get3A_729 : vector<16xf32>
        %swap3A_731 = arith.index_cast %scan3A_360 : i32 to index
        %swap3A_732 = arith.constant 0 : index
        %swap3A_733 = tpu.vector_load %arg11[%swap3A_731, %swap3A_732] {strides = array<i32>} : memref<32x128xf32, #tpu.memory_space<vmem>>, vector<1x16xf32>,
        %swap3A_734 = vector.shape_cast %swap3A_733 : vector<1x16xf32> to vector<16xf32>
        %swap3A_735 = vector.shape_cast %mul3A_730 : vector<16xf32> to vector<1x16xf32>
        tpu.vector_store %arg11[%swap3A_731, %swap3A_732], %swap3A_735 {strides = array<i32>} : memref<32x128xf32, #tpu.memory_space<vmem>>, vector<1x16xf32>,
        %broadcast_in_dim3A_736 = arith.constant 8 : i32
        %broadcast_in_dim3A_737 = vector.broadcast %broadcast_in_dim3A_736 : i32 to vector<16xi32>
        %reshape3A_738 = vector.shape_cast %broadcast_in_dim3A_737 : vector<16xi32> to vector<16x1xi32>
        %gather3A_739 = vector.shape_cast %reshape3A_738 : vector<16x1xi32> to vector<16xi32>
        %gather3A_740 = tpu.dynamic_gather %exp3A[%gather3A_739] in [0] : vector<16xf32>, vector<16xi32> -> vector<16xf32>
        %get3A_741 = arith.index_cast %scan3A_360 : i32 to index
        %get3A_742 = arith.constant 144 : index
        %get3A_743 = tpu.vector_load %arg13[%get3A_741, %get3A_742] {strides = array<i32>} : memref<32x256xf32, #tpu.memory_space<vmem>>, vector<1x16xf32>,
        %get3A_744 = vector.shape_cast %get3A_743 : vector<1x16xf32> to vector<16xf32>
        %mul3A_745 = arith.mulf %gather3A_740, %get3A_744 : vector<16xf32>
        %swap3A_746 = arith.index_cast %scan3A_360 : i32 to index
        %swap3A_747 = arith.constant 16 : index
        %swap3A_748 = tpu.vector_load %arg11[%swap3A_746, %swap3A_747] {strides = array<i32>} : memref<32x128xf32, #tpu.memory_space<vmem>>, vector<1x16xf32>,
        %swap3A_749 = vector.shape_cast %swap3A_748 : vector<1x16xf32> to vector<16xf32>
        %swap3A_750 = vector.shape_cast %mul3A_745 : vector<16xf32> to vector<1x16xf32>
        tpu.vector_store %arg11[%swap3A_746, %swap3A_747], %swap3A_750 {strides = array<i32>} : memref<32x128xf32, #tpu.memory_space<vmem>>, vector<1x16xf32>,
        %broadcast_in_dim3A_751 = arith.constant 4 : i32
        %broadcast_in_dim3A_752 = vector.broadcast %broadcast_in_dim3A_751 : i32 to vector<16xi32>
        %reshape3A_753 = vector.shape_cast %broadcast_in_dim3A_752 : vector<16xi32> to vector<16x1xi32>
        %gather3A_754 = vector.shape_cast %reshape3A_753 : vector<16x1xi32> to vector<16xi32>
        %gather3A_755 = tpu.dynamic_gather %exp3A[%gather3A_754] in [0] : vector<16xf32>, vector<16xi32> -> vector<16xf32>
        %get3A_756 = arith.index_cast %scan3A_360 : i32 to index
        %get3A_757 = arith.constant 160 : index
        %get3A_758 = tpu.vector_load %arg13[%get3A_756, %get3A_757] {strides = array<i32>} : memref<32x256xf32, #tpu.memory_space<vmem>>, vector<1x16xf32>,
        %get3A_759 = vector.shape_cast %get3A_758 : vector<1x16xf32> to vector<16xf32>
        %mul3A_760 = arith.mulf %gather3A_755, %get3A_759 : vector<16xf32>
        %swap3A_761 = arith.index_cast %scan3A_360 : i32 to index
        %swap3A_762 = arith.constant 32 : index
        %swap3A_763 = tpu.vector_load %arg11[%swap3A_761, %swap3A_762] {strides = array<i32>} : memref<32x128xf32, #tpu.memory_space<vmem>>, vector<1x16xf32>,
        %swap3A_764 = vector.shape_cast %swap3A_763 : vector<1x16xf32> to vector<16xf32>
        %swap3A_765 = vector.shape_cast %mul3A_760 : vector<16xf32> to vector<1x16xf32>
        tpu.vector_store %arg11[%swap3A_761, %swap3A_762], %swap3A_765 {strides = array<i32>} : memref<32x128xf32, #tpu.memory_space<vmem>>, vector<1x16xf32>,
        %broadcast_in_dim3A_766 = arith.constant 12 : i32
        %broadcast_in_dim3A_767 = vector.broadcast %broadcast_in_dim3A_766 : i32 to vector<16xi32>
        %reshape3A_768 = vector.shape_cast %broadcast_in_dim3A_767 : vector<16xi32> to vector<16x1xi32>
        %gather3A_769 = vector.shape_cast %reshape3A_768 : vector<16x1xi32> to vector<16xi32>
        %gather3A_770 = tpu.dynamic_gather %exp3A[%gather3A_769] in [0] : vector<16xf32>, vector<16xi32> -> vector<16xf32>
        %get3A_771 = arith.index_cast %scan3A_360 : i32 to index
        %get3A_772 = arith.constant 176 : index
        %get3A_773 = tpu.vector_load %arg13[%get3A_771, %get3A_772] {strides = array<i32>} : memref<32x256xf32, #tpu.memory_space<vmem>>, vector<1x16xf32>,
        %get3A_774 = vector.shape_cast %get3A_773 : vector<1x16xf32> to vector<16xf32>
        %mul3A_775 = arith.mulf %gather3A_770, %get3A_774 : vector<16xf32>
        %swap3A_776 = arith.index_cast %scan3A_360 : i32 to index
        %swap3A_777 = arith.constant 48 : index
        %swap3A_778 = tpu.vector_load %arg11[%swap3A_776, %swap3A_777] {strides = array<i32>} : memref<32x128xf32, #tpu.memory_space<vmem>>, vector<1x16xf32>,
        %swap3A_779 = vector.shape_cast %swap3A_778 : vector<1x16xf32> to vector<16xf32>
        %swap3A_780 = vector.shape_cast %mul3A_775 : vector<16xf32> to vector<1x16xf32>
        tpu.vector_store %arg11[%swap3A_776, %swap3A_777], %swap3A_780 {strides = array<i32>} : memref<32x128xf32, #tpu.memory_space<vmem>>, vector<1x16xf32>,
        %broadcast_in_dim3A_781 = arith.constant 2 : i32
        %broadcast_in_dim3A_782 = vector.broadcast %broadcast_in_dim3A_781 : i32 to vector<16xi32>
        %reshape3A_783 = vector.shape_cast %broadcast_in_dim3A_782 : vector<16xi32> to vector<16x1xi32>
        %gather3A_784 = vector.shape_cast %reshape3A_783 : vector<16x1xi32> to vector<16xi32>
        %gather3A_785 = tpu.dynamic_gather %exp3A[%gather3A_784] in [0] : vector<16xf32>, vector<16xi32> -> vector<16xf32>
        %get3A_786 = arith.index_cast %scan3A_360 : i32 to index
        %get3A_787 = arith.constant 192 : index
        %get3A_788 = tpu.vector_load %arg13[%get3A_786, %get3A_787] {strides = array<i32>} : memref<32x256xf32, #tpu.memory_space<vmem>>, vector<1x16xf32>,
        %get3A_789 = vector.shape_cast %get3A_788 : vector<1x16xf32> to vector<16xf32>
        %mul3A_790 = arith.mulf %gather3A_785, %get3A_789 : vector<16xf32>
        %swap3A_791 = arith.index_cast %scan3A_360 : i32 to index
        %swap3A_792 = arith.constant 64 : index
        %swap3A_793 = tpu.vector_load %arg11[%swap3A_791, %swap3A_792] {strides = array<i32>} : memref<32x128xf32, #tpu.memory_space<vmem>>, vector<1x16xf32>,
        %swap3A_794 = vector.shape_cast %swap3A_793 : vector<1x16xf32> to vector<16xf32>
        %swap3A_795 = vector.shape_cast %mul3A_790 : vector<16xf32> to vector<1x16xf32>
        tpu.vector_store %arg11[%swap3A_791, %swap3A_792], %swap3A_795 {strides = array<i32>} : memref<32x128xf32, #tpu.memory_space<vmem>>, vector<1x16xf32>,
        %broadcast_in_dim3A_796 = arith.constant 10 : i32
        %broadcast_in_dim3A_797 = vector.broadcast %broadcast_in_dim3A_796 : i32 to vector<16xi32>
        %reshape3A_798 = vector.shape_cast %broadcast_in_dim3A_797 : vector<16xi32> to vector<16x1xi32>
        %gather3A_799 = vector.shape_cast %reshape3A_798 : vector<16x1xi32> to vector<16xi32>
        %gather3A_800 = tpu.dynamic_gather %exp3A[%gather3A_799] in [0] : vector<16xf32>, vector<16xi32> -> vector<16xf32>
        %get3A_801 = arith.index_cast %scan3A_360 : i32 to index
        %get3A_802 = arith.constant 208 : index
        %get3A_803 = tpu.vector_load %arg13[%get3A_801, %get3A_802] {strides = array<i32>} : memref<32x256xf32, #tpu.memory_space<vmem>>, vector<1x16xf32>,
        %get3A_804 = vector.shape_cast %get3A_803 : vector<1x16xf32> to vector<16xf32>
        %mul3A_805 = arith.mulf %gather3A_800, %get3A_804 : vector<16xf32>
        %swap3A_806 = arith.index_cast %scan3A_360 : i32 to index
        %swap3A_807 = arith.constant 80 : index
        %swap3A_808 = tpu.vector_load %arg11[%swap3A_806, %swap3A_807] {strides = array<i32>} : memref<32x128xf32, #tpu.memory_space<vmem>>, vector<1x16xf32>,
        %swap3A_809 = vector.shape_cast %swap3A_808 : vector<1x16xf32> to vector<16xf32>
        %swap3A_810 = vector.shape_cast %mul3A_805 : vector<16xf32> to vector<1x16xf32>
        tpu.vector_store %arg11[%swap3A_806, %swap3A_807], %swap3A_810 {strides = array<i32>} : memref<32x128xf32, #tpu.memory_space<vmem>>, vector<1x16xf32>,
        %broadcast_in_dim3A_811 = arith.constant 6 : i32
        %broadcast_in_dim3A_812 = vector.broadcast %broadcast_in_dim3A_811 : i32 to vector<16xi32>
        %reshape3A_813 = vector.shape_cast %broadcast_in_dim3A_812 : vector<16xi32> to vector<16x1xi32>
        %gather3A_814 = vector.shape_cast %reshape3A_813 : vector<16x1xi32> to vector<16xi32>
        %gather3A_815 = tpu.dynamic_gather %exp3A[%gather3A_814] in [0] : vector<16xf32>, vector<16xi32> -> vector<16xf32>
        %get3A_816 = arith.index_cast %scan3A_360 : i32 to index
        %get3A_817 = arith.constant 224 : index
        %get3A_818 = tpu.vector_load %arg13[%get3A_816, %get3A_817] {strides = array<i32>} : memref<32x256xf32, #tpu.memory_space<vmem>>, vector<1x16xf32>,
        %get3A_819 = vector.shape_cast %get3A_818 : vector<1x16xf32> to vector<16xf32>
        %mul3A_820 = arith.mulf %gather3A_815, %get3A_819 : vector<16xf32>
        %swap3A_821 = arith.index_cast %scan3A_360 : i32 to index
        %swap3A_822 = arith.constant 96 : index
        %swap3A_823 = tpu.vector_load %arg11[%swap3A_821, %swap3A_822] {strides = array<i32>} : memref<32x128xf32, #tpu.memory_space<vmem>>, vector<1x16xf32>,
        %swap3A_824 = vector.shape_cast %swap3A_823 : vector<1x16xf32> to vector<16xf32>
        %swap3A_825 = vector.shape_cast %mul3A_820 : vector<16xf32> to vector<1x16xf32>
        tpu.vector_store %arg11[%swap3A_821, %swap3A_822], %swap3A_825 {strides = array<i32>} : memref<32x128xf32, #tpu.memory_space<vmem>>, vector<1x16xf32>,
        %broadcast_in_dim3A_826 = arith.constant 14 : i32
        %broadcast_in_dim3A_827 = vector.broadcast %broadcast_in_dim3A_826 : i32 to vector<16xi32>
        %reshape3A_828 = vector.shape_cast %broadcast_in_dim3A_827 : vector<16xi32> to vector<16x1xi32>
        %gather3A_829 = vector.shape_cast %reshape3A_828 : vector<16x1xi32> to vector<16xi32>
        %gather3A_830 = tpu.dynamic_gather %exp3A[%gather3A_829] in [0] : vector<16xf32>, vector<16xi32> -> vector<16xf32>
        %get3A_831 = arith.index_cast %scan3A_360 : i32 to index
        %get3A_832 = arith.constant 240 : index
        %get3A_833 = tpu.vector_load %arg13[%get3A_831, %get3A_832] {strides = array<i32>} : memref<32x256xf32, #tpu.memory_space<vmem>>, vector<1x16xf32>,
        %get3A_834 = vector.shape_cast %get3A_833 : vector<1x16xf32> to vector<16xf32>
        %mul3A_835 = arith.mulf %gather3A_830, %get3A_834 : vector<16xf32>
        %swap3A_836 = arith.index_cast %scan3A_360 : i32 to index
        %swap3A_837 = arith.constant 112 : index
        %swap3A_838 = tpu.vector_load %arg11[%swap3A_836, %swap3A_837] {strides = array<i32>} : memref<32x128xf32, #tpu.memory_space<vmem>>, vector<1x16xf32>,
        %swap3A_839 = vector.shape_cast %swap3A_838 : vector<1x16xf32> to vector<16xf32>
        %swap3A_840 = vector.shape_cast %mul3A_835 : vector<16xf32> to vector<1x16xf32>
        tpu.vector_store %arg11[%swap3A_836, %swap3A_837], %swap3A_840 {strides = array<i32>} : memref<32x128xf32, #tpu.memory_space<vmem>>, vector<1x16xf32>,
      }
      %scan3A_351 = arith.constant 32 : i32
      %run_scoped3A_352 = arith.constant 0 : i32
      "tpu.region"() ({
        %run_scoped3A_360 = tpu.sem_alloc : memref<!tpu.dma_semaphore, #tpu.memory_space<semaphore_mem>>
        %dma_start3A_361 = arith.constant 0 : i32
        %dma_start3A_362 = tpu.memref_slice %arg7[%run_scoped3A_352, %dma_start3A_361] : memref<2x32xi32, #tpu.memory_space<vmem>> -> memref<1x32xi32, #tpu.memory_space<vmem>>
        %dma_start3A_363 = tpu.memref_squeeze %dma_start3A_362 : memref<1x32xi32, #tpu.memory_space<vmem>> -> memref<32xi32, #tpu.memory_space<vmem>>
        %dma_start3A_364 = arith.constant 0 : i32
        %dma_start3A_365 = arith.constant 0 : i32
        %dma_start3A_366 = tpu.memref_slice %arg16[%dma_start3A_364, %dma_start3A_365] : memref<11520x128xf32, #tpu.memory_space<vmem_shared>> -> memref<11520x128xf32, #tpu.memory_space<vmem_shared>>
        tpu.enqueue_indirect_dma source(%arg11 : memref<32x128xf32, #tpu.memory_space<vmem>>) target(%dma_start3A_366 : memref<11520x128xf32, #tpu.memory_space<vmem_shared>>) offsets(%dma_start3A_363 : memref<32xi32, #tpu.memory_space<vmem>>) semaphore(%run_scoped3A_360 : memref<!tpu.dma_semaphore, #tpu.memory_space<semaphore_mem>>) {add = true}
        %dma_wait3A_367 = arith.constant 0 : i32
        %dma_wait3A_368 = tpu.memref_slice %arg7[%run_scoped3A_352, %dma_wait3A_367] : memref<2x32xi32, #tpu.memory_space<vmem>> -> memref<1x32xi32, #tpu.memory_space<vmem>>
        %dma_wait3A_369 = tpu.memref_squeeze %dma_wait3A_368 : memref<1x32xi32, #tpu.memory_space<vmem>> -> memref<32xi32, #tpu.memory_space<vmem>>
        %dma_wait3A_370 = arith.constant 0 : i32
        %dma_wait3A_371 = arith.constant 0 : i32
        %dma_wait3A_372 = tpu.memref_slice %arg16[%dma_wait3A_370, %dma_wait3A_371] : memref<11520x128xf32, #tpu.memory_space<vmem_shared>> -> memref<11520x128xf32, #tpu.memory_space<vmem_shared>>
        tpu.wait_indirect_dma semaphore(%run_scoped3A_360 : memref<!tpu.dma_semaphore, #tpu.memory_space<semaphore_mem>>) src(%arg11 : memref<32x128xf32, #tpu.memory_space<vmem>>) dst(%dma_wait3A_372 : memref<11520x128xf32, #tpu.memory_space<vmem_shared>>)
        tpu.yield
      }) : () -> ()
      %dma_start3A_353 = arith.constant 0 : i32
      %dma_start3A_354 = arith.constant 0 : i32
      %dma_start3A_355 = tpu.memref_slice %arg9[%dma_start3A_353, %dma_start3A_354] : memref<1x32xi32, #tpu.memory_space<vmem>> -> memref<1x32xi32, #tpu.memory_space<vmem>>
      %dma_start3A_356 = tpu.memref_squeeze %dma_start3A_355 : memref<1x32xi32, #tpu.memory_space<vmem>> -> memref<32xi32, #tpu.memory_space<vmem>>
      %dma_start3A_357 = arith.constant 0 : i32
      %dma_start3A_358 = arith.constant 0 : i32
      %dma_start3A_359 = tpu.memref_slice %arg16[%dma_start3A_357, %dma_start3A_358] : memref<11520x128xf32, #tpu.memory_space<vmem_shared>> -> memref<11520x128xf32, #tpu.memory_space<vmem_shared>>
      tpu.enqueue_indirect_dma source(%arg15 : memref<32x128xf32, #tpu.memory_space<vmem>>) target(%dma_start3A_359 : memref<11520x128xf32, #tpu.memory_space<vmem_shared>>) offsets(%dma_start3A_356 : memref<32xi32, #tpu.memory_space<vmem>>) semaphore(%arg22 : memref<!tpu.dma_semaphore, #tpu.memory_space<semaphore_mem>>) {add = true}
    }
    %scan3A_123 = arith.constant 160 : i32
    %dma_wait3A = arith.constant 0 : i32
    %dma_wait3A_124 = arith.constant 0 : i32
    %dma_wait3A_125 = tpu.memref_slice %arg2[%dma_wait3A, %dma_wait3A_124] : memref<10240x128xf32, #tpu.memory_space<hbm>> -> memref<32x128xf32, #tpu.memory_space<hbm>>
    %dma_wait3A_126 = arith.constant 0 : i32
    %dma_wait3A_127 = arith.constant 0 : i32
    %dma_wait3A_128 = tpu.memref_slice %arg2[%dma_wait3A_126, %dma_wait3A_127] : memref<10240x128xf32, #tpu.memory_space<hbm>> -> memref<32x128xf32, #tpu.memory_space<hbm>>
    tpu.wait_dma2 semaphore(%arg17 : memref<!tpu.dma_semaphore, #tpu.memory_space<semaphore_mem>>) src(%dma_wait3A_128 : memref<32x128xf32, #tpu.memory_space<hbm>>) dst(%arg10 : memref<32x128xf32, #tpu.memory_space<vmem>>)
    %dma_wait3A_129 = arith.constant 0 : i32
    %dma_wait3A_130 = arith.constant 0 : i32
    %dma_wait3A_131 = tpu.memref_slice %arg3[%dma_wait3A_129, %dma_wait3A_130] : memref<10240x256xf32, #tpu.memory_space<hbm>> -> memref<32x256xf32, #tpu.memory_space<hbm>>
    %dma_wait3A_132 = arith.constant 0 : i32
    %dma_wait3A_133 = arith.constant 0 : i32
    %dma_wait3A_134 = tpu.memref_slice %arg3[%dma_wait3A_132, %dma_wait3A_133] : memref<10240x256xf32, #tpu.memory_space<hbm>> -> memref<32x256xf32, #tpu.memory_space<hbm>>
    tpu.wait_dma2 semaphore(%arg19 : memref<!tpu.dma_semaphore, #tpu.memory_space<semaphore_mem>>) src(%dma_wait3A_134 : memref<32x256xf32, #tpu.memory_space<hbm>>) dst(%arg12 : memref<32x256xf32, #tpu.memory_space<vmem>>)
    %dma_wait3A_135 = arith.constant 0 : i32
    %dma_wait3A_136 = arith.constant 0 : i32
    %dma_wait3A_137 = tpu.memref_slice %arg2[%dma_wait3A_135, %dma_wait3A_136] : memref<10240x128xf32, #tpu.memory_space<hbm>> -> memref<32x128xf32, #tpu.memory_space<hbm>>
    %dma_wait3A_138 = arith.constant 0 : i32
    %dma_wait3A_139 = arith.constant 0 : i32
    %dma_wait3A_140 = tpu.memref_slice %arg2[%dma_wait3A_138, %dma_wait3A_139] : memref<10240x128xf32, #tpu.memory_space<hbm>> -> memref<32x128xf32, #tpu.memory_space<hbm>>
    tpu.wait_dma2 semaphore(%arg21 : memref<!tpu.dma_semaphore, #tpu.memory_space<semaphore_mem>>) src(%dma_wait3A_140 : memref<32x128xf32, #tpu.memory_space<hbm>>) dst(%arg14 : memref<32x128xf32, #tpu.memory_space<vmem>>)
    %dma_wait3A_141 = arith.constant 0 : i32
    %dma_wait3A_142 = arith.constant 0 : i32
    %dma_wait3A_143 = tpu.memref_slice %arg2[%dma_wait3A_141, %dma_wait3A_142] : memref<10240x128xf32, #tpu.memory_space<hbm>> -> memref<32x128xf32, #tpu.memory_space<hbm>>
    %dma_wait3A_144 = arith.constant 0 : i32
    %dma_wait3A_145 = arith.constant 0 : i32
    %dma_wait3A_146 = tpu.memref_slice %arg2[%dma_wait3A_144, %dma_wait3A_145] : memref<10240x128xf32, #tpu.memory_space<hbm>> -> memref<32x128xf32, #tpu.memory_space<hbm>>
    tpu.wait_dma2 semaphore(%arg22 : memref<!tpu.dma_semaphore, #tpu.memory_space<semaphore_mem>>) src(%dma_wait3A_146 : memref<32x128xf32, #tpu.memory_space<hbm>>) dst(%arg15 : memref<32x128xf32, #tpu.memory_space<vmem>>)
    %barrier3A_147 = arith.constant 0 : index
    tpu.barrier barrier_id(%barrier3A_147)
    "tpu.region"() ({
      %run_scoped3A = tpu.sem_alloc : memref<!tpu.dma_semaphore, #tpu.memory_space<semaphore_mem>>
      %dma_start3A_148 = arith.constant 0 : i32
      %dma_start3A_149 = tpu.memref_slice %arg5[%arg0, %mul3A_8, %dma_start3A_148] : memref<2x11520x128xf32, #tpu.memory_space<hbm>> -> memref<1x720x128xf32, #tpu.memory_space<hbm>>
      %dma_start3A_150 = tpu.memref_squeeze %dma_start3A_149 : memref<1x720x128xf32, #tpu.memory_space<hbm>> -> memref<720x128xf32, #tpu.memory_space<hbm>>
      %dma_start3A_151 = arith.constant 0 : i32
      %dma_start3A_152 = tpu.memref_slice %arg16[%mul3A_8, %dma_start3A_151] : memref<11520x128xf32, #tpu.memory_space<vmem_shared>> -> memref<720x128xf32, #tpu.memory_space<vmem_shared>>
      tpu.enqueue_dma source(%dma_start3A_152 : memref<720x128xf32, #tpu.memory_space<vmem_shared>>) target(%dma_start3A_150 : memref<720x128xf32, #tpu.memory_space<hbm>>) target_semaphore(%run_scoped3A : memref<!tpu.dma_semaphore, #tpu.memory_space<semaphore_mem>>)
      %dma_wait3A_153 = arith.constant 0 : i32
      %dma_wait3A_154 = tpu.memref_slice %arg5[%arg0, %mul3A_8, %dma_wait3A_153] : memref<2x11520x128xf32, #tpu.memory_space<hbm>> -> memref<1x720x128xf32, #tpu.memory_space<hbm>>
      %dma_wait3A_155 = tpu.memref_squeeze %dma_wait3A_154 : memref<1x720x128xf32, #tpu.memory_space<hbm>> -> memref<720x128xf32, #tpu.memory_space<hbm>>
      %dma_wait3A_156 = arith.constant 0 : i32
      %dma_wait3A_157 = tpu.memref_slice %arg16[%mul3A_8, %dma_wait3A_156] : memref<11520x128xf32, #tpu.memory_space<vmem_shared>> -> memref<720x128xf32, #tpu.memory_space<vmem_shared>>
      tpu.wait_dma2 semaphore(%run_scoped3A : memref<!tpu.dma_semaphore, #tpu.memory_space<semaphore_mem>>) src(%dma_wait3A_157 : memref<720x128xf32, #tpu.memory_space<vmem_shared>>) dst(%dma_wait3A_155 : memref<720x128xf32, #tpu.memory_space<hbm>>)
      tpu.yield
    }) : () -> ()
    return
  }
}

module attributes {stable_mosaic.version = 14 : i64} {
  func.func @_qkv_body(%arg0: i32, %arg1: memref<1024x128xf32, #tpu.memory_space<vmem>>, %arg2: memref<128x384xf32, #tpu.memory_space<vmem>>, %arg3: memref<1x384xf32, #tpu.memory_space<vmem>>, %arg4: memref<1024x128xf32, #tpu.memory_space<vmem>>, %arg5: memref<1024x256xf32, #tpu.memory_space<vmem>>) attributes {dimension_semantics = [#tpu.dimension_semantics<arbitrary>], iteration_bounds = array<i64: 10>, scalar_prefetch = 0 : i64, scratch_operands = 0 : i64, tpu.core_type = #tpu.core_type<tc>, window_params = [{transform_indices = @transform_0, window_bounds = array<i64: 1024, 128>}, {pipeline_mode = #tpu.pipeline_mode<synchronous>, transform_indices = @transform_1, window_bounds = array<i64: 128, 384>}, {pipeline_mode = #tpu.pipeline_mode<synchronous>, transform_indices = @transform_2, window_bounds = array<i64: 1, 384>}, {transform_indices = @transform_3, window_bounds = array<i64: 1024, 128>}, {transform_indices = @transform_4, window_bounds = array<i64: 1024, 256>}]} {
    %get3A = arith.constant 0 : index
    %get3A_0 = arith.constant 0 : index
    %get3A_1 = vector.load %arg1[%get3A, %get3A_0] : memref<1024x128xf32, #tpu.memory_space<vmem>>, vector<1024x128xf32>
    %get3A_2 = arith.constant 0 : index
    %get3A_3 = arith.constant 0 : index
    %get3A_4 = vector.load %arg2[%get3A_2, %get3A_3] : memref<128x384xf32, #tpu.memory_space<vmem>>, vector<128x384xf32>
    %dot_general3A = arith.constant dense<0.000000e+00> : vector<1024x384xf32>
    %dot_general3A_5 = tpu.matmul %get3A_1, %get3A_4, %dot_general3A {dimension_numbers = #tpu.dot_dimension_numbers<[1], [0], [0], [1], [0, 0, 1, 1], [], []>, transpose_lhs_hint = false} : vector<1024x128xf32>, vector<128x384xf32>, vector<1024x384xf32> -> vector<1024x384xf32>
    %get3A_6 = arith.constant 0 : index
    %get3A_7 = arith.constant 0 : index
    %get3A_8 = vector.load %arg3[%get3A_6, %get3A_7] : memref<1x384xf32, #tpu.memory_space<vmem>>, vector<1x384xf32>
    %add3A = vector.broadcast %get3A_8 : vector<1x384xf32> to vector<1024x384xf32>
    %add3A_9 = arith.addf %dot_general3A_5, %add3A : vector<1024x384xf32>
    %slice3A = vector.extract_strided_slice %add3A_9 {offsets = [0, 0], sizes = [1024, 128], strides = [1, 1]} : vector<1024x384xf32> to vector<1024x128xf32>
    %swap3A = arith.constant 0 : index
    %swap3A_10 = arith.constant 0 : index
    %swap3A_11 = vector.load %arg4[%swap3A, %swap3A_10] : memref<1024x128xf32, #tpu.memory_space<vmem>>, vector<1024x128xf32>
    tpu.vector_store %arg4[%swap3A, %swap3A_10], %slice3A {strides = array<i32>} : memref<1024x128xf32, #tpu.memory_space<vmem>>, vector<1024x128xf32>,
    %slice3A_12 = vector.extract_strided_slice %add3A_9 {offsets = [0, 128], sizes = [1024, 256], strides = [1, 1]} : vector<1024x384xf32> to vector<1024x256xf32>
    %swap3A_13 = arith.constant 0 : index
    %swap3A_14 = arith.constant 0 : index
    %swap3A_15 = vector.load %arg5[%swap3A_13, %swap3A_14] : memref<1024x256xf32, #tpu.memory_space<vmem>>, vector<1024x256xf32>
    tpu.vector_store %arg5[%swap3A_13, %swap3A_14], %slice3A_12 {strides = array<i32>} : memref<1024x256xf32, #tpu.memory_space<vmem>>, vector<1024x256xf32>,
    return
  }
  func.func @transform_0(%arg0: i32) -> (i32, i32) {
    %c0_i32 = arith.constant 0 : i32
    %c0_i32_0 = arith.constant 0 : i32
    return %arg0, %c0_i32 : i32, i32
  }
  func.func @transform_1(%arg0: i32) -> (i32, i32) {
    %c0_i32 = arith.constant 0 : i32
    %c0_i32_0 = arith.constant 0 : i32
    %c0_i32_1 = arith.constant 0 : i32
    return %c0_i32, %c0_i32_0 : i32, i32
  }
  func.func @transform_2(%arg0: i32) -> (i32, i32) {
    %c0_i32 = arith.constant 0 : i32
    %c0_i32_0 = arith.constant 0 : i32
    %c0_i32_1 = arith.constant 0 : i32
    return %c0_i32, %c0_i32_0 : i32, i32
  }
  func.func @transform_3(%arg0: i32) -> (i32, i32) {
    %c0_i32 = arith.constant 0 : i32
    %c0_i32_0 = arith.constant 0 : i32
    return %arg0, %c0_i32 : i32, i32
  }
  func.func @transform_4(%arg0: i32) -> (i32, i32) {
    %c0_i32 = arith.constant 0 : i32
    %c0_i32_0 = arith.constant 0 : i32
    return %arg0, %c0_i32 : i32, i32
  }
}

module attributes {stable_mosaic.version = 14 : i64} {
  func.func @_ffn_body(%arg0: i32, %arg1: memref<2x1024x128xf32, #tpu.memory_space<vmem>>, %arg2: memref<2x1024x16xf32, #tpu.memory_space<vmem>>, %arg3: memref<16x128xf32, #tpu.memory_space<vmem>>, %arg4: memref<128x384xf32, #tpu.memory_space<vmem>>, %arg5: memref<1x384xf32, #tpu.memory_space<vmem>>, %arg6: memref<384x128xf32, #tpu.memory_space<vmem>>, %arg7: memref<1x128xf32, #tpu.memory_space<vmem>>, %arg8: memref<1x128xf32, #tpu.memory_space<vmem>>, %arg9: memref<1x128xf32, #tpu.memory_space<vmem>>, %arg10: memref<1x128xf32, #tpu.memory_space<vmem>>, %arg11: memref<1x128xf32, #tpu.memory_space<vmem>>, %arg12: memref<1024x128xf32, #tpu.memory_space<vmem>>) attributes {dimension_semantics = [#tpu.dimension_semantics<arbitrary>], iteration_bounds = array<i64: 10>, scalar_prefetch = 0 : i64, scratch_operands = 0 : i64, tpu.core_type = #tpu.core_type<tc>, window_params = [{transform_indices = @transform_0, window_bounds = array<i64: 2, 1024, 128>}, {transform_indices = @transform_1, window_bounds = array<i64: 2, 1024, 16>}, {pipeline_mode = #tpu.pipeline_mode<synchronous>, transform_indices = @transform_2, window_bounds = array<i64: 16, 128>}, {pipeline_mode = #tpu.pipeline_mode<synchronous>, transform_indices = @transform_3, window_bounds = array<i64: 128, 384>}, {pipeline_mode = #tpu.pipeline_mode<synchronous>, transform_indices = @transform_4, window_bounds = array<i64: 1, 384>}, {pipeline_mode = #tpu.pipeline_mode<synchronous>, transform_indices = @transform_5, window_bounds = array<i64: 384, 128>}, {pipeline_mode = #tpu.pipeline_mode<synchronous>, transform_indices = @transform_6, window_bounds = array<i64: 1, 128>}, {pipeline_mode = #tpu.pipeline_mode<synchronous>, transform_indices = @transform_7, window_bounds = array<i64: 1, 128>}, {pipeline_mode = #tpu.pipeline_mode<synchronous>, transform_indices = @transform_8, window_bounds = array<i64: 1, 128>}, {pipeline_mode = #tpu.pipeline_mode<synchronous>, transform_indices = @transform_9, window_bounds = array<i64: 1, 128>}, {pipeline_mode = #tpu.pipeline_mode<synchronous>, transform_indices = @transform_10, window_bounds = array<i64: 1, 128>}, {transform_indices = @transform_11, window_bounds = array<i64: 1024, 128>}]} {
    %get3A = arith.constant 0 : index
    %get3A_0 = arith.constant 0 : index
    %get3A_1 = arith.constant 0 : index
    %get3A_2 = vector.load %arg1[%get3A, %get3A_0, %get3A_1] : memref<2x1024x128xf32, #tpu.memory_space<vmem>>, vector<1x1024x128xf32>
    %get3A_3 = vector.shape_cast %get3A_2 : vector<1x1024x128xf32> to vector<1024x128xf32>
    %get3A_4 = arith.constant 1 : index
    %get3A_5 = arith.constant 0 : index
    %get3A_6 = arith.constant 0 : index
    %get3A_7 = vector.load %arg1[%get3A_4, %get3A_5, %get3A_6] : memref<2x1024x128xf32, #tpu.memory_space<vmem>>, vector<1x1024x128xf32>
    %get3A_8 = vector.shape_cast %get3A_7 : vector<1x1024x128xf32> to vector<1024x128xf32>
    %add3A = arith.addf %get3A_3, %get3A_8 : vector<1024x128xf32>
    %get3A_9 = arith.constant 0 : index
    %get3A_10 = arith.constant 0 : index
    %get3A_11 = arith.constant 0 : index
    %get3A_12 = vector.load %arg2[%get3A_9, %get3A_10, %get3A_11] : memref<2x1024x16xf32, #tpu.memory_space<vmem>>, vector<1x1024x16xf32>
    %get3A_13 = vector.shape_cast %get3A_12 : vector<1x1024x16xf32> to vector<1024x16xf32>
    %get3A_14 = arith.constant 1 : index
    %get3A_15 = arith.constant 0 : index
    %get3A_16 = arith.constant 0 : index
    %get3A_17 = vector.load %arg2[%get3A_14, %get3A_15, %get3A_16] : memref<2x1024x16xf32, #tpu.memory_space<vmem>>, vector<1x1024x16xf32>
    %get3A_18 = vector.shape_cast %get3A_17 : vector<1x1024x16xf32> to vector<1024x16xf32>
    %add3A_19 = arith.addf %get3A_13, %get3A_18 : vector<1024x16xf32>
    %get3A_20 = arith.constant 0 : index
    %get3A_21 = arith.constant 0 : index
    %get3A_22 = vector.load %arg3[%get3A_20, %get3A_21] : memref<16x128xf32, #tpu.memory_space<vmem>>, vector<16x128xf32>
    %dot_general3A = arith.constant dense<0.000000e+00> : vector<1024x128xf32>
    %dot_general3A_23 = tpu.matmul %add3A_19, %get3A_22, %dot_general3A {dimension_numbers = #tpu.dot_dimension_numbers<[1], [0], [0], [1], [0, 0, 1, 1], [], []>, transpose_lhs_hint = false} : vector<1024x16xf32>, vector<16x128xf32>, vector<1024x128xf32> -> vector<1024x128xf32>
    %add3A_24 = arith.constant 1.000000e-16 : f32
    %add3A_25 = vector.broadcast %add3A_24 : f32 to vector<1024x128xf32>
    %add3A_26 = arith.addf %dot_general3A_23, %add3A_25 : vector<1024x128xf32>
    %div3A = arith.divf %add3A, %add3A_26 : vector<1024x128xf32>
    %reduce_sum3A = arith.constant dense<0.000000e+00> : vector<1024xf32>
    %reduce_sum3A_27 = vector.multi_reduction <add>, %div3A, %reduce_sum3A [1] : vector<1024x128xf32> to vector<1024xf32>
    %broadcast_in_dim3A = vector.shape_cast %reduce_sum3A_27 : vector<1024xf32> to vector<1024x1xf32>
    %div3A_28 = arith.constant 1.280000e+02 : f32
    %div3A_29 = vector.broadcast %div3A_28 : f32 to vector<1024x1xf32>
    %div3A_30 = arith.divf %broadcast_in_dim3A, %div3A_29 : vector<1024x1xf32>
    %sub3A = vector.broadcast %div3A_30 : vector<1024x1xf32> to vector<1024x128xf32>
    %sub3A_31 = arith.subf %div3A, %sub3A : vector<1024x128xf32>
    %integer_pow3A = arith.mulf %sub3A_31, %sub3A_31 : vector<1024x128xf32>
    %reduce_sum3A_32 = arith.constant dense<0.000000e+00> : vector<1024xf32>
    %reduce_sum3A_33 = vector.multi_reduction <add>, %integer_pow3A, %reduce_sum3A_32 [1] : vector<1024x128xf32> to vector<1024xf32>
    %broadcast_in_dim3A_34 = vector.shape_cast %reduce_sum3A_33 : vector<1024xf32> to vector<1024x1xf32>
    %div3A_35 = arith.constant 1.280000e+02 : f32
    %div3A_36 = vector.broadcast %div3A_35 : f32 to vector<1024x1xf32>
    %div3A_37 = arith.divf %broadcast_in_dim3A_34, %div3A_36 : vector<1024x1xf32>
    %sub3A_38 = vector.broadcast %div3A_30 : vector<1024x1xf32> to vector<1024x128xf32>
    %sub3A_39 = arith.subf %div3A, %sub3A_38 : vector<1024x128xf32>
    %add3A_40 = arith.constant 9.99999974E-6 : f32
    %add3A_41 = vector.broadcast %add3A_40 : f32 to vector<1024x1xf32>
    %add3A_42 = arith.addf %div3A_37, %add3A_41 : vector<1024x1xf32>
    %sqrt3A = math.sqrt %add3A_42 : vector<1024x1xf32>
    %div3A_43 = vector.broadcast %sqrt3A : vector<1024x1xf32> to vector<1024x128xf32>
    %div3A_44 = arith.divf %sub3A_39, %div3A_43 : vector<1024x128xf32>
    %get3A_45 = arith.constant 0 : index
    %get3A_46 = arith.constant 0 : index
    %get3A_47 = vector.load %arg8[%get3A_45, %get3A_46] : memref<1x128xf32, #tpu.memory_space<vmem>>, vector<1x128xf32>
    %mul3A = vector.broadcast %get3A_47 : vector<1x128xf32> to vector<1024x128xf32>
    %mul3A_48 = arith.mulf %div3A_44, %mul3A : vector<1024x128xf32>
    %get3A_49 = arith.constant 0 : index
    %get3A_50 = arith.constant 0 : index
    %get3A_51 = vector.load %arg9[%get3A_49, %get3A_50] : memref<1x128xf32, #tpu.memory_space<vmem>>, vector<1x128xf32>
    %add3A_52 = vector.broadcast %get3A_51 : vector<1x128xf32> to vector<1024x128xf32>
    %add3A_53 = arith.addf %mul3A_48, %add3A_52 : vector<1024x128xf32>
    %get3A_54 = arith.constant 0 : index
    %get3A_55 = arith.constant 0 : index
    %get3A_56 = vector.load %arg4[%get3A_54, %get3A_55] : memref<128x384xf32, #tpu.memory_space<vmem>>, vector<128x384xf32>
    %dot_general3A_57 = arith.constant dense<0.000000e+00> : vector<1024x384xf32>
    %dot_general3A_58 = tpu.matmul %add3A_53, %get3A_56, %dot_general3A_57 {dimension_numbers = #tpu.dot_dimension_numbers<[1], [0], [0], [1], [0, 0, 1, 1], [], []>, transpose_lhs_hint = false} : vector<1024x128xf32>, vector<128x384xf32>, vector<1024x384xf32> -> vector<1024x384xf32>
    %get3A_59 = arith.constant 0 : index
    %get3A_60 = arith.constant 0 : index
    %get3A_61 = vector.load %arg5[%get3A_59, %get3A_60] : memref<1x384xf32, #tpu.memory_space<vmem>>, vector<1x384xf32>
    %add3A_62 = vector.broadcast %get3A_61 : vector<1x384xf32> to vector<1024x384xf32>
    %add3A_63 = arith.addf %dot_general3A_58, %add3A_62 : vector<1024x384xf32>
    %max3A = arith.constant 0.000000e+00 : f32
    %max3A_64 = vector.broadcast %max3A : f32 to vector<1024x384xf32>
    %max3A_65 = arith.maximumf %add3A_63, %max3A_64 : vector<1024x384xf32>
    %get3A_66 = arith.constant 0 : index
    %get3A_67 = arith.constant 0 : index
    %get3A_68 = vector.load %arg6[%get3A_66, %get3A_67] : memref<384x128xf32, #tpu.memory_space<vmem>>, vector<384x128xf32>
    %dot_general3A_69 = arith.constant dense<0.000000e+00> : vector<1024x128xf32>
    %dot_general3A_70 = tpu.matmul %max3A_65, %get3A_68, %dot_general3A_69 {dimension_numbers = #tpu.dot_dimension_numbers<[1], [0], [0], [1], [0, 0, 1, 1], [], []>, transpose_lhs_hint = false} : vector<1024x384xf32>, vector<384x128xf32>, vector<1024x128xf32> -> vector<1024x128xf32>
    %get3A_71 = arith.constant 0 : index
    %get3A_72 = arith.constant 0 : index
    %get3A_73 = vector.load %arg7[%get3A_71, %get3A_72] : memref<1x128xf32, #tpu.memory_space<vmem>>, vector<1x128xf32>
    %add3A_74 = vector.broadcast %get3A_73 : vector<1x128xf32> to vector<1024x128xf32>
    %add3A_75 = arith.addf %dot_general3A_70, %add3A_74 : vector<1024x128xf32>
    %reduce_sum3A_76 = arith.constant dense<0.000000e+00> : vector<1024xf32>
    %reduce_sum3A_77 = vector.multi_reduction <add>, %add3A_75, %reduce_sum3A_76 [1] : vector<1024x128xf32> to vector<1024xf32>
    %broadcast_in_dim3A_78 = vector.shape_cast %reduce_sum3A_77 : vector<1024xf32> to vector<1024x1xf32>
    %div3A_79 = arith.constant 1.280000e+02 : f32
    %div3A_80 = vector.broadcast %div3A_79 : f32 to vector<1024x1xf32>
    %div3A_81 = arith.divf %broadcast_in_dim3A_78, %div3A_80 : vector<1024x1xf32>
    %sub3A_82 = vector.broadcast %div3A_81 : vector<1024x1xf32> to vector<1024x128xf32>
    %sub3A_83 = arith.subf %add3A_75, %sub3A_82 : vector<1024x128xf32>
    %integer_pow3A_84 = arith.mulf %sub3A_83, %sub3A_83 : vector<1024x128xf32>
    %reduce_sum3A_85 = arith.constant dense<0.000000e+00> : vector<1024xf32>
    %reduce_sum3A_86 = vector.multi_reduction <add>, %integer_pow3A_84, %reduce_sum3A_85 [1] : vector<1024x128xf32> to vector<1024xf32>
    %broadcast_in_dim3A_87 = vector.shape_cast %reduce_sum3A_86 : vector<1024xf32> to vector<1024x1xf32>
    %div3A_88 = arith.constant 1.280000e+02 : f32
    %div3A_89 = vector.broadcast %div3A_88 : f32 to vector<1024x1xf32>
    %div3A_90 = arith.divf %broadcast_in_dim3A_87, %div3A_89 : vector<1024x1xf32>
    %sub3A_91 = vector.broadcast %div3A_81 : vector<1024x1xf32> to vector<1024x128xf32>
    %sub3A_92 = arith.subf %add3A_75, %sub3A_91 : vector<1024x128xf32>
    %add3A_93 = arith.constant 9.99999974E-6 : f32
    %add3A_94 = vector.broadcast %add3A_93 : f32 to vector<1024x1xf32>
    %add3A_95 = arith.addf %div3A_90, %add3A_94 : vector<1024x1xf32>
    %sqrt3A_96 = math.sqrt %add3A_95 : vector<1024x1xf32>
    %div3A_97 = vector.broadcast %sqrt3A_96 : vector<1024x1xf32> to vector<1024x128xf32>
    %div3A_98 = arith.divf %sub3A_92, %div3A_97 : vector<1024x128xf32>
    %get3A_99 = arith.constant 0 : index
    %get3A_100 = arith.constant 0 : index
    %get3A_101 = vector.load %arg10[%get3A_99, %get3A_100] : memref<1x128xf32, #tpu.memory_space<vmem>>, vector<1x128xf32>
    %mul3A_102 = vector.broadcast %get3A_101 : vector<1x128xf32> to vector<1024x128xf32>
    %mul3A_103 = arith.mulf %div3A_98, %mul3A_102 : vector<1024x128xf32>
    %get3A_104 = arith.constant 0 : index
    %get3A_105 = arith.constant 0 : index
    %get3A_106 = vector.load %arg11[%get3A_104, %get3A_105] : memref<1x128xf32, #tpu.memory_space<vmem>>, vector<1x128xf32>
    %add3A_107 = vector.broadcast %get3A_106 : vector<1x128xf32> to vector<1024x128xf32>
    %add3A_108 = arith.addf %mul3A_103, %add3A_107 : vector<1024x128xf32>
    %swap3A = arith.constant 0 : index
    %swap3A_109 = arith.constant 0 : index
    %swap3A_110 = vector.load %arg12[%swap3A, %swap3A_109] : memref<1024x128xf32, #tpu.memory_space<vmem>>, vector<1024x128xf32>
    tpu.vector_store %arg12[%swap3A, %swap3A_109], %add3A_108 {strides = array<i32>} : memref<1024x128xf32, #tpu.memory_space<vmem>>, vector<1024x128xf32>,
    return
  }
  func.func @transform_0(%arg0: i32) -> (i32, i32, i32) {
    %c0_i32 = arith.constant 0 : i32
    %c0_i32_0 = arith.constant 0 : i32
    %c0_i32_1 = arith.constant 0 : i32
    return %c0_i32, %arg0, %c0_i32_0 : i32, i32, i32
  }
  func.func @transform_1(%arg0: i32) -> (i32, i32, i32) {
    %c0_i32 = arith.constant 0 : i32
    %c0_i32_0 = arith.constant 0 : i32
    %c0_i32_1 = arith.constant 0 : i32
    return %c0_i32, %arg0, %c0_i32_0 : i32, i32, i32
  }
  func.func @transform_2(%arg0: i32) -> (i32, i32) {
    %c0_i32 = arith.constant 0 : i32
    %c0_i32_0 = arith.constant 0 : i32
    %c0_i32_1 = arith.constant 0 : i32
    return %c0_i32, %c0_i32_0 : i32, i32
  }
  func.func @transform_3(%arg0: i32) -> (i32, i32) {
    %c0_i32 = arith.constant 0 : i32
    %c0_i32_0 = arith.constant 0 : i32
    %c0_i32_1 = arith.constant 0 : i32
    return %c0_i32, %c0_i32_0 : i32, i32
  }
  func.func @transform_4(%arg0: i32) -> (i32, i32) {
    %c0_i32 = arith.constant 0 : i32
    %c0_i32_0 = arith.constant 0 : i32
    %c0_i32_1 = arith.constant 0 : i32
    return %c0_i32, %c0_i32_0 : i32, i32
  }
  func.func @transform_5(%arg0: i32) -> (i32, i32) {
    %c0_i32 = arith.constant 0 : i32
    %c0_i32_0 = arith.constant 0 : i32
    %c0_i32_1 = arith.constant 0 : i32
    return %c0_i32, %c0_i32_0 : i32, i32
  }
  func.func @transform_6(%arg0: i32) -> (i32, i32) {
    %c0_i32 = arith.constant 0 : i32
    %c0_i32_0 = arith.constant 0 : i32
    %c0_i32_1 = arith.constant 0 : i32
    return %c0_i32, %c0_i32_0 : i32, i32
  }
  func.func @transform_7(%arg0: i32) -> (i32, i32) {
    %c0_i32 = arith.constant 0 : i32
    %c0_i32_0 = arith.constant 0 : i32
    %c0_i32_1 = arith.constant 0 : i32
    return %c0_i32, %c0_i32_0 : i32, i32
  }
  func.func @transform_8(%arg0: i32) -> (i32, i32) {
    %c0_i32 = arith.constant 0 : i32
    %c0_i32_0 = arith.constant 0 : i32
    %c0_i32_1 = arith.constant 0 : i32
    return %c0_i32, %c0_i32_0 : i32, i32
  }
  func.func @transform_9(%arg0: i32) -> (i32, i32) {
    %c0_i32 = arith.constant 0 : i32
    %c0_i32_0 = arith.constant 0 : i32
    %c0_i32_1 = arith.constant 0 : i32
    return %c0_i32, %c0_i32_0 : i32, i32
  }
  func.func @transform_10(%arg0: i32) -> (i32, i32) {
    %c0_i32 = arith.constant 0 : i32
    %c0_i32_0 = arith.constant 0 : i32
    %c0_i32_1 = arith.constant 0 : i32
    return %c0_i32, %c0_i32_0 : i32, i32
  }
  func.func @transform_11(%arg0: i32) -> (i32, i32) {
    %c0_i32 = arith.constant 0 : i32
    %c0_i32_0 = arith.constant 0 : i32
    return %arg0, %c0_i32 : i32, i32
  }
}

</mosaic_0001>

<sc_bundles>
// kernel: kernel.5.cloned.1.call-start
scs
__scs_entry_jumppad:
0x0: {  	(pc) =	sbr.rel $0x88, $3  }
0x1: {  	(tag) =	ssettag $0x0;
	lr =	simm.s32 $0x1  }
0x2: {  	[smem:$0x3F91] =	sst lr;
	_ =	strace $0xD0000000  }
0x3: {  	_ = 	snop  }
0x4: {  	_ = 	snop  }
0x5: {  	_ = 	snop  }
0x6: {  	_ = 	snop  }
0x7: {  	_ = 	snop  }
__scs_overlays_trampoline_lowered:
0x8: {  	[smem:$0x3FA0] =	sst s0  }
0x9: {  	[smem:$0x3FA1] =	sst s1  }
0xa: {  	[smem:$0x3FA2] =	sst s2  }
0xb: {  	[smem:$0x3FA3] =	sst s3  }
0xc: {  	[smem:$0x3FA4] =	sst s4  }
0xd: {  	[smem:$0x3FA5] =	sst s5  }
0xe: {  	[smem:$0x3FA6] =	sst s6  }
0xf: {  	[smem:$0x3FA7] =	sst s7  }
0x10: {  	[smem:$0x3FA8] =	sst s8  }
0x11: {  	[smem:$0x3FA9] =	sst s9;
	s0 =	simm.s32 @!p0 $0x0  }
0x12: {  	s1 =	sld [smem:$0x3F8F];
	s0 =	simm.s32 @p0 $0x1  }
0x13: {  	[smem:$0x3FAA] =	sst s0;
	s0 =	simm.s32 @!p1 $0x0  }
0x14: {  	s2 =	sld [smem:$0x3F8E];
	s0 =	simm.s32 @p1 $0x1  }
0x15: {  	[smem:$0x3FAB] =	sst s0;
	s0 =	simm.s32 @!p2 $0x0  }
0x16: {  	s3 =	sld [smem:$0x3FDB];
	s0 =	simm.s32 @p2 $0x1  }
0x17: {  	s4 =	simm.s32 $0x1BF5;
	[smem:$0x3FAD] =	sst s0  }
0x18: {  	s0 =	sld [smem:$0x3F90];
	_ =	swait.ge [sflag:s4], $0x0  }
0x19: {  	s7 =	sld [smem:$0x3F91]  }
0x1a: {  	s8 =	sadd.s32 $0xFFFFE003, lr  }
0x1b: {  	s9 =	sadd.s32 $0xFFFFFEF7, lr;
	s5 =	simm.s32 $0xFFFFFFFF;
	p2 =	slt.u32 s8, $0xFFFFF086  }
0x1c: {  	p1 =	slt.u32 s9, $0xF7A;
	s5 =	simm.s32 @!p2 $0x0  }
0x1d: {  	s5 =	simm.s32 @p1 $0x1;
	p0 =	seq.s32 s7, s2  }
0x1e: {  	s7 =	smul.u32 @!p0 $0xF7A, s2;
	p2 =	seq.s32 @!p0 s5, $0x0  }
0x1f: {  	s9 =	smul.u32 $0xF7A, s1;
	s8 =	simm.s32 @!p0 $0x1BF5;
	p2 =	por !p2, p0  }
0x20: {  	[sflag:s8] =	ssyncset.s32 @!p0 $0xFFFFF086;
	s6 =	sadd.s32 @!p0 s3, s7;
	s7 =	simm.s32 @!p0 $0x108  }
0x21: {  	s3 =	sadd.s32 s3, s9;
	s6 =	sadd.s32 @!p0 $0x88, s6;
	s7 =	simm.s32 @p2 $0x1082  }
0x22: {  	[simem:s7], [sflag:s8] =	dma.local @!p0 [hbm:s6], $0xF7A  }
0x23: {  	s9 =	sor.u32 $0xD0000000, s2;
	s6 =	simm.s32 $0x108;
	_ =	swait.ge @!p0 [sflag:s8], $0x0  }
0x24: {  	s3 =	sadd.s32 $0x88, s3;
	s6 =	simm.s32 @!p1 $0x1082;
	[sflag:s4] =	ssyncset.s32 $0xFFFFF086  }
0x25: {  	[simem:s6], [sflag:s4] =	dma.local [hbm:s3], $0xF7A  }
0x26: {  	[smem:$0x3F91] =	sst s1;
	(tag) =	ssettag s2;
	_ =	strace s9  }
0x27: {  	s1 =	sld [smem:$0x3FA1]  }
0x28: {  	s2 =	sld [smem:$0x3FA2]  }
0x29: {  	s4 =	sld [smem:$0x3FA4]  }
0x2a: {  	p0 =	seq.s32 s5, $0x0;
	s5 =	sld [smem:$0x3FA5]  }
0x2b: {  	s6 =	sld [smem:$0x3FA6]  }
0x2c: {  	s7 =	sld [smem:$0x3FA7]  }
0x2d: {  	s3 =	simm.s32 $0x108;
	s8 =	sld [smem:$0x3FA8]  }
0x2e: {  	s3 =	simm.s32 @!p0 $0x1082;
	s9 =	sld [smem:$0x3FA9]  }
0x2f: {  	lr =	sadd.s32 s0, s3;
	s0 =	sld [smem:$0x3FA0]  }
0x30: {  	s3 =	sld [smem:$0x3FA3]  }
0x31: {  	[smem:$0x3FAC] =	sst s10  }
0x32: {  	s10 =	sld [smem:$0x3FAA];
	_ =	sdelay $0x3  }
0x33: {  	p0 =	seq.s32 s10, $0x1;
	s10 =	sld [smem:$0x3FAC];
	_ =	sdelay $0x3  }
0x34: {  	[smem:$0x3FAC] =	sst s10  }
0x35: {  	s10 =	sld [smem:$0x3FAB];
	_ =	sdelay $0x3  }
0x36: {  	p1 =	seq.s32 s10, $0x1;
	s10 =	sld [smem:$0x3FAC];
	_ =	sdelay $0x3  }
0x37: {  	[smem:$0x3FAC] =	sst s10  }
0x38: {  	s10 =	sld [smem:$0x3FAD]  }
0x39: {  	_ = 	snop;
	(pc) =	sbr.ind lr, $3  }
0x3a: {  	_ = 	snop  }
0x3b: {  	_ = 	snop  }
0x3c: {  	p2 =	seq.s32 s10, $0x1;
	s10 =	sld [smem:$0x3FAC]  }
0x3d: {  	_ =	shalt  }
0x3e: {  	_ =	shalt  }
0x3f: {  	_ =	shalt  }
0x40: {  	_ =	shalt  }
0x41: {  	_ =	shalt  }
0x42: {  	_ =	shalt  }
0x43: {  	_ =	shalt  }
0x44: {  	_ =	shalt  }
0x45: {  	_ =	shalt  }
0x46: {  	_ =	shalt  }
0x47: {  	_ =	shalt  }
0x48: {  	_ =	shalt  }
0x49: {  	_ =	shalt  }
0x4a: {  	_ =	shalt  }
0x4b: {  	_ =	shalt  }
0x4c: {  	_ =	shalt  }
0x4d: {  	_ =	shalt  }
0x4e: {  	_ =	shalt  }
0x4f: {  	_ =	shalt  }
0x50: {  	_ =	shalt  }
0x51: {  	_ =	shalt  }
0x52: {  	_ =	shalt  }
0x53: {  	_ =	shalt  }
0x54: {  	_ =	shalt  }
0x55: {  	_ =	shalt  }
0x56: {  	_ =	shalt  }
0x57: {  	_ =	shalt  }
0x58: {  	_ =	shalt  }
0x59: {  	_ =	shalt  }
0x5a: {  	_ =	shalt  }
0x5b: {  	_ =	shalt  }
0x5c: {  	_ =	shalt  }
0x5d: {  	_ =	shalt  }
0x5e: {  	_ =	shalt  }
0x5f: {  	_ =	shalt  }
0x60: {  	_ =	shalt  }
0x61: {  	_ =	shalt  }
0x62: {  	_ =	shalt  }
0x63: {  	_ =	shalt  }
0x64: {  	_ =	shalt  }
0x65: {  	_ =	shalt  }
0x66: {  	_ =	shalt  }
0x67: {  	_ =	shalt  }
0x68: {  	_ =	shalt  }
0x69: {  	_ =	shalt  }
0x6a: {  	_ =	shalt  }
0x6b: {  	_ =	shalt  }
0x6c: {  	_ =	shalt  }
0x6d: {  	_ =	shalt  }
0x6e: {  	_ =	shalt  }
0x6f: {  	_ =	shalt  }
0x70: {  	_ =	shalt  }
0x71: {  	_ =	shalt  }
0x72: {  	_ =	shalt  }
0x73: {  	_ =	shalt  }
0x74: {  	_ =	shalt  }
0x75: {  	_ =	shalt  }
0x76: {  	_ =	shalt  }
0x77: {  	_ =	shalt  }
0x78: {  	_ =	shalt  }
0x79: {  	_ =	shalt  }
0x7a: {  	_ =	shalt  }
0x7b: {  	_ =	shalt  }
0x7c: {  	_ =	shalt  }
0x7d: {  	_ =	shalt  }
0x7e: {  	_ =	shalt  }
0x7f: {  	_ =	shalt  }
0x80: {  	_ =	shalt  }
0x81: {  	_ =	shalt  }
0x82: {  	_ =	shalt  }
0x83: {  	_ =	shalt  }
0x84: {  	_ =	shalt  }
0x85: {  	_ =	shalt  }
0x86: {  	_ =	shalt  }
0x87: {  	_ =	shalt  }
.Lfunc_end0:
.L_simem_size_0:
called_computation_lowered:
.L_overlay_start_0:
0x88: {  	s2 =	sld [smem:$0x3FD9]  }
0x89: {  	s3 =	sld [smem:$0x3FFE];
	_ =	sdelay $0x1  }
0x8a: {  	s1 =	srdreg.scid  }
0x8b: {  	s0 =	sand.u32 $0x1, s1  }
0x8c: {  	s16 =	sshll.u32 s0, $0xA;
	s2 =	sadd.s32 s3, s2  }
0x8d: {  	s2 =	sadd.s32 s2, s16  }
0x8e: {  	[smem:$0x3FB8] =	sst s2  }
0x8f: {  	_ = 	snop  }
0x90: {  	(tm) =	ssettm $0x1  }
0x91: {  	s17 =	sld [smem:$0x3FFB];
	_ =	sdelay $0x3  }
0x92: {  	_ =	strace s17  }
0x93: {  	s2 =	sld [smem:$0x3FFC];
	_ =	sdelay $0x3  }
0x94: {  	_ =	strace s2  }
0x95: {  	s2 =	sld [smem:$0x3FFD];
	_ =	sdelay $0x3  }
0x96: {  	_ =	strace s2  }
0x97: {  	_ =	strace $0x8FFFFFFF  }
0x98: {  	s18 =	sld [smem:$0x3FDB];
	_ =	sdelay $0x1  }
0x99: {  	s19 =	simm.s32 $_scs_section_size  }
0x9a: {  	s4 =	simm.s32 $_size__tile_overlayer_lowered;
	s5 =	simm.s32 $_tile_overlayer_lowered  }
0x9b: {  	s22 =	simm.s32 $0x1BFF;
	s21 =	sshll.u32 s5, $0x1;
	s2 =	sadd.s32 s19, s18  }
0x9c: {  	s6 =	simm.s32 $0x0;
	s20 =	sshll.u32 s4, $0x1;
	s4 =	sadd.s32 s21, s2  }
0x9d: {  	[timem:s6], [sflag:s22] =	dma.local [hbm:s4], s20  }
0x9e: {  	_ =	swait.ge [sflag:s22], s20  }
0x9f: {  	s3 =	ssub.s32 $0x0, s20;
	[sflag:s22] =	ssyncset.done $0x0  }
0xa0: {  	[sflag:s22] =	ssyncadd.s32 s3;
	_ =	sdelay $0x1  }
0xa1: {  	s23 =	simm.s32 $0x1B8B  }
0xa2: {  	_ =	swait.ge [sflag:s23], $0x1  }
0xa3: {  	[sflag:s23] =	ssyncset.done $0x0  }
0xa4: {  	s25 =	simm.s32 $0x1B8E;
	s24 =	sld [smem:$0x3FFE];
	[sflag:s23] =	ssyncadd.s32 $0xFFFFFFFF  }
0xa5: {  	s26 =	simm.s32 $execute0_lowered;
	[smem:$0x3FD2] =	sst s25  }
0xa6: {  	s4 =	sshll.u32 s26, $0x1;
	_ =	strace $0x80000046;
	[dreg:$0x1] =	wrdreg $0xFFFFFFFF  }
0xa7: {  	s28 =	simm.s32 $_size_execute0_lowered;
	s2 =	sadd.s32 s2, s4;
	[dreg:$0x0] =	wrdreg $0x0  }
0xa8: {  	s4 =	sshll.u32 s28, $0x1;
	[dreg:$0x2] =	wrdreg s2  }
0xa9: {  	[dreg:$0x3] =	wrdreg s4  }
0xaa: {  	[dreg:$0x4] =	wrdreg $0xC0  }
0xab: {  	_ =	task [dreg:s6], $0x5FFFF  }
0xac: {  	[dreg:$0x1] =	wrdreg $0xFFFFFFFF  }
0xad: {  	[dreg:$0x0] =	wrdreg $0x60  }
0xae: {  	[dreg:$0x2] =	wrdreg s24  }
0xaf: {  	[dreg:$0x3] =	wrdreg $0x83000  }
0xb0: {  	[dreg:$0x4] =	wrdreg $0x9  }
0xb1: {  	_ =	task.clear_ibuf [dreg:s6], $0x5FFFF;
	_ =	strace $0x90000046  }
0xb2: {  	s29 =	simm.s32 $0x9;
	_ =	strace $0x80000048  }
0xb3: {  	_ =	swait.ge [sflag:s29], $0x1  }
0xb4: {  	[sflag:s29] =	ssyncadd.s32 $0xFFFFFFFF  }
0xb5: {  	_ =	strace $0x90000048  }
0xb6: {  	_ =	sfence  }
0xb7: {  	s30 =	sld [smem:$0x0];
	_ =	sdelay $0x2  }
0xb8: {  	s31 =	sshll.u32 s1, $0xD;
	s1 =	sshrl.u32 s1, $0x2  }
0xb9: {  	s3 =	sand.u32 $0x4000, s31;
	s1 =	sadd.s32 s1, s30  }
0xba: {  	s0 =	sor.u32 s3, s0;
	s1 =	sshll.u32 s1, $0x11  }
0xbb: {  	s0 =	sor.u32 s1, s0  }
0xbc: {  	s0 =	sadd.s32 $0x8F2B, s0  }
0xbd: {  	[sflag:s0] =	ssyncadd.remote.s32 $0x1  }
0xbe: {  	_ =	sfence.sel $0xFFFF  }
0xbf: {  	[dreg:$0x0] =	wrdreg $0xFFFFFFFF;
	(pc) =	sbr.abs _section_cstart, $3  }
0xc0: {  	[dreg:$0x1] =	wrdreg $0xFFFFFFFF  }
0xc1: {  	_ =	task.clear_ibuf [dreg:s6], $0x2FFFF;
	_ =	strace $0x9FFFFFFF  }
0xc2: {  	(tm) =	ssettm $0x7FFFFFFF  }
0xc3: {  	_ =	shalt  }
tec
execute0_lowered:
.L_overlay_start_1:
0x0: {  	(tag) =	ssettag $0x1  }
0x1: {  	s2 =	srdreg.scid;
	s10 =	stileid.u32  }
0x2: {  	s0 =	rddreg [dreg:$0x0];
	s2 =	sand.u32 $0x1, s2;
	s8 =	smul.u32 $0x5A000, s10  }
0x3: {  	s1 =	rddreg [dreg:$0x1];
	s18 =	ssub.s32 $0x2, s2  }
0x4: {  	s13 =	simm.s32 $0x0;
	s9 =	sshrl.u32 s18, $0x1;
	s8 =	sshrl.u32 s8, $0x2  }
0x5: {  	[smem:$0x7FF] =	sst s13;
	s19 =	ssub.s32 s18, s9;
	s9 =	sadd.s32 s8, s1  }
0x6: {  	_ =	strace $0x80000047;
	s8 =	sadd.s32 $0x1000, s9;
	[dreg:$0x4] =	wrdreg s9  }
0x7: {  	s21 =	sadd.s32 $0x2000, s9;
	[dreg:$0x5] =	wrdreg s8  }
0x8: {  	v0 =	vimm.f32 $0.0e+00;
	v1 =	vimm.s32 $0x0;
	v5 =	vimm.s32 $0xFEDCBA98;
	s29 =	simm.s32 $0x1;
	s22 =	sadd.s32 $0x3000, s9;
	[dreg:$0x6] =	wrdreg s21  }
0x9: {  	v4 =	vlaneseq.u32;
	v6 =	vimm.s32 $0xBA98FEDC;
	v7 =	vimm.s32 $0x32107654;
	s30 =	simm.s32 $0x3;
	s23 =	sadd.s32 $0x4000, s9;
	[dreg:$0x7] =	wrdreg s22  }
0xa: {  	v8 =	vimm.s32 $0x76543210;
	vm0 =	vmmov $0xffff;
	v9 =	vimm.s32 $0x54761032;
	s31 =	simm.s32 $0x5;
	s24 =	sadd.s32 $0x5000, s9;
	[dreg:$0x8] =	wrdreg s23  }
0xb: {  	vm1 =	vmmov $0xff;
	vm2 =	vcmask $0x2F20;
	vm3 =	vcmask $0xF00;
	s4 =	sadd.s32 $0xA2C00, s0;
	s25 =	sadd.s32 $0x6000, s9;
	[dreg:$0x9] =	wrdreg s24  }
0xc: {  	vm4 =	vcmask $0x700;
	vm5 =	vcmask $0x300;
	v10 =	vimm.s32 $0x4;
	s7 =	smul.u32 $0x16800, s10;
	s26 =	sadd.s32 $0x7000, s9;
	[dreg:$0xa] =	wrdreg s25  }
0xd: {  	v11 =	vimm.s32 $0xC;
	v12 =	vimm.s32 $0x2;
	v13 =	vimm.s32 $0xA;
	s20 =	sshll.u32 s10, $0x1;
	s28 =	sadd.s32 $0x8000, s9;
	[dreg:$0xb] =	wrdreg s26  }
0xe: {  	v14 =	vimm.s32 $0x6;
	v15 =	vimm.s32 $0xE;
	v5 =	vunpack.c.l.s4.s8 v5;
	s3 =	smul.u32 $0x168000, s2;
	s11 =	sadd.s32 $0xA000, s9;
	[dreg:$0xc] =	wrdreg s28  }
0xf: {  	v6 =	vunpack.c.l.s4.s8 v6;
	vm2 =	vmor vm3, vm2;
	vm3 =	vcmask $0x1710;
	s2 =	sor.u32 s2, s20;
	s12 =	sadd.s32 $0xB000, s9;
	[dreg:$0xe] =	wrdreg s11  }
0x10: {  	v7 =	vunpack.c.l.s4.s8 v7;
	v8 =	vunpack.c.l.s4.s8 v8;
	vm3 =	vmor vm4, vm3;
	s10 =	smul.u32 $0x2800, s2;
	s14 =	sadd.s32 $0xC000, s9;
	[dreg:$0xf] =	wrdreg s12  }
0x11: {  	s6 =	sadd.s32 $0x2A00, s0;
	vm4 =	vcmask $0x2720;
	v5 =	vunpack.c.0.s8.s32 v5;
	v6 =	vunpack.c.0.s8.s32 v6;
	s15 =	sadd.s32 $0xD000, s9;
	[dreg:$0x10] =	wrdreg s14  }
0x12: {  	v7 =	vunpack.c.0.s8.s32 v7;
	vm3 =	vmor vm3, vm4;
	vm4 =	vcmask $0x3730;
	s3 =	sadd.s32 s7, s3;
	s7 =	sadd.s32 s6, s10;
	[dreg:$0x11] =	wrdreg s15  }
0x13: {  	v2 =	vand.u32 $0x7, v4;
	s5 =	sadd.s32 $0x52C00, s0;
	v8 =	vunpack.c.0.s8.s32 v8;
	vm3 =	vmor vm3, vm4;
	s16 =	smax.u32 s19, $0x1;
	[dreg:$0x12] =	wrdreg s7  }
0x14: {  	s2 =	smul.u32 $0x140, s2;
	vm4 =	vcmask $0xB08;
	v5 =	vand.u32 $0xF, v5;
	v6 =	vcombine.low v7, v6;
	s17 =	sadd.s32 $0xE000, s9;
	[dreg:$0x14] =	wrdreg s16  }
0x15: {  	s3 =	sshrl.u32 s3, $0x3;
	v7 =	vimm.s32 $0xDCFE98BA;
	s18 =	sadd.s32 $0xF000, s9;
	vm4 =	vmor vm5, vm4;
	vm5 =	vcmask $0x1310;
	[dreg:$0x15] =	wrdreg s17  }
0x16: {  	s19 =	sadd.s32 $0x10000, s9;
	s20 =	sadd.s32 $0x11000, s9;
	v5 =	vcombine.low v5, v8;
	v7 =	vunpack.c.l.s4.s8 v7;
	v8 =	vunpack.c.l.s4.s8 v9;
	[dreg:$0x16] =	wrdreg s18  }
0x17: {  	v3 =	vshrl.u32 v4, $0x3;
	s0 =	sadd.s32 s3, s0;
	s8 =	sadd.s32 $0x9000, s9;
	[dreg:$0x17] =	wrdreg s19;
	v9 =	vimm.s32 $0x67452301;
	vm4 =	vmor vm4, vm5  }
0x18: {  	s22 =	sor.u32 $0x1, s2;
	s23 =	sor.u32 $0x2, s2;
	[dreg:$0x18] =	wrdreg s20;
	vm5 =	vcmask $0x1B18;
	v7 =	vunpack.c.0.s8.s32 v7;
	v8 =	vunpack.c.0.s8.s32 v8  }
0x19: {  	v4 =	vor.u32 $0x8, v4;
	s21 =	sadd.s32 $0x12000, s9;
	s24 =	sadd.s32 $0x13000, s9;
	[dreg:$0xd] =	wrdreg s8;
	v9 =	vunpack.c.l.s4.s8 v9;
	vm4 =	vmor vm4, vm5  }
0x1a: {  	s25 =	sadd.s32 $0x14000, s9;
	s26 =	sadd.s32 $0x15000, s9;
	[dreg:$0x19] =	wrdreg s21;
	vm5 =	vcmask $0x2320;
	v7 =	vcombine.low v8, v7;
	v8 =	vimm.s32 $0xEFCDAB89  }
0x1b: {  	s28 =	sadd.s32 $0x16000, s9;
	s11 =	simm.s32 $0x7;
	[dreg:$0x1a] =	wrdreg s24;
	vm4 =	vmor vm4, vm5;
	vm5 =	vcmask $0x2B28;
	v8 =	vunpack.c.l.s4.s8 v8  }
0x1c: {  	s12 =	simm.s32 $0x20;
	s15 =	simm.s32 $0x300;
	[dreg:$0x1b] =	wrdreg s25;
	v9 =	vunpack.c.0.s8.s32 v9;
	vm4 =	vmor vm4, vm5;
	vm5 =	vcmask $0x3330  }
0x1d: {  	s20 =	simm.s32 $0x100;
	s2 =	simm.s32 $0x4;
	[dreg:$0x1c] =	wrdreg s26;
	vm4 =	vmor vm4, vm5;
	vm5 =	vcmask $0x3B38;
	v8 =	vunpack.c.0.s8.s32 v8  }
0x1e: {  	v3 =	vmul.u32 $0x8, v3;
	v6 =	vand.u32 $0xF, v6;
	s0 =	sadd.s32 $0xCAC00, s0;
	[dreg:$0x1d] =	wrdreg s28;
	s21 =	simm.s32 $0x1300;
	vm4 =	vmor vm4, vm5  }
0x1f: {  	s8 =	simm.s32 $0x6;
	[dreg:$0x13] =	wrdreg s0;
	s0 =	simm.s32 $0x2;
	v7 =	vand.u32 $0xF, v7;
	v8 =	vcombine.low v9, v8;
	v9 =	vimm.s32 $0x8  }
.LBB2_1:
0x20: {  	[dreg:$0x3] =	wrdreg s13;
	s3 =	simm.s32 $0x0;
	s7 =	simm.s32 $0x200  }
.LBB2_2:
0x21: {  	p0 =	sne.s32 s7, $0x3E00;
	[tilespmem:s3+$0x6370] =	vst v0  }
0x22: {  	[tilespmem:s3+$0x6300] =	vst v0  }
0x23: {  	[tilespmem:s3+$0x6310] =	vst v0  }
.Ltmp0:
0x24: {  	[tilespmem:s3+$0x6320] =	vst v0;
	(pc) =	sbr.rel @p0 .LBB2_2-.Ltmp0, $4  }
0x25: {  	[tilespmem:s3+$0x6330] =	vst v0  }
0x26: {  	[tilespmem:s3+$0x6340] =	vst v0  }
0x27: {  	[tilespmem:s3+$0x6350] =	vst v0  }
0x28: {  	[tilespmem:s3+$0x6360] =	vst v0;
	s3 =	sshra.s32 s7, $0x2;
	s7 =	sadd.s32 $0x200, s7  }
0x29: {  	[tilespmem:s3+$0x6370] =	vst v0  }
0x2a: {  	[tilespmem:s3+$0x6300] =	vst v0  }
0x2b: {  	[tilespmem:s3+$0x6310] =	vst v0  }
0x2c: {  	[tilespmem:s3+$0x6320] =	vst v0  }
0x2d: {  	[tilespmem:s3+$0x6330] =	vst v0  }
0x2e: {  	[tilespmem:s3+$0x6340] =	vst v0  }
0x2f: {  	[tilespmem:s3+$0x6350] =	vst v0  }
0x30: {  	[tilespmem:s3+$0x6360] =	vst v0;
	s7 =	simm.s32 $0x6300  }
0x31: {  	[spmem:s9] =	stream.linear.scatter [tilespmem:s7], [sflag:$0x7], $0x1000, $0x38;
	[tilespmem:$0x1EB00] =	vst v63  }
0x32: {  	_ =	swait.ge [sflag:s11], $0x1000  }
0x33: {  	[sflag:s11] =	ssyncset.done $0x0  }
0x34: {  	s19 =	rddreg [dreg:$0x5];
	[sflag:s11] =	ssyncadd.s32 $0xFFFFF000  }
0x35: {  	[spmem:s19] =	stream.linear.scatter [tilespmem:s7], [sflag:$0x7], $0x1000, $0x38;
	[tilespmem:$0x1EB00] =	vst v63  }
0x36: {  	_ =	swait.ge [sflag:s11], $0x1000  }
0x37: {  	[sflag:s11] =	ssyncset.done $0x0  }
0x38: {  	s24 =	rddreg [dreg:$0x6];
	[sflag:s11] =	ssyncadd.s32 $0xFFFFF000  }
0x39: {  	[spmem:s24] =	stream.linear.scatter [tilespmem:s7], [sflag:$0x7], $0x1000, $0x38;
	[tilespmem:$0x1EB00] =	vst v63  }
0x3a: {  	_ =	swait.ge [sflag:s11], $0x1000  }
0x3b: {  	[sflag:s11] =	ssyncset.done $0x0  }
0x3c: {  	s25 =	rddreg [dreg:$0x7];
	[sflag:s11] =	ssyncadd.s32 $0xFFFFF000  }
0x3d: {  	[spmem:s25] =	stream.linear.scatter [tilespmem:s7], [sflag:$0x7], $0x1000, $0x38;
	[tilespmem:$0x1EB00] =	vst v63  }
0x3e: {  	_ =	swait.ge [sflag:s11], $0x1000  }
0x3f: {  	[sflag:s11] =	ssyncset.done $0x0  }
0x40: {  	s26 =	rddreg [dreg:$0x8];
	[sflag:s11] =	ssyncadd.s32 $0xFFFFF000  }
0x41: {  	[spmem:s26] =	stream.linear.scatter [tilespmem:s7], [sflag:$0x7], $0x1000, $0x38;
	[tilespmem:$0x1EB00] =	vst v63  }
0x42: {  	_ =	swait.ge [sflag:s11], $0x1000  }
0x43: {  	[sflag:s11] =	ssyncset.done $0x0  }
0x44: {  	s28 =	rddreg [dreg:$0x9];
	[sflag:s11] =	ssyncadd.s32 $0xFFFFF000  }
0x45: {  	[spmem:s28] =	stream.linear.scatter [tilespmem:s7], [sflag:$0x7], $0x1000, $0x38;
	[tilespmem:$0x1EB00] =	vst v63  }
0x46: {  	_ =	swait.ge [sflag:s11], $0x1000  }
0x47: {  	[sflag:s11] =	ssyncset.done $0x0  }
0x48: {  	s9 =	rddreg [dreg:$0xa];
	[sflag:s11] =	ssyncadd.s32 $0xFFFFF000  }
0x49: {  	[spmem:s9] =	stream.linear.scatter [tilespmem:s7], [sflag:$0x7], $0x1000, $0x38;
	[tilespmem:$0x1EB00] =	vst v63  }
0x4a: {  	_ =	swait.ge [sflag:s11], $0x1000  }
0x4b: {  	[sflag:s11] =	ssyncset.done $0x0  }
0x4c: {  	s10 =	rddreg [dreg:$0xb];
	[sflag:s11] =	ssyncadd.s32 $0xFFFFF000  }
0x4d: {  	[spmem:s10] =	stream.linear.scatter [tilespmem:s7], [sflag:$0x7], $0x1000, $0x38;
	[tilespmem:$0x1EB00] =	vst v63  }
0x4e: {  	_ =	swait.ge [sflag:s11], $0x1000  }
0x4f: {  	[sflag:s11] =	ssyncset.done $0x0  }
0x50: {  	s13 =	rddreg [dreg:$0xc];
	[sflag:s11] =	ssyncadd.s32 $0xFFFFF000  }
0x51: {  	[spmem:s13] =	stream.linear.scatter [tilespmem:s7], [sflag:$0x7], $0x1000, $0x38;
	[tilespmem:$0x1EB00] =	vst v63  }
0x52: {  	_ =	swait.ge [sflag:s11], $0x1000  }
0x53: {  	[sflag:s11] =	ssyncset.done $0x0  }
0x54: {  	s14 =	rddreg [dreg:$0xd];
	[sflag:s11] =	ssyncadd.s32 $0xFFFFF000  }
0x55: {  	[spmem:s14] =	stream.linear.scatter [tilespmem:s7], [sflag:$0x7], $0x1000, $0x38;
	[tilespmem:$0x1EB00] =	vst v63  }
0x56: {  	_ =	swait.ge [sflag:s11], $0x1000  }
0x57: {  	[sflag:s11] =	ssyncset.done $0x0  }
0x58: {  	s16 =	rddreg [dreg:$0xe];
	[sflag:s11] =	ssyncadd.s32 $0xFFFFF000  }
0x59: {  	[spmem:s16] =	stream.linear.scatter [tilespmem:s7], [sflag:$0x7], $0x1000, $0x38;
	[tilespmem:$0x1EB00] =	vst v63  }
0x5a: {  	_ =	swait.ge [sflag:s11], $0x1000  }
0x5b: {  	[sflag:s11] =	ssyncset.done $0x0  }
0x5c: {  	s17 =	rddreg [dreg:$0xf];
	[sflag:s11] =	ssyncadd.s32 $0xFFFFF000  }
0x5d: {  	[spmem:s17] =	stream.linear.scatter [tilespmem:s7], [sflag:$0x7], $0x1000, $0x38;
	[tilespmem:$0x1EB00] =	vst v63  }
0x5e: {  	_ =	swait.ge [sflag:s11], $0x1000  }
0x5f: {  	[sflag:s11] =	ssyncset.done $0x0  }
0x60: {  	s18 =	rddreg [dreg:$0x10];
	[sflag:s11] =	ssyncadd.s32 $0xFFFFF000  }
0x61: {  	[spmem:s18] =	stream.linear.scatter [tilespmem:s7], [sflag:$0x7], $0x1000, $0x38;
	[tilespmem:$0x1EB00] =	vst v63  }
0x62: {  	_ =	swait.ge [sflag:s11], $0x1000  }
0x63: {  	[sflag:s11] =	ssyncset.done $0x0  }
0x64: {  	s19 =	rddreg [dreg:$0x11];
	[sflag:s11] =	ssyncadd.s32 $0xFFFFF000  }
0x65: {  	[spmem:s19] =	stream.linear.scatter [tilespmem:s7], [sflag:$0x7], $0x1000, $0x38;
	[tilespmem:$0x1EB00] =	vst v63  }
0x66: {  	_ =	swait.ge [sflag:s11], $0x1000  }
0x67: {  	[sflag:s11] =	ssyncset.done $0x0  }
0x68: {  	s24 =	rddreg [dreg:$0x15];
	[sflag:s11] =	ssyncadd.s32 $0xFFFFF000  }
0x69: {  	[spmem:s24] =	stream.linear.scatter [tilespmem:s7], [sflag:$0x7], $0x1000, $0x38;
	[tilespmem:$0x1EB00] =	vst v63  }
0x6a: {  	_ =	swait.ge [sflag:s11], $0x1000  }
0x6b: {  	[sflag:s11] =	ssyncset.done $0x0  }
0x6c: {  	s25 =	rddreg [dreg:$0x16];
	[sflag:s11] =	ssyncadd.s32 $0xFFFFF000  }
0x6d: {  	[spmem:s25] =	stream.linear.scatter [tilespmem:s7], [sflag:$0x7], $0x1000, $0x38;
	[tilespmem:$0x1EB00] =	vst v63  }
0x6e: {  	_ =	swait.ge [sflag:s11], $0x1000  }
0x6f: {  	[sflag:s11] =	ssyncset.done $0x0  }
0x70: {  	s26 =	rddreg [dreg:$0x17];
	[sflag:s11] =	ssyncadd.s32 $0xFFFFF000  }
0x71: {  	[spmem:s26] =	stream.linear.scatter [tilespmem:s7], [sflag:$0x7], $0x1000, $0x38;
	[tilespmem:$0x1EB00] =	vst v63  }
0x72: {  	_ =	swait.ge [sflag:s11], $0x1000  }
0x73: {  	[sflag:s11] =	ssyncset.done $0x0  }
0x74: {  	s28 =	rddreg [dreg:$0x18];
	[sflag:s11] =	ssyncadd.s32 $0xFFFFF000  }
0x75: {  	[spmem:s28] =	stream.linear.scatter [tilespmem:s7], [sflag:$0x7], $0x1000, $0x38;
	[tilespmem:$0x1EB00] =	vst v63  }
0x76: {  	_ =	swait.ge [sflag:s11], $0x1000  }
0x77: {  	[sflag:s11] =	ssyncset.done $0x0  }
0x78: {  	s9 =	rddreg [dreg:$0x19];
	[sflag:s11] =	ssyncadd.s32 $0xFFFFF000  }
0x79: {  	[spmem:s9] =	stream.linear.scatter [tilespmem:s7], [sflag:$0x7], $0x1000, $0x38;
	[tilespmem:$0x1EB00] =	vst v63  }
0x7a: {  	_ =	swait.ge [sflag:s11], $0x1000  }
0x7b: {  	[sflag:s11] =	ssyncset.done $0x0  }
0x7c: {  	s10 =	rddreg [dreg:$0x1a];
	[sflag:s11] =	ssyncadd.s32 $0xFFFFF000  }
0x7d: {  	[spmem:s10] =	stream.linear.scatter [tilespmem:s7], [sflag:$0x7], $0x1000, $0x38;
	[tilespmem:$0x1EB00] =	vst v63  }
0x7e: {  	_ =	swait.ge [sflag:s11], $0x1000  }
0x7f: {  	[sflag:s11] =	ssyncset.done $0x0  }
0x80: {  	s13 =	rddreg [dreg:$0x1b];
	[sflag:s11] =	ssyncadd.s32 $0xFFFFF000  }
0x81: {  	[spmem:s13] =	stream.linear.scatter [tilespmem:s7], [sflag:$0x7], $0x1000, $0x38;
	[tilespmem:$0x1EB00] =	vst v63  }
0x82: {  	_ =	swait.ge [sflag:s11], $0x1000  }
0x83: {  	[sflag:s11] =	ssyncset.done $0x0  }
0x84: {  	s14 =	rddreg [dreg:$0x1c];
	[sflag:s11] =	ssyncadd.s32 $0xFFFFF000  }
0x85: {  	[spmem:s14] =	stream.linear.scatter [tilespmem:s7], [sflag:$0x7], $0x1000, $0x38;
	[tilespmem:$0x1EB00] =	vst v63  }
0x86: {  	_ =	swait.ge [sflag:s11], $0x1000  }
0x87: {  	[sflag:s11] =	ssyncset.done $0x0  }
0x88: {  	s16 =	rddreg [dreg:$0x1d];
	[sflag:s11] =	ssyncadd.s32 $0xFFFFF000  }
0x89: {  	[spmem:s16] =	stream.linear.scatter [tilespmem:s7], [sflag:$0x7], $0x800, $0x38;
	[tilespmem:$0x1EB00] =	vst v63  }
0x8a: {  	_ =	swait.ge [sflag:s11], $0x800  }
0x8b: {  	[sflag:s11] =	ssyncset.done $0x0  }
0x8c: {  	[sflag:s11] =	ssyncadd.s32 $0xFFFFF800  }
0x8d: {  	[bflag:$0x0] =	sbarrier.arrive $0xFFFF  }
0x8e: {  	[tilespmem:$0x200] =	vst v1  }
0x8f: {  	[tilespmem:$0x280] =	vst v1  }
0x90: {  	[tilespmem:$0x210] =	vst v1  }
0x91: {  	s17 =	simm.s32 $0x200;
	[tilespmem:$0x290] =	vst v1  }
0x92: {  	[spmem:s1] =	stream.indirect.scatter.add.f32 [tilespmem:s7], [sflag:$0x5], $0x80, s17, s12, $0xb8;
	[tilespmem:$0x1EB00] =	vst v63  }
0x93: {  	s18 =	simm.s32 $0x280  }
0x94: {  	[spmem:s1] =	stream.indirect.scatter.add.f32 [tilespmem:s7], [sflag:$0x6], $0x80, s18, s12, $0xb8;
	[tilespmem:$0x1EB00] =	vst v63  }
0x95: {  	s19 =	rddreg [dreg:$0x12];
	s7 =	simm.s32 $0x0  }
0x96: {  	[tilespmem:s7], [sflag:$0x7] =	stream.linear.gather [hbm4b:s19+s7], $0x100, $0x38;
	[tilespmem:$0x1EB00] =	vst v63  }
0x97: {  	_ =	swait.ge [sflag:s11], $0x100  }
0x98: {  	[sflag:s11] =	ssyncset.done $0x0  }
0x99: {  	[sflag:s11] =	ssyncadd.s32 $0xFFFFFF00  }
0x9a: {  	[tilespmem:s15], [sflag:$0x1] =	stream.indirect.gather [hbm4b:s4+s12], $0x80, s7, s12, $0xb8;
	[tilespmem:$0x1EB00] =	vst v63  }
0x9b: {  	v16 =	vld [tilespmem:$0x80];
	_ =	sdelay $0x4  }
0x9c: {  	v17 =	vshll.u32 v16, $0x1  }
0x9d: {  	v16 =	vand.u32 $0x7, v16;
	v17 =	vand.u32 $0xFFFFFFF0, v17  }
0x9e: {  	v16 =	vor.u32 v16, v17  }
0x9f: {  	v17 =	vperm.xlane v16, v2;
	_ =	sdelay $0x1  }
0xa0: {  	v16 =	vperm.xlane v16, v4;
	v17 =	vadd.s32 v3, v17;
	_ =	sdelay $0x1  }
0xa1: {  	v16 =	vadd.s32 v3, v16;
	_ =	sdelay $0x1  }
0xa2: {  	s24 =	simm.s32 $0x2300  }
0xa3: {  	[tilespmem:s24], [sflag:$0x3] =	stream.indirect_vreg.gather [hbm4b:s5+s7], $0x80, v17, vm0, $0xb8;
	[tilespmem:$0x1EB00] =	vst v63  }
0xa4: {  	s25 =	simm.s32 $0x2B00  }
0xa5: {  	[tilespmem:s25], [sflag:$0x3] =	stream.indirect_vreg.gather [hbm4b:s5+s7], $0x80, v16, vm0, $0xb8;
	[tilespmem:$0x1EB00] =	vst v63  }
0xa6: {  	v16 =	vld [tilespmem:$0x90];
	_ =	sdelay $0x4  }
0xa7: {  	v17 =	vshll.u32 v16, $0x1  }
0xa8: {  	v16 =	vand.u32 $0x7, v16;
	v17 =	vand.u32 $0xFFFFFFF0, v17  }
0xa9: {  	v16 =	vor.u32 v16, v17  }
0xaa: {  	v17 =	vperm.xlane v16, v2;
	_ =	sdelay $0x1  }
0xab: {  	v16 =	vperm.xlane v16, v4;
	v17 =	vadd.s32 v3, v17;
	_ =	sdelay $0x1  }
0xac: {  	v16 =	vadd.s32 v3, v16;
	_ =	sdelay $0x1  }
0xad: {  	s26 =	simm.s32 $0x3300  }
0xae: {  	[tilespmem:s26], [sflag:$0x3] =	stream.indirect_vreg.gather [hbm4b:s5+s7], $0x80, v17, vm0, $0xb8;
	[tilespmem:$0x1EB00] =	vst v63  }
0xaf: {  	s3 =	simm.s32 $0x0;
	s28 =	simm.s32 $0x3B00  }
0xb0: {  	[tilespmem:s28], [sflag:$0x3] =	stream.indirect_vreg.gather [hbm4b:s5+s7], $0x80, v16, vm0, $0xb8;
	[tilespmem:$0x1EB00] =	vst v63  }
.LBB2_4:
0xb1: {  	s24 =	sshll.u32 s3, $0x1  }
0xb2: {  	s9 =	sadd.s32 s24, s22  }
0xb3: {  	s9 =	sshll.u32 s9, $0x5  }
0xb4: {  	s9 =	sand.u32 $0x1FFFFFE0, s9  }
0xb5: {  	s9 =	sadd.s32 s6, s9  }
0xb6: {  	[tilespmem:s20], [sflag:$0x7] =	stream.linear.gather [hbm4b:s9+s7], $0x100, $0x38;
	[tilespmem:$0x1EB00] =	vst v63  }
0xb7: {  	_ =	swait.ge [sflag:s11], $0x100  }
0xb8: {  	[sflag:s11] =	ssyncset.done $0x0  }
0xb9: {  	[sflag:s11] =	ssyncadd.s32 $0xFFFFFF00  }
0xba: {  	[tilespmem:s21], [sflag:$0x2] =	stream.indirect.gather [hbm4b:s4+s12], $0x80, s20, s12, $0xb8;
	[tilespmem:$0x1EB00] =	vst v63  }
0xbb: {  	v16 =	vld [tilespmem:$0x180];
	_ =	sdelay $0x4  }
0xbc: {  	v17 =	vshll.u32 v16, $0x1  }
0xbd: {  	v16 =	vand.u32 $0x7, v16;
	v17 =	vand.u32 $0xFFFFFFF0, v17  }
0xbe: {  	v16 =	vor.u32 v16, v17  }
0xbf: {  	v17 =	vperm.xlane v16, v2;
	_ =	sdelay $0x1  }
0xc0: {  	v16 =	vperm.xlane v16, v4;
	v17 =	vadd.s32 v3, v17;
	_ =	sdelay $0x1  }
0xc1: {  	v16 =	vadd.s32 v3, v16;
	_ =	sdelay $0x1  }
0xc2: {  	s10 =	simm.s32 $0x4300  }
0xc3: {  	[tilespmem:s10], [sflag:$0x4] =	stream.indirect_vreg.gather [hbm4b:s5+s7], $0x80, v17, vm0, $0xb8;
	[tilespmem:$0x1EB00] =	vst v63  }
0xc4: {  	s13 =	simm.s32 $0x4B00  }
0xc5: {  	[tilespmem:s13], [sflag:$0x4] =	stream.indirect_vreg.gather [hbm4b:s5+s7], $0x80, v16, vm0, $0xb8;
	[tilespmem:$0x1EB00] =	vst v63  }
0xc6: {  	v16 =	vld [tilespmem:$0x190];
	_ =	sdelay $0x4  }
0xc7: {  	v17 =	vshll.u32 v16, $0x1  }
0xc8: {  	v16 =	vand.u32 $0x7, v16;
	v17 =	vand.u32 $0xFFFFFFF0, v17  }
0xc9: {  	v16 =	vor.u32 v16, v17  }
0xca: {  	v17 =	vperm.xlane v16, v2;
	_ =	sdelay $0x1  }
0xcb: {  	v16 =	vperm.xlane v16, v4;
	v17 =	vadd.s32 v3, v17;
	_ =	sdelay $0x1  }
0xcc: {  	v16 =	vadd.s32 v3, v16;
	_ =	sdelay $0x1  }
0xcd: {  	s14 =	simm.s32 $0x5300  }
0xce: {  	[tilespmem:s14], [sflag:$0x4] =	stream.indirect_vreg.gather [hbm4b:s5+s7], $0x80, v17, vm0, $0xb8;
	[tilespmem:$0x1EB00] =	vst v63  }
0xcf: {  	s16 =	simm.s32 $0x5B00  }
0xd0: {  	[tilespmem:s16], [sflag:$0x4] =	stream.indirect_vreg.gather [hbm4b:s5+s7], $0x80, v16, vm0, $0xb8;
	[tilespmem:$0x1EB00] =	vst v63  }
0xd1: {  	_ =	swait.ge [sflag:s29], $0x1000  }
0xd2: {  	[sflag:s29] =	ssyncset.done $0x0  }
0xd3: {  	[sflag:s29] =	ssyncadd.s32 $0xFFFFF000  }
0xd4: {  	_ =	swait.ge [sflag:s30], $0x2000  }
0xd5: {  	[sflag:s30] =	ssyncset.done $0x0  }
0xd6: {  	[sflag:s30] =	ssyncadd.s32 $0xFFFFE000  }
0xd7: {  	_ =	swait.ge [sflag:s31], $0x1000  }
0xd8: {  	[sflag:s31] =	ssyncset.done $0x0  }
0xd9: {  	[sflag:s31] =	ssyncadd.s32 $0xFFFFF000  }
0xda: {  	v16 =	vld [tilespmem:$0x0]  }
0xdb: {  	v17 =	vld [tilespmem:$0x10];
	_ =	sdelay $0x3  }
0xdc: {  	v16 =	vshrl.u32 v16, $0x3  }
0xdd: {  	v17 =	vshrl.u32 v17, $0x3;
	v16 =	vadd.s32 $0x2800, v16  }
0xde: {  	[tilespmem:$0x200] =	vst v16;
	v16 =	vadd.s32 $0x2800, v17  }
0xdf: {  	s25 =	simm.s32 $0x340;
	[tilespmem:$0x210] =	vst v16  }
0xe0: {  	v16 =	vld [tilespmem:s25+$0xFFFFFFF0]  }
0xe1: {  	v17 =	vld [tilespmem:s25+$0xFFFFFFE0]  }
0xe2: {  	v18 =	vld [tilespmem:s25+$0x0]  }
0xe3: {  	v19 =	vld [tilespmem:s25+$0x20]  }
0xe4: {  	v20 =	vld [tilespmem:s25+$0xFFFFFFD0]  }
0xe5: {  	s17 =	sand.u32 $0x1800, s7;
	s13 =	sand.u32 $0x380, s7;
	v21 =	vld [tilespmem:s25+$0xFFFFFFC0]  }
0xe6: {  	s26 =	sor.u32 s13, s17;
	v22 =	vld [tilespmem:s25+$0x10]  }
0xe7: {  	v23 =	vld [tilespmem:s26+$0x2350]  }
0xe8: {  	v24 =	vld [tilespmem:s26+$0x2310]  }
0xe9: {  	v25 =	vld [tilespmem:s26+$0x2300]  }
0xea: {  	v26 =	vld [tilespmem:s26+$0x2340]  }
0xeb: {  	v27 =	vld [tilespmem:s26+$0x2360]  }
0xec: {  	v28 =	vld [tilespmem:s25+$0x30]  }
0xed: {  	v29 =	vld [tilespmem:s26+$0x2330]  }
0xee: {  	v46 =	vld [tilespmem:s26+$0x2370]  }
0xef: {  	v47 =	vld [tilespmem:s26+$0x2320];
	_ =	sdelay $0x1  }
0xf0: {  	v22 =	vmul.f32 v23, v22;
	v21 =	vmul.f32 v25, v21  }
0xf1: {  	v18 =	vmul.f32 v26, v18;
	v20 =	vmul.f32 v24, v20  }
0xf2: {  	v19 =	vmul.f32 v27, v19;
	v16 =	vmul.f32 v29, v16  }
0xf3: {  	v23 =	vmul.f32 v46, v28;
	v17 =	vmul.f32 v47, v17  }
0xf4: {  	v30 =	vperm.xlane v22, v5;
	v48 =	vperm.xlane v21, v5  }
0xf5: {  	v26 =	vperm.xlane v18, v5;
	v49 =	vperm.xlane v20, v5  }
0xf6: {  	v50 =	vperm.xlane v19, v5;
	v51 =	vperm.xlane v23, v5  }
0xf7: {  	v52 =	vperm.xlane v16, v5;
	v22 =	vadd.f32 v30, v22;
	v21 =	vadd.f32 v48, v21  }
0xf8: {  	v53 =	vperm.xlane v17, v5;
	v18 =	vadd.f32 v26, v18;
	v20 =	vadd.f32 v49, v20  }
0xf9: {  	v19 =	vadd.f32 v50, v19;
	v23 =	vadd.f32 v51, v23  }
0xfa: {  	v17 =	vadd.f32 v53, v17;
	v16 =	vadd.f32 v52, v16  }
0xfb: {  	v20 =	vsel vm1, v21, v20;
	v18 =	vsel vm1, v18, v22;
	v19 =	vsel vm1, v19, v23  }
0xfc: {  	v16 =	vsel vm1, v17, v16;
	v21 =	vperm.xlane v20, v6;
	v22 =	vperm.xlane v18, v6  }
0xfd: {  	v17 =	vperm.xlane v19, v6;
	v54 =	vperm.xlane v16, v6  }
0xfe: {  	v20 =	vadd.f32 v21, v20;
	v18 =	vadd.f32 v22, v18  }
0xff: {  	v17 =	vadd.f32 v17, v19;
	v16 =	vadd.f32 v54, v16;
	_ =	sdelay $0x1  }
0x100: {  	v17 =	vsel vm2, v18, v17;
	v16 =	vsel vm2, v20, v16  }
0x101: {  	v18 =	vperm.xlane v17, v7;
	v19 =	vperm.xlane v16, v7;
	_ =	sdelay $0x1  }
0x102: {  	v17 =	vadd.f32 v18, v17;
	v16 =	vadd.f32 v19, v16;
	_ =	sdelay $0x1  }
0x103: {  	s18 =	sand.u32 $0x40, s7;
	v16 =	vsel vm3, v16, v17  }
0x104: {  	s9 =	sshrl.u32 s18, $0x2;
	v17 =	vperm.xlane v16, v8  }
0x105: {  	v18 =	vld [tilespmem:s9+$0x0]  }
0x106: {  	v16 =	vadd.f32 v16, v17;
	_ =	sdelay $0x1  }
0x107: {  	v16 =	vmul.f32 $2.500000000e-01, v16  }
0x108: {  	v17 =	vmov s7  }
0x109: {  	v17 =	vperm.xlane v18, v17;
	v16 =	vmul.f32 $1.442695020e+00, v16;
	_ =	sdelay $0x1  }
0x10a: {  	(erf) = vpow2.f32 v16;
	v16 =	vand.u32 $0x7, v17  }
0x10b: {  	v17 =	vcvt.s32.f32 v16;
	_ =	sdelay $0x1  }
0x10c: {  	v16 =	vadd.f32 $-4.000000000e+00, v17  }
0x10d: {  	v57 =	vadd.f32 $-1.000000000e+00, v17  }
0x10e: {  	v18 =	vadd.f32 $-6.000000000e+00, v17;
	v19 =	vadd.f32 $-3.000000000e+00, v17;
	v16 =	vand.u32 $0x7FFFFFFF, v16  }
0x10f: {  	v55 =	vadd.f32 $-5.000000000e+00, v17;
	v59 =	vsub.f32 $1.000000000e+00, v16;
	v16 =	vand.u32 $0x7FFFFFFF, v57  }
0x110: {  	v56 =	vadd.f32 $-7.000000000e+00, v17;
	v58 =	vadd.f32 $-2.000000000e+00, v17;
	v18 =	vand.u32 $0x7FFFFFFF, v18  }
0x111: {  	v17 =	vsub.f32 $1.000000000e+00, v17;
	v18 =	vsub.f32 $1.000000000e+00, v18  }
0x112: {  	v19 =	vand.u32 $0x7FFFFFFF, v19;
	v60 =	vand.u32 $0x7FFFFFFF, v58;
	v61 =	vsub.f32 $1.000000000e+00, v16;
	v16 =	vpop (erf)  }
0x113: {  	v20 =	vand.u32 $0x7FFFFFFF, v55;
	v18 =	vmax.f32 v18, $0.0e+00;
	v62 =	vnsel vm4, $0x0, v16  }
0x114: {  	v17 =	vmax.f32 v17, $0.0e+00;
	v23 =	vmax.f32 v61, $0.0e+00;
	v18 =	vmul.f32 v18, v62  }
0x115: {  	s19 =	simm.s32 $0x6340;
	v19 =	vsub.f32 $1.000000000e+00, v19;
	v20 =	vsub.f32 $1.000000000e+00, v20;
	v23 =	vmul.f32 v23, v62  }
0x116: {  	v22 =	vsub.f32 $1.000000000e+00, v60;
	v24 =	vmax.f32 v59, $0.0e+00;
	v17 =	vmul.f32 v17, v62;
	[tilespmem:s19+$0x20] =	vst v18  }
0x117: {  	v20 =	vmax.f32 v20, $0.0e+00;
	v63 =	vmul.f32 v24, v62;
	v18 =	vand.u32 $0x7FFFFFFF, v56;
	[tilespmem:s19+$0xFFFFFFD0] =	vst v23  }
0x118: {  	v22 =	vmax.f32 v22, $0.0e+00;
	v20 =	vmul.f32 v20, v62;
	[tilespmem:s19+$0xFFFFFFC0] =	vst v17;
	v18 =	vsub.f32 $1.000000000e+00, v18  }
0x119: {  	v17 =	vmax.f32 v19, $0.0e+00;
	v19 =	vmul.f32 v22, v62;
	[tilespmem:s19+$0x0] =	vst v63  }
0x11a: {  	[tilespmem:s19+$0x10] =	vst v20;
	v17 =	vmul.f32 v17, v62;
	v18 =	vmax.f32 v18, $0.0e+00  }
0x11b: {  	[tilespmem:s19+$0xFFFFFFE0] =	vst v19;
	v18 =	vmul.f32 v18, v62  }
0x11c: {  	[tilespmem:s19+$0xFFFFFFF0] =	vst v17  }
0x11d: {  	[tilespmem:s19+$0x30] =	vst v18  }
0x11e: {  	v17 =	vld [tilespmem:s26+$0x2700];
	_ =	sdelay $0x2  }
0x11f: {  	v18 =	vperm.xlane v16, v1;
	_ =	sdelay $0x1  }
0x120: {  	v17 =	vmul.f32 v17, v18;
	_ =	sdelay $0x1  }
0x121: {  	[tilespmem:s25+$0xFFFFFFC0] =	vst v17  }
0x122: {  	v17 =	vld [tilespmem:s26+$0x2710];
	_ =	sdelay $0x2  }
0x123: {  	v18 =	vperm.xlane v16, v9;
	_ =	sdelay $0x1  }
0x124: {  	v17 =	vmul.f32 v17, v18;
	_ =	sdelay $0x1  }
0x125: {  	[tilespmem:s25+$0xFFFFFFD0] =	vst v17  }
0x126: {  	v17 =	vld [tilespmem:s26+$0x2720];
	_ =	sdelay $0x2  }
0x127: {  	v18 =	vperm.xlane v16, v10;
	_ =	sdelay $0x1  }
0x128: {  	v17 =	vmul.f32 v17, v18;
	_ =	sdelay $0x1  }
0x129: {  	[tilespmem:s25+$0xFFFFFFE0] =	vst v17  }
0x12a: {  	v17 =	vld [tilespmem:s26+$0x2730];
	_ =	sdelay $0x2  }
0x12b: {  	v18 =	vperm.xlane v16, v11;
	_ =	sdelay $0x1  }
0x12c: {  	v17 =	vmul.f32 v17, v18;
	_ =	sdelay $0x1  }
0x12d: {  	s28 =	simm.s32 $0x1;
	s13 =	simm.s32 $0x3C0;
	s17 =	simm.s32 $0x0;
	[tilespmem:s25+$0xFFFFFFF0] =	vst v17  }
0x12e: {  	s14 =	simm.s32 $0x0;
	s16 =	simm.s32 $0x0;
	s9 =	simm.s32 $0x63C0;
	v17 =	vld [tilespmem:s26+$0x2740]  }
.LBB2_5:
0x12f: {  	s14 =	sadd.s32 $0x100, s14;
	s16 =	sadd.s32 $0x80, s16;
	s17 =	sadd.s32 $0x4, s17  }
0x130: {  	p0 =	sne.s32 s28, $0x1F;
	s18 =	smov.u32 s28;
	s28 =	sadd.s32 $0x1, s28  }
0x131: {  	v18 =	vperm.xlane v16, v12;
	_ =	sdelay $0x1  }
0x132: {  	v17 =	vmul.f32 v17, v18;
	_ =	sdelay $0x1  }
0x133: {  	[tilespmem:s25+$0x0] =	vst v17  }
0x134: {  	v17 =	vld [tilespmem:s26+$0x2750];
	_ =	sdelay $0x2  }
0x135: {  	v18 =	vperm.xlane v16, v13;
	_ =	sdelay $0x1  }
0x136: {  	v19 =	vld [tilespmem:s13+$0xFFFFFFF0];
	v17 =	vmul.f32 v17, v18;
	_ =	sdelay $0x1  }
0x137: {  	v18 =	vld [tilespmem:s13+$0xFFFFFFE0];
	[tilespmem:s25+$0x10] =	vst v17  }
0x138: {  	s19 =	sand.u32 $0x1800, s14;
	s10 =	sand.u32 $0x380, s16;
	v17 =	vld [tilespmem:s13+$0x0]  }
0x139: {  	s10 =	sor.u32 s10, s19;
	v20 =	vld [tilespmem:s26+$0x2760];
	_ =	sdelay $0x2  }
0x13a: {  	v21 =	vperm.xlane v16, v14;
	_ =	sdelay $0x1  }
0x13b: {  	v20 =	vmul.f32 v20, v21;
	_ =	sdelay $0x1  }
0x13c: {  	[tilespmem:s25+$0x20] =	vst v20  }
0x13d: {  	v20 =	vld [tilespmem:s26+$0x2770];
	s26 =	smov.u32 s10;
	_ =	sdelay $0x2  }
0x13e: {  	v16 =	vperm.xlane v16, v15  }
0x13f: {  	v21 =	vld [tilespmem:s13+$0x20]  }
0x140: {  	v22 =	vld [tilespmem:s13+$0xFFFFFFD0];
	v16 =	vmul.f32 v20, v16  }
0x141: {  	v20 =	vld [tilespmem:s13+$0xFFFFFFC0]  }
0x142: {  	v23 =	vld [tilespmem:s13+$0x10];
	[tilespmem:s25+$0x30] =	vst v16;
	s25 =	smov.u32 s13  }
0x143: {  	v16 =	vld [tilespmem:s26+$0x2350]  }
0x144: {  	v24 =	vld [tilespmem:s26+$0x2310]  }
0x145: {  	v25 =	vld [tilespmem:s26+$0x2300]  }
0x146: {  	v26 =	vld [tilespmem:s26+$0x2340]  }
0x147: {  	v27 =	vld [tilespmem:s26+$0x2360]  }
0x148: {  	v16 =	vmul.f32 v16, v23;
	v23 =	vld [tilespmem:s13+$0x30]  }
0x149: {  	v28 =	vld [tilespmem:s26+$0x2330]  }
0x14a: {  	v20 =	vmul.f32 v25, v20;
	v25 =	vld [tilespmem:s26+$0x2370];
	v29 =	vperm.xlane v16, v5  }
0x14b: {  	v30 =	vld [tilespmem:s26+$0x2320];
	v17 =	vmul.f32 v26, v17  }
0x14c: {  	v22 =	vmul.f32 v24, v22;
	v24 =	vperm.xlane v20, v5;
	v16 =	vadd.f32 v29, v16  }
0x14d: {  	v21 =	vmul.f32 v27, v21;
	v26 =	vperm.xlane v17, v5  }
0x14e: {  	v19 =	vmul.f32 v28, v19;
	v20 =	vadd.f32 v24, v20;
	v24 =	vperm.xlane v22, v5  }
0x14f: {  	v23 =	vmul.f32 v25, v23;
	v17 =	vadd.f32 v26, v17;
	v25 =	vperm.xlane v21, v5  }
0x150: {  	v18 =	vmul.f32 v30, v18;
	v22 =	vadd.f32 v24, v22  }
0x151: {  	v24 =	vperm.xlane v19, v5;
	v21 =	vadd.f32 v25, v21;
	v25 =	vperm.xlane v23, v5  }
0x152: {  	v16 =	vsel vm1, v17, v16;
	v20 =	vsel vm1, v20, v22;
	v22 =	vperm.xlane v18, v5  }
0x153: {  	v17 =	vadd.f32 v25, v23;
	v23 =	vperm.xlane v20, v6;
	v25 =	vperm.xlane v16, v6  }
0x154: {  	v19 =	vadd.f32 v24, v19;
	v18 =	vadd.f32 v22, v18  }
0x155: {  	v17 =	vsel vm1, v21, v17;
	v20 =	vadd.f32 v23, v20;
	v16 =	vadd.f32 v25, v16  }
0x156: {  	s10 =	sand.u32 $0x40, s17;
	v18 =	vsel vm1, v18, v19;
	v19 =	vperm.xlane v17, v6  }
0x157: {  	s10 =	sshrl.u32 s10, $0x2;
	v21 =	vperm.xlane v18, v6  }
0x158: {  	v17 =	vadd.f32 v19, v17;
	v19 =	vld [tilespmem:s10+$0x0]  }
0x159: {  	v18 =	vadd.f32 v21, v18  }
0x15a: {  	v16 =	vsel vm2, v16, v17  }
0x15b: {  	v17 =	vsel vm2, v20, v18;
	v18 =	vperm.xlane v16, v7  }
0x15c: {  	v21 =	vmov s18;
	v20 =	vperm.xlane v17, v7  }
0x15d: {  	v16 =	vadd.f32 v18, v16;
	v18 =	vperm.xlane v19, v21  }
0x15e: {  	v17 =	vadd.f32 v20, v17  }
0x15f: {  	v18 =	vand.u32 $0x7, v18  }
0x160: {  	v16 =	vsel vm3, v17, v16;
	v17 =	vcvt.s32.f32 v18  }
0x161: {  	v18 =	vperm.xlane v16, v8  }
0x162: {  	v19 =	vadd.f32 $-4.000000000e+00, v17;
	v20 =	vadd.f32 $-6.000000000e+00, v17  }
0x163: {  	v16 =	vadd.f32 v16, v18;
	v18 =	vadd.f32 $-3.000000000e+00, v17  }
0x164: {  	v21 =	vadd.f32 $-5.000000000e+00, v17;
	v22 =	vadd.f32 $-7.000000000e+00, v17;
	v19 =	vand.u32 $0x7FFFFFFF, v19  }
0x165: {  	v16 =	vmul.f32 $2.500000000e-01, v16;
	v18 =	vand.u32 $0x7FFFFFFF, v18;
	v19 =	vsub.f32 $1.000000000e+00, v19  }
0x166: {  	v23 =	vadd.f32 $-2.000000000e+00, v17;
	v22 =	vand.u32 $0x7FFFFFFF, v22;
	v18 =	vsub.f32 $1.000000000e+00, v18  }
0x167: {  	v24 =	vadd.f32 $-1.000000000e+00, v17;
	v16 =	vmul.f32 $1.442695020e+00, v16;
	v19 =	vmax.f32 v19, $0.0e+00  }
0x168: {  	v23 =	vand.u32 $0x7FFFFFFF, v23;
	v21 =	vand.u32 $0x7FFFFFFF, v21;
	v20 =	vand.u32 $0x7FFFFFFF, v20  }
0x169: {  	v20 =	vsub.f32 $1.000000000e+00, v20;
	v18 =	vmax.f32 v18, $0.0e+00;
	(erf) = vpow2.f32 v16  }
0x16a: {  	v23 =	vsub.f32 $1.000000000e+00, v23;
	v21 =	vsub.f32 $1.000000000e+00, v21;
	v16 =	vand.u32 $0x7FFFFFFF, v24  }
0x16b: {  	v17 =	vsub.f32 $1.000000000e+00, v17;
	v22 =	vsub.f32 $1.000000000e+00, v22;
	v20 =	vmax.f32 v20, $0.0e+00  }
0x16c: {  	v21 =	vmax.f32 v21, $0.0e+00;
	v24 =	vsub.f32 $1.000000000e+00, v16  }
0x16d: {  	v17 =	vmax.f32 v17, $0.0e+00;
	v22 =	vmax.f32 v22, $0.0e+00;
	_ =	sdelay $0x4  }
0x16e: {  	v16 =	vpop (erf)  }
0x16f: {  	v25 =	vnsel vm4, $0x0, v16  }
0x170: {  	v24 =	vmax.f32 v24, $0.0e+00;
	v20 =	vmul.f32 v20, v25;
	v22 =	vmul.f32 v22, v25  }
0x171: {  	v23 =	vmax.f32 v23, $0.0e+00;
	v17 =	vmul.f32 v17, v25;
	v24 =	vmul.f32 v24, v25  }
0x172: {  	v23 =	vmul.f32 v23, v25;
	v18 =	vmul.f32 v18, v25;
	[tilespmem:s9+$0x20] =	vst v20  }
0x173: {  	v19 =	vmul.f32 v19, v25;
	v20 =	vmul.f32 v21, v25;
	[tilespmem:s9+$0xFFFFFFD0] =	vst v24  }
0x174: {  	[tilespmem:s9+$0xFFFFFFC0] =	vst v17  }
0x175: {  	[tilespmem:s9+$0x0] =	vst v19  }
0x176: {  	[tilespmem:s9+$0x10] =	vst v20  }
0x177: {  	[tilespmem:s9+$0xFFFFFFE0] =	vst v23  }
0x178: {  	[tilespmem:s9+$0xFFFFFFF0] =	vst v18  }
0x179: {  	[tilespmem:s9+$0x30] =	vst v22  }
0x17a: {  	v17 =	vld [tilespmem:s26+$0x2700];
	_ =	sdelay $0x2  }
0x17b: {  	v18 =	vperm.xlane v16, v1;
	_ =	sdelay $0x1  }
0x17c: {  	v17 =	vmul.f32 v17, v18;
	_ =	sdelay $0x1  }
0x17d: {  	[tilespmem:s13+$0xFFFFFFC0] =	vst v17  }
0x17e: {  	v17 =	vld [tilespmem:s26+$0x2710];
	_ =	sdelay $0x2  }
0x17f: {  	v18 =	vperm.xlane v16, v9;
	_ =	sdelay $0x1  }
0x180: {  	v17 =	vmul.f32 v17, v18;
	_ =	sdelay $0x1  }
0x181: {  	[tilespmem:s13+$0xFFFFFFD0] =	vst v17  }
0x182: {  	v17 =	vld [tilespmem:s26+$0x2720];
	_ =	sdelay $0x2  }
0x183: {  	v18 =	vperm.xlane v16, v10;
	_ =	sdelay $0x1  }
0x184: {  	v17 =	vmul.f32 v17, v18;
	_ =	sdelay $0x1  }
0x185: {  	[tilespmem:s13+$0xFFFFFFE0] =	vst v17  }
0x186: {  	v17 =	vld [tilespmem:s26+$0x2730];
	_ =	sdelay $0x2  }
0x187: {  	v18 =	vperm.xlane v16, v11  }
.Ltmp1:
0x188: {  	(pc) =	sbr.rel @p0 .LBB2_5-.Ltmp1, $3  }
0x189: {  	v17 =	vmul.f32 v17, v18;
	_ =	sdelay $0x1  }
0x18a: {  	[tilespmem:s13+$0xFFFFFFF0] =	vst v17  }
0x18b: {  	s9 =	sadd.s32 $0x80, s9;
	s13 =	sadd.s32 $0x80, s13;
	v17 =	vld [tilespmem:s26+$0x2740]  }
0x18c: {  	_ =	sdelay $0x1  }
0x18d: {  	v18 =	vperm.xlane v16, v12;
	_ =	sdelay $0x1  }
0x18e: {  	v17 =	vmul.f32 v17, v18;
	_ =	sdelay $0x1  }
0x18f: {  	[tilespmem:s25+$0x0] =	vst v17  }
0x190: {  	v17 =	vld [tilespmem:s26+$0x2750];
	_ =	sdelay $0x2  }
0x191: {  	v18 =	vperm.xlane v16, v13;
	_ =	sdelay $0x1  }
0x192: {  	v17 =	vmul.f32 v17, v18;
	_ =	sdelay $0x1  }
0x193: {  	[tilespmem:s25+$0x10] =	vst v17  }
0x194: {  	v17 =	vld [tilespmem:s26+$0x2760];
	_ =	sdelay $0x2  }
0x195: {  	v18 =	vperm.xlane v16, v14;
	_ =	sdelay $0x1  }
0x196: {  	v17 =	vmul.f32 v17, v18;
	_ =	sdelay $0x1  }
0x197: {  	[tilespmem:s25+$0x20] =	vst v17  }
0x198: {  	v17 =	vld [tilespmem:s26+$0x2770];
	_ =	sdelay $0x2  }
0x199: {  	v16 =	vperm.xlane v16, v15;
	_ =	sdelay $0x1  }
0x19a: {  	v16 =	vmul.f32 v17, v16;
	_ =	sdelay $0x1  }
0x19b: {  	[tilespmem:s25+$0x30] =	vst v16;
	s25 =	simm.s32 $0x0  }
0x19c: {  	[spmem:s1] =	stream.indirect.scatter.add.f32 [tilespmem:s15], [sflag:$0x7], $0x80, s25, s12, $0xb8;
	[tilespmem:$0x1EB00] =	vst v63  }
0x19d: {  	_ =	swait.ge [sflag:s11], $0x1000  }
0x19e: {  	s9 =	simm.s32 $0x6300;
	[sflag:s11] =	ssyncset.done $0x0  }
0x19f: {  	s10 =	simm.s32 $0x200;
	s24 =	sadd.s32 s24, s23;
	[sflag:s11] =	ssyncadd.s32 $0xFFFFF000  }
0x1a0: {  	[spmem:s1] =	stream.indirect.scatter.add.f32 [tilespmem:s9], [sflag:$0x5], $0x80, s10, s12, $0xb8;
	[tilespmem:$0x1EB00] =	vst v63  }
0x1a1: {  	s9 =	sshll.u32 s24, $0x5  }
0x1a2: {  	s9 =	sand.u32 $0x1FFFFFC0, s9  }
0x1a3: {  	s9 =	sadd.s32 s6, s9  }
0x1a4: {  	[tilespmem:s25], [sflag:$0x7] =	stream.linear.gather [hbm4b:s9+s25], $0x100, $0x38;
	[tilespmem:$0x1EB00] =	vst v63  }
0x1a5: {  	_ =	swait.ge [sflag:s11], $0x100  }
0x1a6: {  	[sflag:s11] =	ssyncset.done $0x0  }
0x1a7: {  	[sflag:s11] =	ssyncadd.s32 $0xFFFFFF00  }
0x1a8: {  	[tilespmem:s15], [sflag:$0x1] =	stream.indirect.gather [hbm4b:s4+s12], $0x80, s25, s12, $0xb8;
	[tilespmem:$0x1EB00] =	vst v63  }
0x1a9: {  	v16 =	vld [tilespmem:$0x80];
	_ =	sdelay $0x4  }
0x1aa: {  	v17 =	vshll.u32 v16, $0x1  }
0x1ab: {  	v16 =	vand.u32 $0x7, v16;
	v17 =	vand.u32 $0xFFFFFFF0, v17  }
0x1ac: {  	v16 =	vor.u32 v16, v17  }
0x1ad: {  	v17 =	vperm.xlane v16, v2;
	_ =	sdelay $0x1  }
0x1ae: {  	v16 =	vperm.xlane v16, v4;
	v17 =	vadd.s32 v3, v17;
	_ =	sdelay $0x1  }
0x1af: {  	v16 =	vadd.s32 v3, v16;
	_ =	sdelay $0x1  }
0x1b0: {  	s26 =	simm.s32 $0x2300  }
0x1b1: {  	[tilespmem:s26], [sflag:$0x3] =	stream.indirect_vreg.gather [hbm4b:s5+s25], $0x80, v17, vm0, $0xb8;
	[tilespmem:$0x1EB00] =	vst v63  }
0x1b2: {  	s10 =	simm.s32 $0x2B00  }
0x1b3: {  	[tilespmem:s10], [sflag:$0x3] =	stream.indirect_vreg.gather [hbm4b:s5+s25], $0x80, v16, vm0, $0xb8;
	[tilespmem:$0x1EB00] =	vst v63  }
0x1b4: {  	v16 =	vld [tilespmem:$0x90];
	_ =	sdelay $0x4  }
0x1b5: {  	v17 =	vshll.u32 v16, $0x1  }
0x1b6: {  	v16 =	vand.u32 $0x7, v16;
	v17 =	vand.u32 $0xFFFFFFF0, v17  }
0x1b7: {  	v16 =	vor.u32 v16, v17  }
0x1b8: {  	v17 =	vperm.xlane v16, v2;
	_ =	sdelay $0x1  }
0x1b9: {  	v16 =	vperm.xlane v16, v4;
	v17 =	vadd.s32 v3, v17;
	_ =	sdelay $0x1  }
0x1ba: {  	v16 =	vadd.s32 v3, v16;
	_ =	sdelay $0x1  }
0x1bb: {  	s13 =	simm.s32 $0x3300  }
0x1bc: {  	[tilespmem:s13], [sflag:$0x3] =	stream.indirect_vreg.gather [hbm4b:s5+s25], $0x80, v17, vm0, $0xb8;
	[tilespmem:$0x1EB00] =	vst v63  }
0x1bd: {  	s14 =	simm.s32 $0x3B00  }
0x1be: {  	[tilespmem:s14], [sflag:$0x3] =	stream.indirect_vreg.gather [hbm4b:s5+s25], $0x80, v16, vm0, $0xb8;
	[tilespmem:$0x1EB00] =	vst v63  }
0x1bf: {  	_ =	swait.ge [sflag:s0], $0x1000  }
0x1c0: {  	[sflag:s0] =	ssyncset.done $0x0  }
0x1c1: {  	[sflag:s0] =	ssyncadd.s32 $0xFFFFF000  }
0x1c2: {  	_ =	swait.ge [sflag:s2], $0x2000  }
0x1c3: {  	[sflag:s2] =	ssyncset.done $0x0  }
0x1c4: {  	[sflag:s2] =	ssyncadd.s32 $0xFFFFE000  }
0x1c5: {  	_ =	swait.ge [sflag:s8], $0x1000  }
0x1c6: {  	[sflag:s8] =	ssyncset.done $0x0  }
0x1c7: {  	[sflag:s8] =	ssyncadd.s32 $0xFFFFF000  }
0x1c8: {  	v16 =	vld [tilespmem:$0x100]  }
0x1c9: {  	v17 =	vld [tilespmem:$0x110];
	_ =	sdelay $0x3  }
0x1ca: {  	v16 =	vshrl.u32 v16, $0x3  }
0x1cb: {  	v17 =	vshrl.u32 v17, $0x3;
	v16 =	vadd.s32 $0x2800, v16  }
0x1cc: {  	[tilespmem:$0x280] =	vst v16;
	v16 =	vadd.s32 $0x2800, v17  }
0x1cd: {  	s24 =	simm.s32 $0x1340;
	[tilespmem:$0x290] =	vst v16  }
0x1ce: {  	v16 =	vld [tilespmem:s24+$0xFFFFFFF0]  }
0x1cf: {  	v17 =	vld [tilespmem:s24+$0xFFFFFFE0]  }
0x1d0: {  	v18 =	vld [tilespmem:s24+$0x0]  }
0x1d1: {  	v19 =	vld [tilespmem:s24+$0x20]  }
0x1d2: {  	v20 =	vld [tilespmem:s24+$0xFFFFFFD0]  }
0x1d3: {  	s16 =	sand.u32 $0x1800, s25;
	s17 =	sand.u32 $0x380, s25;
	v21 =	vld [tilespmem:s24+$0xFFFFFFC0]  }
0x1d4: {  	s26 =	sor.u32 s17, s16;
	v22 =	vld [tilespmem:s24+$0x10]  }
0x1d5: {  	v23 =	vld [tilespmem:s26+$0x4350]  }
0x1d6: {  	v24 =	vld [tilespmem:s26+$0x4310]  }
0x1d7: {  	v25 =	vld [tilespmem:s26+$0x4300]  }
0x1d8: {  	v26 =	vld [tilespmem:s26+$0x4340]  }
0x1d9: {  	v27 =	vld [tilespmem:s26+$0x4360]  }
0x1da: {  	v28 =	vld [tilespmem:s24+$0x30]  }
0x1db: {  	v29 =	vld [tilespmem:s26+$0x4330]  }
0x1dc: {  	v46 =	vld [tilespmem:s26+$0x4370]  }
0x1dd: {  	v47 =	vld [tilespmem:s26+$0x4320];
	_ =	sdelay $0x1  }
0x1de: {  	v22 =	vmul.f32 v23, v22;
	v21 =	vmul.f32 v25, v21  }
0x1df: {  	v18 =	vmul.f32 v26, v18;
	v20 =	vmul.f32 v24, v20  }
0x1e0: {  	v19 =	vmul.f32 v27, v19;
	v16 =	vmul.f32 v29, v16  }
0x1e1: {  	v23 =	vmul.f32 v46, v28;
	v17 =	vmul.f32 v47, v17  }
0x1e2: {  	v30 =	vperm.xlane v22, v5;
	v48 =	vperm.xlane v21, v5  }
0x1e3: {  	v26 =	vperm.xlane v18, v5;
	v49 =	vperm.xlane v20, v5  }
0x1e4: {  	v50 =	vperm.xlane v19, v5;
	v51 =	vperm.xlane v23, v5  }
0x1e5: {  	v52 =	vperm.xlane v16, v5;
	v22 =	vadd.f32 v30, v22;
	v21 =	vadd.f32 v48, v21  }
0x1e6: {  	v53 =	vperm.xlane v17, v5;
	v18 =	vadd.f32 v26, v18;
	v20 =	vadd.f32 v49, v20  }
0x1e7: {  	v19 =	vadd.f32 v50, v19;
	v23 =	vadd.f32 v51, v23  }
0x1e8: {  	v17 =	vadd.f32 v53, v17;
	v16 =	vadd.f32 v52, v16  }
0x1e9: {  	v20 =	vsel vm1, v21, v20;
	v18 =	vsel vm1, v18, v22;
	v19 =	vsel vm1, v19, v23  }
0x1ea: {  	v16 =	vsel vm1, v17, v16;
	v21 =	vperm.xlane v20, v6;
	v22 =	vperm.xlane v18, v6  }
0x1eb: {  	v17 =	vperm.xlane v19, v6;
	v54 =	vperm.xlane v16, v6  }
0x1ec: {  	v20 =	vadd.f32 v21, v20;
	v18 =	vadd.f32 v22, v18  }
0x1ed: {  	v17 =	vadd.f32 v17, v19;
	v16 =	vadd.f32 v54, v16;
	_ =	sdelay $0x1  }
0x1ee: {  	v17 =	vsel vm2, v18, v17;
	v16 =	vsel vm2, v20, v16  }
0x1ef: {  	v18 =	vperm.xlane v17, v7;
	v19 =	vperm.xlane v16, v7;
	_ =	sdelay $0x1  }
0x1f0: {  	v17 =	vadd.f32 v18, v17;
	v16 =	vadd.f32 v19, v16;
	_ =	sdelay $0x1  }
0x1f1: {  	s18 =	sand.u32 $0x40, s25;
	v16 =	vsel vm3, v16, v17  }
0x1f2: {  	s9 =	sshrl.u32 s18, $0x2;
	v17 =	vperm.xlane v16, v8  }
0x1f3: {  	v18 =	vld [tilespmem:s9+$0x100]  }
0x1f4: {  	v16 =	vadd.f32 v16, v17;
	_ =	sdelay $0x1  }
0x1f5: {  	v16 =	vmul.f32 $2.500000000e-01, v16  }
0x1f6: {  	v17 =	vmov s25  }
0x1f7: {  	v17 =	vperm.xlane v18, v17;
	v16 =	vmul.f32 $1.442695020e+00, v16;
	_ =	sdelay $0x1  }
0x1f8: {  	(erf) = vpow2.f32 v16;
	v16 =	vand.u32 $0x7, v17  }
0x1f9: {  	v17 =	vcvt.s32.f32 v16;
	_ =	sdelay $0x1  }
0x1fa: {  	v16 =	vadd.f32 $-4.000000000e+00, v17  }
0x1fb: {  	v57 =	vadd.f32 $-1.000000000e+00, v17  }
0x1fc: {  	v18 =	vadd.f32 $-6.000000000e+00, v17;
	v19 =	vadd.f32 $-3.000000000e+00, v17;
	v16 =	vand.u32 $0x7FFFFFFF, v16  }
0x1fd: {  	v55 =	vadd.f32 $-5.000000000e+00, v17;
	v59 =	vsub.f32 $1.000000000e+00, v16;
	v16 =	vand.u32 $0x7FFFFFFF, v57  }
0x1fe: {  	v56 =	vadd.f32 $-7.000000000e+00, v17;
	v58 =	vadd.f32 $-2.000000000e+00, v17;
	v18 =	vand.u32 $0x7FFFFFFF, v18  }
0x1ff: {  	v17 =	vsub.f32 $1.000000000e+00, v17;
	v18 =	vsub.f32 $1.000000000e+00, v18  }
0x200: {  	v19 =	vand.u32 $0x7FFFFFFF, v19;
	v60 =	vand.u32 $0x7FFFFFFF, v58;
	v61 =	vsub.f32 $1.000000000e+00, v16;
	v16 =	vpop (erf)  }
0x201: {  	v20 =	vand.u32 $0x7FFFFFFF, v55;
	v18 =	vmax.f32 v18, $0.0e+00;
	v62 =	vnsel vm4, $0x0, v16  }
0x202: {  	v17 =	vmax.f32 v17, $0.0e+00;
	v23 =	vmax.f32 v61, $0.0e+00;
	v18 =	vmul.f32 v18, v62  }
0x203: {  	s19 =	simm.s32 $0x7340;
	v19 =	vsub.f32 $1.000000000e+00, v19;
	v20 =	vsub.f32 $1.000000000e+00, v20;
	v23 =	vmul.f32 v23, v62  }
0x204: {  	v22 =	vsub.f32 $1.000000000e+00, v60;
	v24 =	vmax.f32 v59, $0.0e+00;
	v17 =	vmul.f32 v17, v62;
	[tilespmem:s19+$0x20] =	vst v18  }
0x205: {  	v20 =	vmax.f32 v20, $0.0e+00;
	v63 =	vmul.f32 v24, v62;
	v18 =	vand.u32 $0x7FFFFFFF, v56;
	[tilespmem:s19+$0xFFFFFFD0] =	vst v23  }
0x206: {  	v22 =	vmax.f32 v22, $0.0e+00;
	v20 =	vmul.f32 v20, v62;
	[tilespmem:s19+$0xFFFFFFC0] =	vst v17;
	v18 =	vsub.f32 $1.000000000e+00, v18  }
0x207: {  	v17 =	vmax.f32 v19, $0.0e+00;
	v19 =	vmul.f32 v22, v62;
	[tilespmem:s19+$0x0] =	vst v63  }
0x208: {  	[tilespmem:s19+$0x10] =	vst v20;
	v17 =	vmul.f32 v17, v62;
	v18 =	vmax.f32 v18, $0.0e+00  }
0x209: {  	[tilespmem:s19+$0xFFFFFFE0] =	vst v19;
	v18 =	vmul.f32 v18, v62  }
0x20a: {  	[tilespmem:s19+$0xFFFFFFF0] =	vst v17  }
0x20b: {  	[tilespmem:s19+$0x30] =	vst v18  }
0x20c: {  	v17 =	vld [tilespmem:s26+$0x4700];
	_ =	sdelay $0x2  }
0x20d: {  	v18 =	vperm.xlane v16, v1;
	_ =	sdelay $0x1  }
0x20e: {  	v17 =	vmul.f32 v17, v18;
	_ =	sdelay $0x1  }
0x20f: {  	[tilespmem:s24+$0xFFFFFFC0] =	vst v17  }
0x210: {  	v17 =	vld [tilespmem:s26+$0x4710];
	_ =	sdelay $0x2  }
0x211: {  	v18 =	vperm.xlane v16, v9;
	_ =	sdelay $0x1  }
0x212: {  	v17 =	vmul.f32 v17, v18;
	_ =	sdelay $0x1  }
0x213: {  	[tilespmem:s24+$0xFFFFFFD0] =	vst v17  }
0x214: {  	v17 =	vld [tilespmem:s26+$0x4720];
	_ =	sdelay $0x2  }
0x215: {  	v18 =	vperm.xlane v16, v10;
	_ =	sdelay $0x1  }
0x216: {  	v17 =	vmul.f32 v17, v18;
	_ =	sdelay $0x1  }
0x217: {  	[tilespmem:s24+$0xFFFFFFE0] =	vst v17  }
0x218: {  	v17 =	vld [tilespmem:s26+$0x4730];
	_ =	sdelay $0x2  }
0x219: {  	v18 =	vperm.xlane v16, v11;
	_ =	sdelay $0x1  }
0x21a: {  	v17 =	vmul.f32 v17, v18;
	_ =	sdelay $0x1  }
0x21b: {  	s28 =	simm.s32 $0x1;
	s16 =	simm.s32 $0x0;
	[tilespmem:s24+$0xFFFFFFF0] =	vst v17  }
0x21c: {  	s13 =	simm.s32 $0x13C0;
	s14 =	simm.s32 $0x0;
	s9 =	simm.s32 $0x73C0;
	v17 =	vld [tilespmem:s26+$0x4740]  }
.LBB2_7:
0x21d: {  	s25 =	sadd.s32 $0x100, s25;
	s14 =	sadd.s32 $0x80, s14;
	s16 =	sadd.s32 $0x4, s16  }
0x21e: {  	p0 =	sne.s32 s28, $0x1F;
	s17 =	smov.u32 s28;
	s28 =	sadd.s32 $0x1, s28  }
0x21f: {  	v18 =	vperm.xlane v16, v12;
	_ =	sdelay $0x1  }
0x220: {  	v17 =	vmul.f32 v17, v18;
	_ =	sdelay $0x1  }
0x221: {  	[tilespmem:s24+$0x0] =	vst v17  }
0x222: {  	v17 =	vld [tilespmem:s26+$0x4750];
	_ =	sdelay $0x2  }
0x223: {  	v18 =	vperm.xlane v16, v13;
	_ =	sdelay $0x1  }
0x224: {  	v19 =	vld [tilespmem:s13+$0xFFFFFFF0];
	v17 =	vmul.f32 v17, v18;
	_ =	sdelay $0x1  }
0x225: {  	v18 =	vld [tilespmem:s13+$0xFFFFFFE0];
	[tilespmem:s24+$0x10] =	vst v17  }
0x226: {  	s10 =	sand.u32 $0x1800, s25;
	s18 =	sand.u32 $0x380, s14;
	v17 =	vld [tilespmem:s13+$0x0]  }
0x227: {  	s10 =	sor.u32 s18, s10;
	v20 =	vld [tilespmem:s26+$0x4760];
	_ =	sdelay $0x2  }
0x228: {  	v21 =	vperm.xlane v16, v14;
	_ =	sdelay $0x1  }
0x229: {  	v20 =	vmul.f32 v20, v21;
	_ =	sdelay $0x1  }
0x22a: {  	[tilespmem:s24+$0x20] =	vst v20  }
0x22b: {  	v20 =	vld [tilespmem:s26+$0x4770];
	s26 =	smov.u32 s10;
	_ =	sdelay $0x2  }
0x22c: {  	v16 =	vperm.xlane v16, v15  }
0x22d: {  	v21 =	vld [tilespmem:s13+$0x20]  }
0x22e: {  	v22 =	vld [tilespmem:s13+$0xFFFFFFD0];
	v16 =	vmul.f32 v20, v16  }
0x22f: {  	v20 =	vld [tilespmem:s13+$0xFFFFFFC0]  }
0x230: {  	v23 =	vld [tilespmem:s13+$0x10];
	[tilespmem:s24+$0x30] =	vst v16;
	s24 =	smov.u32 s13  }
0x231: {  	v16 =	vld [tilespmem:s26+$0x4350]  }
0x232: {  	v24 =	vld [tilespmem:s26+$0x4310]  }
0x233: {  	v25 =	vld [tilespmem:s26+$0x4300]  }
0x234: {  	v26 =	vld [tilespmem:s26+$0x4340]  }
0x235: {  	v27 =	vld [tilespmem:s26+$0x4360]  }
0x236: {  	v16 =	vmul.f32 v16, v23;
	v23 =	vld [tilespmem:s13+$0x30]  }
0x237: {  	v28 =	vld [tilespmem:s26+$0x4330]  }
0x238: {  	v20 =	vmul.f32 v25, v20;
	v25 =	vld [tilespmem:s26+$0x4370];
	v29 =	vperm.xlane v16, v5  }
0x239: {  	v30 =	vld [tilespmem:s26+$0x4320];
	v17 =	vmul.f32 v26, v17  }
0x23a: {  	v22 =	vmul.f32 v24, v22;
	v24 =	vperm.xlane v20, v5;
	v16 =	vadd.f32 v29, v16  }
0x23b: {  	v21 =	vmul.f32 v27, v21;
	v26 =	vperm.xlane v17, v5  }
0x23c: {  	v19 =	vmul.f32 v28, v19;
	v20 =	vadd.f32 v24, v20;
	v24 =	vperm.xlane v22, v5  }
0x23d: {  	v23 =	vmul.f32 v25, v23;
	v17 =	vadd.f32 v26, v17;
	v25 =	vperm.xlane v21, v5  }
0x23e: {  	v18 =	vmul.f32 v30, v18;
	v22 =	vadd.f32 v24, v22  }
0x23f: {  	v24 =	vperm.xlane v19, v5;
	v21 =	vadd.f32 v25, v21;
	v25 =	vperm.xlane v23, v5  }
0x240: {  	v16 =	vsel vm1, v17, v16;
	v20 =	vsel vm1, v20, v22;
	v22 =	vperm.xlane v18, v5  }
0x241: {  	v17 =	vadd.f32 v25, v23;
	v23 =	vperm.xlane v20, v6;
	v25 =	vperm.xlane v16, v6  }
0x242: {  	v19 =	vadd.f32 v24, v19;
	v18 =	vadd.f32 v22, v18  }
0x243: {  	v17 =	vsel vm1, v21, v17;
	v20 =	vadd.f32 v23, v20;
	v16 =	vadd.f32 v25, v16  }
0x244: {  	s10 =	sand.u32 $0x40, s16;
	v18 =	vsel vm1, v18, v19;
	v19 =	vperm.xlane v17, v6  }
0x245: {  	s10 =	sshrl.u32 s10, $0x2;
	v21 =	vperm.xlane v18, v6  }
0x246: {  	v17 =	vadd.f32 v19, v17;
	v19 =	vld [tilespmem:s10+$0x100]  }
0x247: {  	v18 =	vadd.f32 v21, v18  }
0x248: {  	v16 =	vsel vm2, v16, v17  }
0x249: {  	v17 =	vsel vm2, v20, v18;
	v18 =	vperm.xlane v16, v7  }
0x24a: {  	v21 =	vmov s17;
	v20 =	vperm.xlane v17, v7  }
0x24b: {  	v16 =	vadd.f32 v18, v16;
	v18 =	vperm.xlane v19, v21  }
0x24c: {  	v17 =	vadd.f32 v20, v17  }
0x24d: {  	v18 =	vand.u32 $0x7, v18  }
0x24e: {  	v16 =	vsel vm3, v17, v16;
	v17 =	vcvt.s32.f32 v18  }
0x24f: {  	v18 =	vperm.xlane v16, v8  }
0x250: {  	v19 =	vadd.f32 $-4.000000000e+00, v17;
	v20 =	vadd.f32 $-6.000000000e+00, v17  }
0x251: {  	v16 =	vadd.f32 v16, v18;
	v18 =	vadd.f32 $-3.000000000e+00, v17  }
0x252: {  	v21 =	vadd.f32 $-5.000000000e+00, v17;
	v22 =	vadd.f32 $-7.000000000e+00, v17;
	v19 =	vand.u32 $0x7FFFFFFF, v19  }
0x253: {  	v16 =	vmul.f32 $2.500000000e-01, v16;
	v18 =	vand.u32 $0x7FFFFFFF, v18;
	v19 =	vsub.f32 $1.000000000e+00, v19  }
0x254: {  	v23 =	vadd.f32 $-2.000000000e+00, v17;
	v22 =	vand.u32 $0x7FFFFFFF, v22;
	v18 =	vsub.f32 $1.000000000e+00, v18  }
0x255: {  	v24 =	vadd.f32 $-1.000000000e+00, v17;
	v16 =	vmul.f32 $1.442695020e+00, v16;
	v19 =	vmax.f32 v19, $0.0e+00  }
0x256: {  	v23 =	vand.u32 $0x7FFFFFFF, v23;
	v21 =	vand.u32 $0x7FFFFFFF, v21;
	v20 =	vand.u32 $0x7FFFFFFF, v20  }
0x257: {  	v20 =	vsub.f32 $1.000000000e+00, v20;
	v18 =	vmax.f32 v18, $0.0e+00;
	(erf) = vpow2.f32 v16  }
0x258: {  	v23 =	vsub.f32 $1.000000000e+00, v23;
	v21 =	vsub.f32 $1.000000000e+00, v21;
	v16 =	vand.u32 $0x7FFFFFFF, v24  }
0x259: {  	v17 =	vsub.f32 $1.000000000e+00, v17;
	v22 =	vsub.f32 $1.000000000e+00, v22;
	v20 =	vmax.f32 v20, $0.0e+00  }
0x25a: {  	v21 =	vmax.f32 v21, $0.0e+00;
	v24 =	vsub.f32 $1.000000000e+00, v16  }
0x25b: {  	v17 =	vmax.f32 v17, $0.0e+00;
	v22 =	vmax.f32 v22, $0.0e+00;
	_ =	sdelay $0x4  }
0x25c: {  	v16 =	vpop (erf)  }
0x25d: {  	v25 =	vnsel vm4, $0x0, v16  }
0x25e: {  	v24 =	vmax.f32 v24, $0.0e+00;
	v20 =	vmul.f32 v20, v25;
	v22 =	vmul.f32 v22, v25  }
0x25f: {  	v23 =	vmax.f32 v23, $0.0e+00;
	v17 =	vmul.f32 v17, v25;
	v24 =	vmul.f32 v24, v25  }
0x260: {  	v23 =	vmul.f32 v23, v25;
	v18 =	vmul.f32 v18, v25;
	[tilespmem:s9+$0x20] =	vst v20  }
0x261: {  	v19 =	vmul.f32 v19, v25;
	v20 =	vmul.f32 v21, v25;
	[tilespmem:s9+$0xFFFFFFD0] =	vst v24  }
0x262: {  	[tilespmem:s9+$0xFFFFFFC0] =	vst v17  }
0x263: {  	[tilespmem:s9+$0x0] =	vst v19  }
0x264: {  	[tilespmem:s9+$0x10] =	vst v20  }
0x265: {  	[tilespmem:s9+$0xFFFFFFE0] =	vst v23  }
0x266: {  	[tilespmem:s9+$0xFFFFFFF0] =	vst v18  }
0x267: {  	[tilespmem:s9+$0x30] =	vst v22  }
0x268: {  	v17 =	vld [tilespmem:s26+$0x4700];
	_ =	sdelay $0x2  }
0x269: {  	v18 =	vperm.xlane v16, v1;
	_ =	sdelay $0x1  }
0x26a: {  	v17 =	vmul.f32 v17, v18;
	_ =	sdelay $0x1  }
0x26b: {  	[tilespmem:s13+$0xFFFFFFC0] =	vst v17  }
0x26c: {  	v17 =	vld [tilespmem:s26+$0x4710];
	_ =	sdelay $0x2  }
0x26d: {  	v18 =	vperm.xlane v16, v9;
	_ =	sdelay $0x1  }
0x26e: {  	v17 =	vmul.f32 v17, v18;
	_ =	sdelay $0x1  }
0x26f: {  	[tilespmem:s13+$0xFFFFFFD0] =	vst v17  }
0x270: {  	v17 =	vld [tilespmem:s26+$0x4720];
	_ =	sdelay $0x2  }
0x271: {  	v18 =	vperm.xlane v16, v10;
	_ =	sdelay $0x1  }
0x272: {  	v17 =	vmul.f32 v17, v18;
	_ =	sdelay $0x1  }
0x273: {  	[tilespmem:s13+$0xFFFFFFE0] =	vst v17  }
0x274: {  	v17 =	vld [tilespmem:s26+$0x4730];
	_ =	sdelay $0x2  }
0x275: {  	v18 =	vperm.xlane v16, v11  }
.Ltmp2:
0x276: {  	(pc) =	sbr.rel @p0 .LBB2_7-.Ltmp2, $3  }
0x277: {  	v17 =	vmul.f32 v17, v18;
	_ =	sdelay $0x1  }
0x278: {  	[tilespmem:s13+$0xFFFFFFF0] =	vst v17  }
0x279: {  	s9 =	sadd.s32 $0x80, s9;
	s13 =	sadd.s32 $0x80, s13;
	v17 =	vld [tilespmem:s26+$0x4740]  }
0x27a: {  	_ =	sdelay $0x1  }
0x27b: {  	v18 =	vperm.xlane v16, v12;
	_ =	sdelay $0x1  }
0x27c: {  	v17 =	vmul.f32 v17, v18;
	_ =	sdelay $0x1  }
0x27d: {  	[tilespmem:s24+$0x0] =	vst v17  }
0x27e: {  	v17 =	vld [tilespmem:s26+$0x4750];
	_ =	sdelay $0x2  }
0x27f: {  	v62 =	vperm.xlane v16, v13;
	_ =	sdelay $0x1  }
0x280: {  	v17 =	vmul.f32 v17, v62;
	_ =	sdelay $0x1  }
0x281: {  	[tilespmem:s24+$0x10] =	vst v17  }
0x282: {  	v17 =	vld [tilespmem:s26+$0x4760];
	_ =	sdelay $0x2  }
0x283: {  	v63 =	vperm.xlane v16, v14;
	_ =	sdelay $0x1  }
0x284: {  	v17 =	vmul.f32 v17, v63;
	_ =	sdelay $0x1  }
0x285: {  	[tilespmem:s24+$0x20] =	vst v17  }
0x286: {  	v17 =	vld [tilespmem:s26+$0x4770];
	_ =	sdelay $0x2  }
0x287: {  	v16 =	vperm.xlane v16, v15;
	_ =	sdelay $0x1  }
0x288: {  	v16 =	vmul.f32 v17, v16  }
0x289: {  	s3 =	sadd.s32 $0x1, s3  }
0x28a: {  	p0 =	sne.s32 s3, $0xA0;
	[tilespmem:s24+$0x30] =	vst v16  }
0x28b: {  	[spmem:s1] =	stream.indirect.scatter.add.f32 [tilespmem:s21], [sflag:$0x7], $0x80, s20, s12, $0xb8;
	[tilespmem:$0x1EB00] =	vst v63  }
.Ltmp3:
0x28c: {  	_ = 	snop;
	(pc) =	sbr.rel @p0 .LBB2_4-.Ltmp3, $4  }
0x28d: {  	_ =	swait.ge [sflag:s11], $0x1000  }
0x28e: {  	[sflag:s11] =	ssyncset.done $0x0  }
0x28f: {  	s9 =	simm.s32 $0x280;
	s10 =	simm.s32 $0x7300;
	[sflag:s11] =	ssyncadd.s32 $0xFFFFF000  }
0x290: {  	[spmem:s1] =	stream.indirect.scatter.add.f32 [tilespmem:s10], [sflag:$0x6], $0x80, s9, s12, $0xb8;
	[tilespmem:$0x1EB00] =	vst v63  }
0x291: {  	_ =	swait.ge [sflag:s29], $0x1000  }
0x292: {  	[sflag:s29] =	ssyncset.done $0x0  }
0x293: {  	[sflag:s29] =	ssyncadd.s32 $0xFFFFF000  }
0x294: {  	_ =	swait.ge [sflag:s30], $0x2000  }
0x295: {  	[sflag:s30] =	ssyncset.done $0x0  }
0x296: {  	[sflag:s30] =	ssyncadd.s32 $0xFFFFE000  }
0x297: {  	_ =	swait.ge [sflag:s31], $0x1000  }
0x298: {  	[sflag:s31] =	ssyncset.done $0x0  }
0x299: {  	[sflag:s31] =	ssyncadd.s32 $0xFFFFF000  }
0x29a: {  	_ =	swait.ge [sflag:s8], $0x1000  }
0x29b: {  	[sflag:s8] =	ssyncset.done $0x0  }
0x29c: {  	[sflag:s8] =	ssyncadd.s32 $0xFFFFF000  }
0x29d: {  	s3 =	stileid.u32;
	[bflag:$0x0] =	sbarrier.arrive $0xFFFF  }
0x29e: {  	s3 =	sshll.u32 s3, $0x6;
	s9 =	rddreg [dreg:$0x4]  }
0x29f: {  	s3 =	sor.u32 $0x1C07, s3;
	s10 =	rddreg [dreg:$0x13];
	s7 =	sshrl.u32 s9, $0x3  }
0x2a0: {  	[hbm:s10], [sflag:s3] =	dma.local [spmem:s7], $0x2D00  }
0x2a1: {  	_ =	swait.ge [sflag:s11], $0x2D00  }
0x2a2: {  	s13 =	rddreg [dreg:$0x3]  }
0x2a3: {  	s28 =	rddreg [dreg:$0x14];
	s13 =	sadd.s32 $0x1, s13  }
0x2a4: {  	p0 =	sne.s32 s13, s28  }
.Ltmp4:
0x2a5: {  	_ = 	snop;
	(pc) =	sbr.rel @p0 .LBB2_1-.Ltmp4, $3  }
0x2a6: {  	_ =	sdelay $0x1  }
0x2a7: {  	[sflag:s11] =	ssyncset.done $0x0  }
0x2a8: {  	[sflag:s11] =	ssyncadd.s32 $0xFFFFD300  }
0x2a9: {  	_ =	sfence.sel $0x180000  }
0x2aa: {  	[bflag:$0x0] =	sbarrier.arrive $0xFFFF  }
0x2ab: {  	_ =	strace $0x90000047  }
0x2ac: {  	s0 =	stileid.u32;
	[bflag:$0x2] =	sbarrier.arrive $0xFFFF  }
0x2ad: {  	p0 =	sne.s32 s0, $0x0;
	s0 =	rddreg [dreg:$0x2]  }
0x2ae: {  	s0 =	sadd.s32 @!p0 $0x100000, s0  }
0x2af: {  	[sflag:s0] =	ssyncadd.tile.s32 @!p0 $0x1;
	_ =	shalt  }
.Lfunc_end2:
_tile_overlayer_lowered:
.L_overlay_start_2:
0x2b0: {  	(tag) =	ssettag $0x2  }
0x2b1: {  	s0 =	rddreg [dreg:$0x0];
	s2 =	stileid.u32  }
0x2b2: {  	s1 =	rddreg [dreg:$0x1];
	p0 =	sne.s32 s2, $0x0  }
0x2b3: {  	s3 =	rddreg [dreg:$0x2];
	[bflag:$0x3] =	sbarrier.arrive $0xFFFF;
	s2 =	simm.s32 @!p0 $0x1C07  }
0x2b4: {  	[timem:s3], [sflag:s2] =	dma.local @!p0 [hbm:s0], s1  }
0x2b5: {  	s0 =	simm.s32 @!p0 $0x7  }
0x2b6: {  	_ =	swait.ge @!p0 [sflag:s0], s1  }
0x2b7: {  	s1 =	ssub.s32 @!p0 $0x0, s1;
	[sflag:s0] =	ssyncset.done @!p0 $0x0  }
0x2b8: {  	[sflag:s0] =	ssyncadd.s32 @!p0 s1  }
0x2b9: {  	[bflag:$0x3] =	sbarrier.arrive $0xFFFF  }
0x2ba: {  	_ =	shalt  }

</sc_bundles>
